<compile_context>
chip_gen: v7x
topology: tpu7x:2x2x1
jax: 0.10.2.dev20260603
libtpu: 0.0.44.dev20260713+nightly
codegen_flags: <defaults>
</compile_context>

<pallas_src>
import functools

import jax
import jax.numpy as jnp
from jax import lax
from jax.experimental import pallas as pl
from jax.experimental.pallas import tpu as pltpu
from jax.experimental.pallas import tpu_sc as plsc

_N = 10000
_D = 128
_E = 320000

_NC = 2
_NS = 16
_NW = _NC * _NS
_K = 128
_CH = 80
_NP = 1
_CHP = _CH // _NP
_EPW = _CH * _K
_EPAD = _NW * _EPW
_NPAD = 10240
_TROWS = _NPAD // _NS

_mesh = plsc.VectorSubcoreMesh(core_axis_name="c", subcore_axis_name="s")


def _zero_vmem_2d(buf, rows, cols):
    zv = jnp.zeros((16,), jnp.float32)

    def _row(i, _):
        def _col(j, _):
            buf[i, pl.ds(j * 16, 16)] = zv
            return 0
        return lax.fori_loop(0, cols // 16, _col, 0)

    lax.fori_loop(0, rows, _row, 0)


def _fill_vmem_1d(buf, n, value):
    vv = jnp.full((16,), value, jnp.float32)

    def _b(i, _):
        buf[pl.ds(i * 16, 16)] = vv
        return 0

    lax.fori_loop(0, n // 16, _b, 0)


@functools.partial(
    pl.kernel,
    out_type=[
        jax.ShapeDtypeStruct((_NC, _NPAD), jnp.float32),
        jax.ShapeDtypeStruct((_NC, _NPAD), jnp.float32),
    ],
    mesh=_mesh,
    scratch_types=[
        pltpu.VMEM((_EPW,), jnp.int32),
        pltpu.VMEM((_EPW,), jnp.int32),
        pltpu.VMEM((_K,), jnp.float32),
        pltpu.VMEM((_K,), jnp.float32),
        pltpu.VMEM_SHARED((_NPAD,), jnp.float32),
        pltpu.VMEM_SHARED((_NPAD,), jnp.float32),
    ],
)
def _deg_kernel(src_hbm, dst_hbm, dout_hbm, din_hbm,
                src_v, dst_v, ones_v, zeros_v, dout_sh, din_sh):
    c = lax.axis_index("c")
    s = lax.axis_index("s")
    wid = c * _NS + s

    pltpu.sync_copy(src_hbm.at[wid, pl.ds(0, _EPW)], src_v)
    pltpu.sync_copy(dst_hbm.at[wid, pl.ds(0, _EPW)], dst_v)

    _fill_vmem_1d(ones_v, _K, 1.0)
    _fill_vmem_1d(zeros_v, _K, 0.0)

    def _zs(t, _):
        off = s * _TROWS + t * _K
        pltpu.sync_copy(zeros_v, dout_sh.at[pl.ds(off, _K)])
        pltpu.sync_copy(zeros_v, din_sh.at[pl.ds(off, _K)])
        return 0

    lax.fori_loop(0, _TROWS // _K, _zs, 0)
    plsc.subcore_barrier()

    def _acc(j, _):
        pltpu.sync_copy(ones_v, dout_sh.at[src_v.at[pl.ds(j * _K, _K)]],
                        add=True)
        pltpu.sync_copy(ones_v, din_sh.at[dst_v.at[pl.ds(j * _K, _K)]],
                        add=True)
        return 0

    lax.fori_loop(0, _EPW // _K, _acc, 0)
    plsc.subcore_barrier()

    off = s * _TROWS
    pltpu.sync_copy(dout_sh.at[pl.ds(off, _TROWS)],
                    dout_hbm.at[c, pl.ds(off, _TROWS)])
    pltpu.sync_copy(din_sh.at[pl.ds(off, _TROWS)],
                    din_hbm.at[c, pl.ds(off, _TROWS)])


_K2 = 40
_NCH = _CHP * _K // _K2
_IDXW = _CHP * _K


@functools.partial(
    pl.kernel,
    out_type=jax.ShapeDtypeStruct((_NC, _NPAD, _D), jnp.float32),
    mesh=_mesh,
    scratch_types=[
        pltpu.VMEM((_IDXW,), jnp.int32),
        pltpu.VMEM((_IDXW,), jnp.int32),
        pltpu.VMEM((_K2, _D), jnp.float32),
        pltpu.VMEM((_K2, _D), jnp.float32),
        pltpu.VMEM((_K2, _D), jnp.float32),
        pltpu.VMEM((_K2, _D), jnp.float32),
        pltpu.VMEM_SHARED((_NPAD, _D), jnp.float32),
        pltpu.SemaphoreType.DMA,
        pltpu.SemaphoreType.DMA,
        pltpu.SemaphoreType.DMA,
        pltpu.SemaphoreType.DMA,
        pltpu.SemaphoreType.DMA,
        pltpu.SemaphoreType.DMA,
        pltpu.SemaphoreType.DMA,
        pltpu.SemaphoreType.DMA,
    ],
)
def _agg_kernel(y_hbm, src_hbm, dst_hbm, out_hbm,
                src_v, dst_v, r0, r1, r2, r3, agg_sh,
                g0, g1, g2, g3, s0, s1, s2, s3):
    c = lax.axis_index("c")
    s = lax.axis_index("s")
    wid = c * _NS + s
    rows = [r0, r1, r2, r3]
    gsem = [g0, g1, g2, g3]
    ssem = [s0, s1, s2, s3]

    def _sidx(j):
        return src_v.at[pl.ds(j * _K2, _K2)]

    def _didx(j):
        return dst_v.at[pl.ds(j * _K2, _K2)]

    def _gather(j, b):
        pltpu.async_copy(y_hbm.at[_sidx(j)], rows[b], gsem[b])

    def _gwait(j, b):
        pltpu.make_async_copy(y_hbm.at[_sidx(j)], rows[b], gsem[b]).wait()

    def _scat(j, b):
        pltpu.async_copy(rows[b], agg_sh.at[_didx(j)], ssem[b], add=True)

    def _swait(j, b):
        pltpu.make_async_copy(rows[b], agg_sh.at[_didx(j)], ssem[b]).wait()

    _zero_vmem_2d(r0, _K2, _D)

    def _zs(t, _):
        pltpu.sync_copy(r0, agg_sh.at[pl.ds(s * _TROWS + t * _K2, _K2)])
        return 0

    lax.fori_loop(0, _TROWS // _K2, _zs, 0)
    plsc.subcore_barrier()

    def _pass(p, _):
        pltpu.sync_copy(src_hbm.at[wid, pl.ds(p * _IDXW, _IDXW)], src_v)
        pltpu.sync_copy(dst_hbm.at[wid, pl.ds(p * _IDXW, _IDXW)], dst_v)

        _gather(0, 0)
        _gather(1, 1)
        _gather(2, 2)
        _gwait(0, 0)
        _scat(0, 0)
        _gather(3, 3)
        _gwait(1, 1)
        _scat(1, 1)

        def _step(g, _):
            for i in range(4):
                j = 2 + 4 * g + i
                bn = i
                b = (2 + i) % 4
                _swait(j - 2, bn)
                _gather(j + 2, bn)
                _gwait(j, b)
                _scat(j, b)
            return 0

        lax.fori_loop(0, (_NCH - 4) // 4, _step, 0)

        _gwait(_NCH - 2, (_NCH - 2) % 4)
        _scat(_NCH - 2, (_NCH - 2) % 4)
        _gwait(_NCH - 1, (_NCH - 1) % 4)
        _scat(_NCH - 1, (_NCH - 1) % 4)
        _swait(_NCH - 4, 0)
        _swait(_NCH - 3, 1)
        _swait(_NCH - 2, 2)
        _swait(_NCH - 1, 3)
        return 0

    lax.fori_loop(0, _NP, _pass, 0)

    plsc.subcore_barrier()
    pltpu.sync_copy(agg_sh.at[pl.ds(s * _TROWS, _TROWS)],
                    out_hbm.at[c, pl.ds(s * _TROWS, _TROWS)])


def _xw_body(x_ref, w_ref, y_ref):
    y_ref[...] = jnp.dot(x_ref[...], w_ref[...],
                         preferred_element_type=jnp.float32)


_xw = pl.pallas_call(
    _xw_body,
    out_shape=jax.ShapeDtypeStruct((_N, _D), jnp.float32),
)


def _norms_body(dout_ref, din_ref, xw_ref, y_ref, ns_ref, nd_ref):
    dout = dout_ref[0] + dout_ref[1]
    din = din_ref[0] + din_ref[1]
    ns = jnp.where(dout > 0, lax.rsqrt(jnp.maximum(dout, 1e-12)), 0.0)
    nd = jnp.where(din > 0, lax.rsqrt(jnp.maximum(din, 1e-12)), 0.0)
    ns_ref[...] = ns
    nd_ref[...] = nd
    y_ref[0:_N, :] = xw_ref[...] * ns[0:_N]
    y_ref[_N:_NPAD, :] = jnp.zeros((_NPAD - _N, _D), jnp.float32)


_norms = pl.pallas_call(
    _norms_body,
    out_shape=[
        jax.ShapeDtypeStruct((_NPAD, _D), jnp.float32),
        jax.ShapeDtypeStruct((_NPAD, 1), jnp.float32),
        jax.ShapeDtypeStruct((_NPAD, 1), jnp.float32),
    ],
)


def _layer_body(z_ref, nd_ref, b_ref, w_ref, ns_ref, y_ref):
    agg = (z_ref[0] + z_ref[1]) * nd_ref[...]
    h = jnp.maximum(agg + b_ref[...], 0.0)
    y_ref[...] = jnp.dot(h, w_ref[...],
                         preferred_element_type=jnp.float32) * ns_ref[...]


_layer = pl.pallas_call(
    _layer_body,
    out_shape=jax.ShapeDtypeStruct((_NPAD, _D), jnp.float32),
)


def _final_body(z_ref, nd_ref, b_ref, r1w_ref, r1b_ref, r2w_ref, r2b_ref,
                r_ref, h_ref):
    agg = (z_ref[0, 0:_N] + z_ref[1, 0:_N]) * nd_ref[0:_N]
    h = jnp.maximum(agg + b_ref[...], 0.0)
    h_ref[...] = h
    hg = jnp.sum(h, axis=0, keepdims=True) * (1.0 / _N)
    t = jnp.maximum(
        jnp.dot(hg, r1w_ref[...], preferred_element_type=jnp.float32)
        + r1b_ref[...], 0.0)
    r_ref[...] = (jnp.dot(t, r2w_ref[...], preferred_element_type=jnp.float32)
                  + r2b_ref[...])


_final = pl.pallas_call(
    _final_body,
    out_shape=[
        jax.ShapeDtypeStruct((1, _D), jnp.float32),
        jax.ShapeDtypeStruct((_N, _D), jnp.float32),
    ],
)


def kernel(x, edge_index, W0, b0, W1, b1, R1_w, R1_b, R2_w, R2_b):
    src = edge_index[0]
    dst = edge_index[1]
    padlen = _EPAD - _E
    fill = (_N + (jnp.arange(padlen, dtype=jnp.int32) % (_NPAD - _N)))
    src2 = jnp.concatenate([src, fill]).reshape(_NW, _EPW)
    dst2 = jnp.concatenate([dst, fill]).reshape(_NW, _EPW)

    xw = _xw(x, W0)
    dout, din = _deg_kernel(src2, dst2)
    y0, ns, nd = _norms(dout.reshape(_NC, _NPAD, 1),
                        din.reshape(_NC, _NPAD, 1), xw)
    z0 = _agg_kernel(y0, src2, dst2)
    y1 = _layer(z0, nd, b0.reshape(1, _D), W1, ns)
    z1 = _agg_kernel(y1, src2, dst2)
    r, h = _final(z1, nd, b1.reshape(1, _D), R1_w, R1_b.reshape(1, _D),
                  R2_w, R2_b.reshape(1, _D))
    return (r, h)

# --- scband reference (transcript-rebuilt; emitter-appended) ---
"""Pipeline reference for scband-gcn-84413287236342 (READ-ONLY COPY).

The authoritative reference and input builder live on the scoring server;
editing this copy changes nothing except your own understanding.
"""

import jax, jax.numpy as jnp
import numpy as np

N = 10000
E = 320000
D = 128


def setup_inputs(seed: int = 0) -> dict:
    key = jax.random.key(seed)
    ks = jax.random.split(key, 12)
    x = jax.random.normal(ks[0], (N, D), dtype=jnp.float32)
    edge_index = jax.random.randint(ks[1], (2, E), 0, N, dtype=jnp.int32)
    s = 1.0 / np.sqrt(D)
    W0 = jax.random.normal(ks[2], (D, D), dtype=jnp.float32) * s
    b0 = jnp.zeros((D,), dtype=jnp.float32)
    W1 = jax.random.normal(ks[3], (D, D), dtype=jnp.float32) * s
    b1 = jnp.zeros((D,), dtype=jnp.float32)
    R1_w = jax.random.normal(ks[4], (D, D), dtype=jnp.float32) * s
    R1_b = jnp.zeros((D,), dtype=jnp.float32)
    R2_w = jax.random.normal(ks[5], (D, D), dtype=jnp.float32) * s
    R2_b = jnp.zeros((D,), dtype=jnp.float32)
    return {"x": x, "edge_index": edge_index, "W0": W0, "b0": b0, "W1": W1,
            "b1": b1, "R1_w": R1_w, "R1_b": R1_b, "R2_w": R2_w, "R2_b": R2_b}


def reference(x, edge_index, W0, b0, W1, b1, R1_w, R1_b, R2_w, R2_b):
    # GCN with DGL-style GraphConv (norm='both'), eval mode (dropout = identity).
    src = edge_index[0]
    dst = edge_index[1]
    ones_e = jnp.ones((E,), dtype=jnp.float32)
    deg_out = jax.ops.segment_sum(ones_e, src, num_segments=N)
    deg_in = jax.ops.segment_sum(ones_e, dst, num_segments=N)
    norm_src = jnp.where(deg_out > 0, jax.lax.rsqrt(jnp.maximum(deg_out, 1e-12)), 0.0)
    norm_dst = jnp.where(deg_in > 0, jax.lax.rsqrt(jnp.maximum(deg_in, 1e-12)), 0.0)

    def gcn_layer(h, W, b):
        h = h * norm_src[:, None]
        msg = jnp.take(h, src, axis=0)
        agg = jax.ops.segment_sum(msg, dst, num_segments=N)
        agg = agg * norm_dst[:, None]
        return agg @ W + b

    h = jax.nn.relu(gcn_layer(x, W0, b0))
    h = jax.nn.relu(gcn_layer(h, W1, b1))
    # dgl.mean_nodes over a single graph -> [1, D]
    hg = jnp.mean(h, axis=0, keepdims=True)
    r = jax.nn.relu(hg @ R1_w + R1_b) @ R2_w + R2_b
    return (r, h)

if __name__ == "__main__":
    import jax
    _d = setup_inputs()
    print(jax.jit(kernel)(*tuple(_d.values())))

</pallas_src>

<mosaic_0001>
#map = affine_map<(d0, d1) -> (0, 0)>
#map1 = affine_map<(d0, d1) -> (0, 0, 0)>
module attributes {stable_mosaic.version = 14 : i64} {
  func.func @_agg_kernel(%arg0: i32, %arg1: i32, %arg2: memref<10240x128xf32, #tpu.memory_space<hbm>>, %arg3: memref<32x10240xi32, #tpu.memory_space<hbm>>, %arg4: memref<32x10240xi32, #tpu.memory_space<hbm>>, %arg5: memref<2x10240x128xf32, #tpu.memory_space<hbm>>, %arg6: memref<10240xi32, #tpu.memory_space<vmem>>, %arg7: memref<10240xi32, #tpu.memory_space<vmem>>, %arg8: memref<40x128xf32, #tpu.memory_space<vmem>>, %arg9: memref<40x128xf32, #tpu.memory_space<vmem>>, %arg10: memref<40x128xf32, #tpu.memory_space<vmem>>, %arg11: memref<40x128xf32, #tpu.memory_space<vmem>>, %arg12: memref<10240x128xf32, #tpu.memory_space<vmem_shared>>, %arg13: memref<!tpu.dma_semaphore, #tpu.memory_space<semaphore_mem>>, %arg14: memref<!tpu.dma_semaphore, #tpu.memory_space<semaphore_mem>>, %arg15: memref<!tpu.dma_semaphore, #tpu.memory_space<semaphore_mem>>, %arg16: memref<!tpu.dma_semaphore, #tpu.memory_space<semaphore_mem>>, %arg17: memref<!tpu.dma_semaphore, #tpu.memory_space<semaphore_mem>>, %arg18: memref<!tpu.dma_semaphore, #tpu.memory_space<semaphore_mem>>, %arg19: memref<!tpu.dma_semaphore, #tpu.memory_space<semaphore_mem>>, %arg20: memref<!tpu.dma_semaphore, #tpu.memory_space<semaphore_mem>>) attributes {dimension_semantics = [#tpu.dimension_semantics<core_parallel>, #tpu.dimension_semantics<subcore_parallel>], iteration_bounds = array<i64: 2, 16>, scalar_prefetch = 0 : i64, scratch_operands = 15 : i64, tpu.core_type = #tpu.core_type<sc_vector_subcore>, window_params = [{transform_indices = #map}, {transform_indices = #map}, {transform_indices = #map}, {transform_indices = #map1}]} {
    %mul3A = arith.constant 16 : i32
    %mul3A_0 = arith.muli %arg0, %mul3A : i32
    %add3A = arith.addi %mul3A_0, %arg1 : i32
    %broadcast_in_dim3A = arith.constant 0.000000e+00 : f32
    %broadcast_in_dim3A_1 = vector.broadcast %broadcast_in_dim3A : f32 to vector<16xf32>
    %scan3A = arith.constant 0 : i32
    %scan3A_2 = arith.constant 0 : i32
    %scan3A_3 = arith.constant 40 : i32
    %scan3A_4 = arith.addi %scan3A_2, %scan3A_3 : i32
    %scan3A_5 = arith.constant 1 : i32
    %scan3A_6 = scf.for %scan3A_113 = %scan3A_2 to %scan3A_4 step %scan3A_5 iter_args(%scan3A_114 = %scan3A) -> (i32)  : i32 {
      %scan3A_115 = arith.constant 0 : i32
      %scan3A_116 = arith.constant 0 : i32
      %scan3A_117 = arith.constant 8 : i32
      %scan3A_118 = arith.addi %scan3A_116, %scan3A_117 : i32
      %scan3A_119 = arith.constant 1 : i32
      %scan3A_120 = scf.for %scan3A_122 = %scan3A_116 to %scan3A_118 step %scan3A_119 iter_args(%scan3A_123 = %scan3A_115) -> (i32)  : i32 {
        %mul3A_124 = arith.constant 16 : i32
        %mul3A_125 = arith.muli %scan3A_122, %mul3A_124 : i32
        %swap3A = arith.index_cast %scan3A_113 : i32 to index
        %swap3A_126 = arith.index_cast %mul3A_125 : i32 to index
        %swap3A_127 = tpu.vector_load %arg8[%swap3A, %swap3A_126] {strides = array<i32>} : memref<40x128xf32, #tpu.memory_space<vmem>>, vector<1x16xf32>,
        %swap3A_128 = vector.shape_cast %swap3A_127 : vector<1x16xf32> to vector<16xf32>
        %swap3A_129 = vector.shape_cast %broadcast_in_dim3A_1 : vector<16xf32> to vector<1x16xf32>
        tpu.vector_store %arg8[%swap3A, %swap3A_126], %swap3A_129 {strides = array<i32>} : memref<40x128xf32, #tpu.memory_space<vmem>>, vector<1x16xf32>,
        %scan3A_130 = arith.constant 0 : i32
        scf.yield %scan3A_130 : i32
      }
      %scan3A_121 = arith.constant 8 : i32
      scf.yield %scan3A_120 : i32
    }
    %scan3A_7 = arith.constant 40 : i32
    %scan3A_8 = arith.constant 0 : i32
    %scan3A_9 = arith.constant 0 : i32
    %scan3A_10 = arith.constant 16 : i32
    %scan3A_11 = arith.addi %scan3A_9, %scan3A_10 : i32
    %scan3A_12 = arith.constant 1 : i32
    %scan3A_13 = scf.for %scan3A_113 = %scan3A_9 to %scan3A_11 step %scan3A_12 iter_args(%scan3A_114 = %scan3A_8) -> (i32)  : i32 {
      %mul3A_115 = arith.constant 640 : i32
      %mul3A_116 = arith.muli %arg1, %mul3A_115 : i32
      %mul3A_117 = arith.constant 40 : i32
      %mul3A_118 = arith.muli %scan3A_113, %mul3A_117 : i32
      %add3A_119 = arith.addi %mul3A_116, %mul3A_118 : i32
      "tpu.region"() ({
        %run_scoped3A = tpu.sem_alloc : memref<!tpu.dma_semaphore, #tpu.memory_space<semaphore_mem>>
        %dma_start3A_121 = arith.constant 0 : i32
        %dma_start3A_122 = tpu.memref_slice %arg12[%add3A_119, %dma_start3A_121] : memref<10240x128xf32, #tpu.memory_space<vmem_shared>> -> memref<40x128xf32, #tpu.memory_space<vmem_shared>>
        %dma_start3A_123 = arith.constant 0 : i32
        %dma_start3A_124 = tpu.memref_slice %arg12[%add3A_119, %dma_start3A_123] : memref<10240x128xf32, #tpu.memory_space<vmem_shared>> -> memref<40x128xf32, #tpu.memory_space<vmem_shared>>
        tpu.enqueue_dma source(%arg8 : memref<40x128xf32, #tpu.memory_space<vmem>>) target(%dma_start3A_124 : memref<40x128xf32, #tpu.memory_space<vmem_shared>>) target_semaphore(%run_scoped3A : memref<!tpu.dma_semaphore, #tpu.memory_space<semaphore_mem>>)
        %dma_wait3A_125 = arith.constant 0 : i32
        %dma_wait3A_126 = tpu.memref_slice %arg12[%add3A_119, %dma_wait3A_125] : memref<10240x128xf32, #tpu.memory_space<vmem_shared>> -> memref<40x128xf32, #tpu.memory_space<vmem_shared>>
        %dma_wait3A_127 = arith.constant 0 : i32
        %dma_wait3A_128 = tpu.memref_slice %arg12[%add3A_119, %dma_wait3A_127] : memref<10240x128xf32, #tpu.memory_space<vmem_shared>> -> memref<40x128xf32, #tpu.memory_space<vmem_shared>>
        tpu.wait_dma2 semaphore(%run_scoped3A : memref<!tpu.dma_semaphore, #tpu.memory_space<semaphore_mem>>) src(%arg8 : memref<40x128xf32, #tpu.memory_space<vmem>>) dst(%dma_wait3A_128 : memref<40x128xf32, #tpu.memory_space<vmem_shared>>)
        tpu.yield
      }) : () -> ()
      %scan3A_120 = arith.constant 0 : i32
      scf.yield %scan3A_120 : i32
    }
    %scan3A_14 = arith.constant 16 : i32
    %barrier3A = arith.constant 0 : index
    tpu.barrier barrier_id(%barrier3A)
    %scan3A_15 = arith.constant 0 : i32
    %scan3A_16 = arith.constant 0 : i32
    %mul3A_17 = arith.constant 10240 : i32
    %mul3A_18 = arith.muli %scan3A_16, %mul3A_17 : i32
    "tpu.region"() ({
      %run_scoped3A = tpu.sem_alloc : memref<!tpu.dma_semaphore, #tpu.memory_space<semaphore_mem>>
      %dma_start3A_113 = tpu.memref_slice %arg3[%add3A, %mul3A_18] : memref<32x10240xi32, #tpu.memory_space<hbm>> -> memref<1x10240xi32, #tpu.memory_space<hbm>>
      %dma_start3A_114 = tpu.memref_squeeze %dma_start3A_113 : memref<1x10240xi32, #tpu.memory_space<hbm>> -> memref<10240xi32, #tpu.memory_space<hbm>>
      %dma_start3A_115 = tpu.memref_slice %arg3[%add3A, %mul3A_18] : memref<32x10240xi32, #tpu.memory_space<hbm>> -> memref<1x10240xi32, #tpu.memory_space<hbm>>
      %dma_start3A_116 = tpu.memref_squeeze %dma_start3A_115 : memref<1x10240xi32, #tpu.memory_space<hbm>> -> memref<10240xi32, #tpu.memory_space<hbm>>
      tpu.enqueue_dma source(%dma_start3A_116 : memref<10240xi32, #tpu.memory_space<hbm>>) target(%arg6 : memref<10240xi32, #tpu.memory_space<vmem>>) target_semaphore(%run_scoped3A : memref<!tpu.dma_semaphore, #tpu.memory_space<semaphore_mem>>)
      %dma_wait3A_117 = tpu.memref_slice %arg3[%add3A, %mul3A_18] : memref<32x10240xi32, #tpu.memory_space<hbm>> -> memref<1x10240xi32, #tpu.memory_space<hbm>>
      %dma_wait3A_118 = tpu.memref_squeeze %dma_wait3A_117 : memref<1x10240xi32, #tpu.memory_space<hbm>> -> memref<10240xi32, #tpu.memory_space<hbm>>
      %dma_wait3A_119 = tpu.memref_slice %arg3[%add3A, %mul3A_18] : memref<32x10240xi32, #tpu.memory_space<hbm>> -> memref<1x10240xi32, #tpu.memory_space<hbm>>
      %dma_wait3A_120 = tpu.memref_squeeze %dma_wait3A_119 : memref<1x10240xi32, #tpu.memory_space<hbm>> -> memref<10240xi32, #tpu.memory_space<hbm>>
      tpu.wait_dma2 semaphore(%run_scoped3A : memref<!tpu.dma_semaphore, #tpu.memory_space<semaphore_mem>>) src(%dma_wait3A_120 : memref<10240xi32, #tpu.memory_space<hbm>>) dst(%arg6 : memref<10240xi32, #tpu.memory_space<vmem>>)
      tpu.yield
    }) : () -> ()
    %mul3A_19 = arith.constant 10240 : i32
    %mul3A_20 = arith.muli %scan3A_16, %mul3A_19 : i32
    "tpu.region"() ({
      %run_scoped3A = tpu.sem_alloc : memref<!tpu.dma_semaphore, #tpu.memory_space<semaphore_mem>>
      %dma_start3A_113 = tpu.memref_slice %arg4[%add3A, %mul3A_20] : memref<32x10240xi32, #tpu.memory_space<hbm>> -> memref<1x10240xi32, #tpu.memory_space<hbm>>
      %dma_start3A_114 = tpu.memref_squeeze %dma_start3A_113 : memref<1x10240xi32, #tpu.memory_space<hbm>> -> memref<10240xi32, #tpu.memory_space<hbm>>
      %dma_start3A_115 = tpu.memref_slice %arg4[%add3A, %mul3A_20] : memref<32x10240xi32, #tpu.memory_space<hbm>> -> memref<1x10240xi32, #tpu.memory_space<hbm>>
      %dma_start3A_116 = tpu.memref_squeeze %dma_start3A_115 : memref<1x10240xi32, #tpu.memory_space<hbm>> -> memref<10240xi32, #tpu.memory_space<hbm>>
      tpu.enqueue_dma source(%dma_start3A_116 : memref<10240xi32, #tpu.memory_space<hbm>>) target(%arg7 : memref<10240xi32, #tpu.memory_space<vmem>>) target_semaphore(%run_scoped3A : memref<!tpu.dma_semaphore, #tpu.memory_space<semaphore_mem>>)
      %dma_wait3A_117 = tpu.memref_slice %arg4[%add3A, %mul3A_20] : memref<32x10240xi32, #tpu.memory_space<hbm>> -> memref<1x10240xi32, #tpu.memory_space<hbm>>
      %dma_wait3A_118 = tpu.memref_squeeze %dma_wait3A_117 : memref<1x10240xi32, #tpu.memory_space<hbm>> -> memref<10240xi32, #tpu.memory_space<hbm>>
      %dma_wait3A_119 = tpu.memref_slice %arg4[%add3A, %mul3A_20] : memref<32x10240xi32, #tpu.memory_space<hbm>> -> memref<1x10240xi32, #tpu.memory_space<hbm>>
      %dma_wait3A_120 = tpu.memref_squeeze %dma_wait3A_119 : memref<1x10240xi32, #tpu.memory_space<hbm>> -> memref<10240xi32, #tpu.memory_space<hbm>>
      tpu.wait_dma2 semaphore(%run_scoped3A : memref<!tpu.dma_semaphore, #tpu.memory_space<semaphore_mem>>) src(%dma_wait3A_120 : memref<10240xi32, #tpu.memory_space<hbm>>) dst(%arg7 : memref<10240xi32, #tpu.memory_space<vmem>>)
      tpu.yield
    }) : () -> ()
    %dma_start3A = arith.constant 0 : i32
    %dma_start3A_21 = tpu.memref_slice %arg6[%dma_start3A] : memref<10240xi32, #tpu.memory_space<vmem>> -> memref<40xi32, #tpu.memory_space<vmem>>
    %dma_start3A_22 = arith.constant 0 : i32
    %dma_start3A_23 = arith.constant 0 : i32
    %dma_start3A_24 = tpu.memref_slice %arg2[%dma_start3A_22, %dma_start3A_23] : memref<10240x128xf32, #tpu.memory_space<hbm>> -> memref<10240x128xf32, #tpu.memory_space<hbm>>
    tpu.enqueue_indirect_dma source(%dma_start3A_24 : memref<10240x128xf32, #tpu.memory_space<hbm>>) target(%arg8 : memref<40x128xf32, #tpu.memory_space<vmem>>) offsets(%dma_start3A_21 : memref<40xi32, #tpu.memory_space<vmem>>) semaphore(%arg13 : memref<!tpu.dma_semaphore, #tpu.memory_space<semaphore_mem>>)
    %dma_start3A_25 = arith.constant 40 : i32
    %dma_start3A_26 = tpu.memref_slice %arg6[%dma_start3A_25] : memref<10240xi32, #tpu.memory_space<vmem>> -> memref<40xi32, #tpu.memory_space<vmem>>
    %dma_start3A_27 = arith.constant 0 : i32
    %dma_start3A_28 = arith.constant 0 : i32
    %dma_start3A_29 = tpu.memref_slice %arg2[%dma_start3A_27, %dma_start3A_28] : memref<10240x128xf32, #tpu.memory_space<hbm>> -> memref<10240x128xf32, #tpu.memory_space<hbm>>
    tpu.enqueue_indirect_dma source(%dma_start3A_29 : memref<10240x128xf32, #tpu.memory_space<hbm>>) target(%arg9 : memref<40x128xf32, #tpu.memory_space<vmem>>) offsets(%dma_start3A_26 : memref<40xi32, #tpu.memory_space<vmem>>) semaphore(%arg14 : memref<!tpu.dma_semaphore, #tpu.memory_space<semaphore_mem>>)
    %dma_start3A_30 = arith.constant 80 : i32
    %dma_start3A_31 = tpu.memref_slice %arg6[%dma_start3A_30] : memref<10240xi32, #tpu.memory_space<vmem>> -> memref<40xi32, #tpu.memory_space<vmem>>
    %dma_start3A_32 = arith.constant 0 : i32
    %dma_start3A_33 = arith.constant 0 : i32
    %dma_start3A_34 = tpu.memref_slice %arg2[%dma_start3A_32, %dma_start3A_33] : memref<10240x128xf32, #tpu.memory_space<hbm>> -> memref<10240x128xf32, #tpu.memory_space<hbm>>
    tpu.enqueue_indirect_dma source(%dma_start3A_34 : memref<10240x128xf32, #tpu.memory_space<hbm>>) target(%arg10 : memref<40x128xf32, #tpu.memory_space<vmem>>) offsets(%dma_start3A_31 : memref<40xi32, #tpu.memory_space<vmem>>) semaphore(%arg15 : memref<!tpu.dma_semaphore, #tpu.memory_space<semaphore_mem>>)
    %dma_wait3A = arith.constant 0 : i32
    %dma_wait3A_35 = tpu.memref_slice %arg6[%dma_wait3A] : memref<10240xi32, #tpu.memory_space<vmem>> -> memref<40xi32, #tpu.memory_space<vmem>>
    %dma_wait3A_36 = arith.constant 0 : i32
    %dma_wait3A_37 = arith.constant 0 : i32
    %dma_wait3A_38 = tpu.memref_slice %arg2[%dma_wait3A_36, %dma_wait3A_37] : memref<10240x128xf32, #tpu.memory_space<hbm>> -> memref<10240x128xf32, #tpu.memory_space<hbm>>
    tpu.wait_indirect_dma semaphore(%arg13 : memref<!tpu.dma_semaphore, #tpu.memory_space<semaphore_mem>>) src(%dma_wait3A_38 : memref<10240x128xf32, #tpu.memory_space<hbm>>) dst(%arg8 : memref<40x128xf32, #tpu.memory_space<vmem>>)
    %dma_start3A_39 = arith.constant 0 : i32
    %dma_start3A_40 = tpu.memref_slice %arg7[%dma_start3A_39] : memref<10240xi32, #tpu.memory_space<vmem>> -> memref<40xi32, #tpu.memory_space<vmem>>
    %dma_start3A_41 = arith.constant 0 : i32
    %dma_start3A_42 = arith.constant 0 : i32
    %dma_start3A_43 = tpu.memref_slice %arg12[%dma_start3A_41, %dma_start3A_42] : memref<10240x128xf32, #tpu.memory_space<vmem_shared>> -> memref<10240x128xf32, #tpu.memory_space<vmem_shared>>
    tpu.enqueue_indirect_dma source(%arg8 : memref<40x128xf32, #tpu.memory_space<vmem>>) target(%dma_start3A_43 : memref<10240x128xf32, #tpu.memory_space<vmem_shared>>) offsets(%dma_start3A_40 : memref<40xi32, #tpu.memory_space<vmem>>) semaphore(%arg17 : memref<!tpu.dma_semaphore, #tpu.memory_space<semaphore_mem>>) {add = true}
    %dma_start3A_44 = arith.constant 120 : i32
    %dma_start3A_45 = tpu.memref_slice %arg6[%dma_start3A_44] : memref<10240xi32, #tpu.memory_space<vmem>> -> memref<40xi32, #tpu.memory_space<vmem>>
    %dma_start3A_46 = arith.constant 0 : i32
    %dma_start3A_47 = arith.constant 0 : i32
    %dma_start3A_48 = tpu.memref_slice %arg2[%dma_start3A_46, %dma_start3A_47] : memref<10240x128xf32, #tpu.memory_space<hbm>> -> memref<10240x128xf32, #tpu.memory_space<hbm>>
    tpu.enqueue_indirect_dma source(%dma_start3A_48 : memref<10240x128xf32, #tpu.memory_space<hbm>>) target(%arg11 : memref<40x128xf32, #tpu.memory_space<vmem>>) offsets(%dma_start3A_45 : memref<40xi32, #tpu.memory_space<vmem>>) semaphore(%arg16 : memref<!tpu.dma_semaphore, #tpu.memory_space<semaphore_mem>>)
    %dma_wait3A_49 = arith.constant 40 : i32
    %dma_wait3A_50 = tpu.memref_slice %arg6[%dma_wait3A_49] : memref<10240xi32, #tpu.memory_space<vmem>> -> memref<40xi32, #tpu.memory_space<vmem>>
    %dma_wait3A_51 = arith.constant 0 : i32
    %dma_wait3A_52 = arith.constant 0 : i32
    %dma_wait3A_53 = tpu.memref_slice %arg2[%dma_wait3A_51, %dma_wait3A_52] : memref<10240x128xf32, #tpu.memory_space<hbm>> -> memref<10240x128xf32, #tpu.memory_space<hbm>>
    tpu.wait_indirect_dma semaphore(%arg14 : memref<!tpu.dma_semaphore, #tpu.memory_space<semaphore_mem>>) src(%dma_wait3A_53 : memref<10240x128xf32, #tpu.memory_space<hbm>>) dst(%arg9 : memref<40x128xf32, #tpu.memory_space<vmem>>)
    %dma_start3A_54 = arith.constant 40 : i32
    %dma_start3A_55 = tpu.memref_slice %arg7[%dma_start3A_54] : memref<10240xi32, #tpu.memory_space<vmem>> -> memref<40xi32, #tpu.memory_space<vmem>>
    %dma_start3A_56 = arith.constant 0 : i32
    %dma_start3A_57 = arith.constant 0 : i32
    %dma_start3A_58 = tpu.memref_slice %arg12[%dma_start3A_56, %dma_start3A_57] : memref<10240x128xf32, #tpu.memory_space<vmem_shared>> -> memref<10240x128xf32, #tpu.memory_space<vmem_shared>>
    tpu.enqueue_indirect_dma source(%arg9 : memref<40x128xf32, #tpu.memory_space<vmem>>) target(%dma_start3A_58 : memref<10240x128xf32, #tpu.memory_space<vmem_shared>>) offsets(%dma_start3A_55 : memref<40xi32, #tpu.memory_space<vmem>>) semaphore(%arg18 : memref<!tpu.dma_semaphore, #tpu.memory_space<semaphore_mem>>) {add = true}
    %scan3A_59 = arith.constant 0 : i32
    %scan3A_60 = arith.constant 0 : i32
    %scan3A_61 = arith.constant 63 : i32
    %scan3A_62 = arith.addi %scan3A_60, %scan3A_61 : i32
    %scan3A_63 = arith.constant 1 : i32
    %scan3A_64 = scf.for %scan3A_113 = %scan3A_60 to %scan3A_62 step %scan3A_63 iter_args(%scan3A_114 = %scan3A_59) -> (i32)  : i32 {
      %mul3A_115 = arith.constant 4 : i32
      %mul3A_116 = arith.muli %mul3A_115, %scan3A_113 : i32
      %add3A_117 = arith.constant 2 : i32
      %add3A_118 = arith.addi %add3A_117, %mul3A_116 : i32
      %add3A_119 = arith.constant 0 : i32
      %add3A_120 = arith.addi %add3A_118, %add3A_119 : i32
      %sub3A = arith.constant 2 : i32
      %sub3A_121 = arith.subi %add3A_120, %sub3A : i32
      %mul3A_122 = arith.constant 40 : i32
      %mul3A_123 = arith.muli %sub3A_121, %mul3A_122 : i32
      %dma_wait3A_124 = tpu.memref_slice %arg7[%mul3A_123] : memref<10240xi32, #tpu.memory_space<vmem>> -> memref<40xi32, #tpu.memory_space<vmem>>
      %dma_wait3A_125 = arith.constant 0 : i32
      %dma_wait3A_126 = arith.constant 0 : i32
      %dma_wait3A_127 = tpu.memref_slice %arg12[%dma_wait3A_125, %dma_wait3A_126] : memref<10240x128xf32, #tpu.memory_space<vmem_shared>> -> memref<10240x128xf32, #tpu.memory_space<vmem_shared>>
      tpu.wait_indirect_dma semaphore(%arg17 : memref<!tpu.dma_semaphore, #tpu.memory_space<semaphore_mem>>) src(%arg8 : memref<40x128xf32, #tpu.memory_space<vmem>>) dst(%dma_wait3A_127 : memref<10240x128xf32, #tpu.memory_space<vmem_shared>>)
      %add3A_128 = arith.constant 2 : i32
      %add3A_129 = arith.addi %add3A_120, %add3A_128 : i32
      %mul3A_130 = arith.constant 40 : i32
      %mul3A_131 = arith.muli %add3A_129, %mul3A_130 : i32
      %dma_start3A_132 = tpu.memref_slice %arg6[%mul3A_131] : memref<10240xi32, #tpu.memory_space<vmem>> -> memref<40xi32, #tpu.memory_space<vmem>>
      %dma_start3A_133 = arith.constant 0 : i32
      %dma_start3A_134 = arith.constant 0 : i32
      %dma_start3A_135 = tpu.memref_slice %arg2[%dma_start3A_133, %dma_start3A_134] : memref<10240x128xf32, #tpu.memory_space<hbm>> -> memref<10240x128xf32, #tpu.memory_space<hbm>>
      tpu.enqueue_indirect_dma source(%dma_start3A_135 : memref<10240x128xf32, #tpu.memory_space<hbm>>) target(%arg8 : memref<40x128xf32, #tpu.memory_space<vmem>>) offsets(%dma_start3A_132 : memref<40xi32, #tpu.memory_space<vmem>>) semaphore(%arg13 : memref<!tpu.dma_semaphore, #tpu.memory_space<semaphore_mem>>)
      %mul3A_136 = arith.constant 40 : i32
      %mul3A_137 = arith.muli %add3A_120, %mul3A_136 : i32
      %dma_wait3A_138 = tpu.memref_slice %arg6[%mul3A_137] : memref<10240xi32, #tpu.memory_space<vmem>> -> memref<40xi32, #tpu.memory_space<vmem>>
      %dma_wait3A_139 = arith.constant 0 : i32
      %dma_wait3A_140 = arith.constant 0 : i32
      %dma_wait3A_141 = tpu.memref_slice %arg2[%dma_wait3A_139, %dma_wait3A_140] : memref<10240x128xf32, #tpu.memory_space<hbm>> -> memref<10240x128xf32, #tpu.memory_space<hbm>>
      tpu.wait_indirect_dma semaphore(%arg15 : memref<!tpu.dma_semaphore, #tpu.memory_space<semaphore_mem>>) src(%dma_wait3A_141 : memref<10240x128xf32, #tpu.memory_space<hbm>>) dst(%arg10 : memref<40x128xf32, #tpu.memory_space<vmem>>)
      %mul3A_142 = arith.constant 40 : i32
      %mul3A_143 = arith.muli %add3A_120, %mul3A_142 : i32
      %dma_start3A_144 = tpu.memref_slice %arg7[%mul3A_143] : memref<10240xi32, #tpu.memory_space<vmem>> -> memref<40xi32, #tpu.memory_space<vmem>>
      %dma_start3A_145 = arith.constant 0 : i32
      %dma_start3A_146 = arith.constant 0 : i32
      %dma_start3A_147 = tpu.memref_slice %arg12[%dma_start3A_145, %dma_start3A_146] : memref<10240x128xf32, #tpu.memory_space<vmem_shared>> -> memref<10240x128xf32, #tpu.memory_space<vmem_shared>>
      tpu.enqueue_indirect_dma source(%arg10 : memref<40x128xf32, #tpu.memory_space<vmem>>) target(%dma_start3A_147 : memref<10240x128xf32, #tpu.memory_space<vmem_shared>>) offsets(%dma_start3A_144 : memref<40xi32, #tpu.memory_space<vmem>>) semaphore(%arg19 : memref<!tpu.dma_semaphore, #tpu.memory_space<semaphore_mem>>) {add = true}
      %mul3A_148 = arith.constant 4 : i32
      %mul3A_149 = arith.muli %mul3A_148, %scan3A_113 : i32
      %add3A_150 = arith.constant 2 : i32
      %add3A_151 = arith.addi %add3A_150, %mul3A_149 : i32
      %add3A_152 = arith.constant 1 : i32
      %add3A_153 = arith.addi %add3A_151, %add3A_152 : i32
      %sub3A_154 = arith.constant 2 : i32
      %sub3A_155 = arith.subi %add3A_153, %sub3A_154 : i32
      %mul3A_156 = arith.constant 40 : i32
      %mul3A_157 = arith.muli %sub3A_155, %mul3A_156 : i32
      %dma_wait3A_158 = tpu.memref_slice %arg7[%mul3A_157] : memref<10240xi32, #tpu.memory_space<vmem>> -> memref<40xi32, #tpu.memory_space<vmem>>
      %dma_wait3A_159 = arith.constant 0 : i32
      %dma_wait3A_160 = arith.constant 0 : i32
      %dma_wait3A_161 = tpu.memref_slice %arg12[%dma_wait3A_159, %dma_wait3A_160] : memref<10240x128xf32, #tpu.memory_space<vmem_shared>> -> memref<10240x128xf32, #tpu.memory_space<vmem_shared>>
      tpu.wait_indirect_dma semaphore(%arg18 : memref<!tpu.dma_semaphore, #tpu.memory_space<semaphore_mem>>) src(%arg9 : memref<40x128xf32, #tpu.memory_space<vmem>>) dst(%dma_wait3A_161 : memref<10240x128xf32, #tpu.memory_space<vmem_shared>>)
      %add3A_162 = arith.constant 2 : i32
      %add3A_163 = arith.addi %add3A_153, %add3A_162 : i32
      %mul3A_164 = arith.constant 40 : i32
      %mul3A_165 = arith.muli %add3A_163, %mul3A_164 : i32
      %dma_start3A_166 = tpu.memref_slice %arg6[%mul3A_165] : memref<10240xi32, #tpu.memory_space<vmem>> -> memref<40xi32, #tpu.memory_space<vmem>>
      %dma_start3A_167 = arith.constant 0 : i32
      %dma_start3A_168 = arith.constant 0 : i32
      %dma_start3A_169 = tpu.memref_slice %arg2[%dma_start3A_167, %dma_start3A_168] : memref<10240x128xf32, #tpu.memory_space<hbm>> -> memref<10240x128xf32, #tpu.memory_space<hbm>>
      tpu.enqueue_indirect_dma source(%dma_start3A_169 : memref<10240x128xf32, #tpu.memory_space<hbm>>) target(%arg9 : memref<40x128xf32, #tpu.memory_space<vmem>>) offsets(%dma_start3A_166 : memref<40xi32, #tpu.memory_space<vmem>>) semaphore(%arg14 : memref<!tpu.dma_semaphore, #tpu.memory_space<semaphore_mem>>)
      %mul3A_170 = arith.constant 40 : i32
      %mul3A_171 = arith.muli %add3A_153, %mul3A_170 : i32
      %dma_wait3A_172 = tpu.memref_slice %arg6[%mul3A_171] : memref<10240xi32, #tpu.memory_space<vmem>> -> memref<40xi32, #tpu.memory_space<vmem>>
      %dma_wait3A_173 = arith.constant 0 : i32
      %dma_wait3A_174 = arith.constant 0 : i32
      %dma_wait3A_175 = tpu.memref_slice %arg2[%dma_wait3A_173, %dma_wait3A_174] : memref<10240x128xf32, #tpu.memory_space<hbm>> -> memref<10240x128xf32, #tpu.memory_space<hbm>>
      tpu.wait_indirect_dma semaphore(%arg16 : memref<!tpu.dma_semaphore, #tpu.memory_space<semaphore_mem>>) src(%dma_wait3A_175 : memref<10240x128xf32, #tpu.memory_space<hbm>>) dst(%arg11 : memref<40x128xf32, #tpu.memory_space<vmem>>)
      %mul3A_176 = arith.constant 40 : i32
      %mul3A_177 = arith.muli %add3A_153, %mul3A_176 : i32
      %dma_start3A_178 = tpu.memref_slice %arg7[%mul3A_177] : memref<10240xi32, #tpu.memory_space<vmem>> -> memref<40xi32, #tpu.memory_space<vmem>>
      %dma_start3A_179 = arith.constant 0 : i32
      %dma_start3A_180 = arith.constant 0 : i32
      %dma_start3A_181 = tpu.memref_slice %arg12[%dma_start3A_179, %dma_start3A_180] : memref<10240x128xf32, #tpu.memory_space<vmem_shared>> -> memref<10240x128xf32, #tpu.memory_space<vmem_shared>>
      tpu.enqueue_indirect_dma source(%arg11 : memref<40x128xf32, #tpu.memory_space<vmem>>) target(%dma_start3A_181 : memref<10240x128xf32, #tpu.memory_space<vmem_shared>>) offsets(%dma_start3A_178 : memref<40xi32, #tpu.memory_space<vmem>>) semaphore(%arg20 : memref<!tpu.dma_semaphore, #tpu.memory_space<semaphore_mem>>) {add = true}
      %mul3A_182 = arith.constant 4 : i32
      %mul3A_183 = arith.muli %mul3A_182, %scan3A_113 : i32
      %add3A_184 = arith.constant 2 : i32
      %add3A_185 = arith.addi %add3A_184, %mul3A_183 : i32
      %add3A_186 = arith.constant 2 : i32
      %add3A_187 = arith.addi %add3A_185, %add3A_186 : i32
      %sub3A_188 = arith.constant 2 : i32
      %sub3A_189 = arith.subi %add3A_187, %sub3A_188 : i32
      %mul3A_190 = arith.constant 40 : i32
      %mul3A_191 = arith.muli %sub3A_189, %mul3A_190 : i32
      %dma_wait3A_192 = tpu.memref_slice %arg7[%mul3A_191] : memref<10240xi32, #tpu.memory_space<vmem>> -> memref<40xi32, #tpu.memory_space<vmem>>
      %dma_wait3A_193 = arith.constant 0 : i32
      %dma_wait3A_194 = arith.constant 0 : i32
      %dma_wait3A_195 = tpu.memref_slice %arg12[%dma_wait3A_193, %dma_wait3A_194] : memref<10240x128xf32, #tpu.memory_space<vmem_shared>> -> memref<10240x128xf32, #tpu.memory_space<vmem_shared>>
      tpu.wait_indirect_dma semaphore(%arg19 : memref<!tpu.dma_semaphore, #tpu.memory_space<semaphore_mem>>) src(%arg10 : memref<40x128xf32, #tpu.memory_space<vmem>>) dst(%dma_wait3A_195 : memref<10240x128xf32, #tpu.memory_space<vmem_shared>>)
      %add3A_196 = arith.constant 2 : i32
      %add3A_197 = arith.addi %add3A_187, %add3A_196 : i32
      %mul3A_198 = arith.constant 40 : i32
      %mul3A_199 = arith.muli %add3A_197, %mul3A_198 : i32
      %dma_start3A_200 = tpu.memref_slice %arg6[%mul3A_199] : memref<10240xi32, #tpu.memory_space<vmem>> -> memref<40xi32, #tpu.memory_space<vmem>>
      %dma_start3A_201 = arith.constant 0 : i32
      %dma_start3A_202 = arith.constant 0 : i32
      %dma_start3A_203 = tpu.memref_slice %arg2[%dma_start3A_201, %dma_start3A_202] : memref<10240x128xf32, #tpu.memory_space<hbm>> -> memref<10240x128xf32, #tpu.memory_space<hbm>>
      tpu.enqueue_indirect_dma source(%dma_start3A_203 : memref<10240x128xf32, #tpu.memory_space<hbm>>) target(%arg10 : memref<40x128xf32, #tpu.memory_space<vmem>>) offsets(%dma_start3A_200 : memref<40xi32, #tpu.memory_space<vmem>>) semaphore(%arg15 : memref<!tpu.dma_semaphore, #tpu.memory_space<semaphore_mem>>)
      %mul3A_204 = arith.constant 40 : i32
      %mul3A_205 = arith.muli %add3A_187, %mul3A_204 : i32
      %dma_wait3A_206 = tpu.memref_slice %arg6[%mul3A_205] : memref<10240xi32, #tpu.memory_space<vmem>> -> memref<40xi32, #tpu.memory_space<vmem>>
      %dma_wait3A_207 = arith.constant 0 : i32
      %dma_wait3A_208 = arith.constant 0 : i32
      %dma_wait3A_209 = tpu.memref_slice %arg2[%dma_wait3A_207, %dma_wait3A_208] : memref<10240x128xf32, #tpu.memory_space<hbm>> -> memref<10240x128xf32, #tpu.memory_space<hbm>>
      tpu.wait_indirect_dma semaphore(%arg13 : memref<!tpu.dma_semaphore, #tpu.memory_space<semaphore_mem>>) src(%dma_wait3A_209 : memref<10240x128xf32, #tpu.memory_space<hbm>>) dst(%arg8 : memref<40x128xf32, #tpu.memory_space<vmem>>)
      %mul3A_210 = arith.constant 40 : i32
      %mul3A_211 = arith.muli %add3A_187, %mul3A_210 : i32
      %dma_start3A_212 = tpu.memref_slice %arg7[%mul3A_211] : memref<10240xi32, #tpu.memory_space<vmem>> -> memref<40xi32, #tpu.memory_space<vmem>>
      %dma_start3A_213 = arith.constant 0 : i32
      %dma_start3A_214 = arith.constant 0 : i32
      %dma_start3A_215 = tpu.memref_slice %arg12[%dma_start3A_213, %dma_start3A_214] : memref<10240x128xf32, #tpu.memory_space<vmem_shared>> -> memref<10240x128xf32, #tpu.memory_space<vmem_shared>>
      tpu.enqueue_indirect_dma source(%arg8 : memref<40x128xf32, #tpu.memory_space<vmem>>) target(%dma_start3A_215 : memref<10240x128xf32, #tpu.memory_space<vmem_shared>>) offsets(%dma_start3A_212 : memref<40xi32, #tpu.memory_space<vmem>>) semaphore(%arg17 : memref<!tpu.dma_semaphore, #tpu.memory_space<semaphore_mem>>) {add = true}
      %mul3A_216 = arith.constant 4 : i32
      %mul3A_217 = arith.muli %mul3A_216, %scan3A_113 : i32
      %add3A_218 = arith.constant 2 : i32
      %add3A_219 = arith.addi %add3A_218, %mul3A_217 : i32
      %add3A_220 = arith.constant 3 : i32
      %add3A_221 = arith.addi %add3A_219, %add3A_220 : i32
      %sub3A_222 = arith.constant 2 : i32
      %sub3A_223 = arith.subi %add3A_221, %sub3A_222 : i32
      %mul3A_224 = arith.constant 40 : i32
      %mul3A_225 = arith.muli %sub3A_223, %mul3A_224 : i32
      %dma_wait3A_226 = tpu.memref_slice %arg7[%mul3A_225] : memref<10240xi32, #tpu.memory_space<vmem>> -> memref<40xi32, #tpu.memory_space<vmem>>
      %dma_wait3A_227 = arith.constant 0 : i32
      %dma_wait3A_228 = arith.constant 0 : i32
      %dma_wait3A_229 = tpu.memref_slice %arg12[%dma_wait3A_227, %dma_wait3A_228] : memref<10240x128xf32, #tpu.memory_space<vmem_shared>> -> memref<10240x128xf32, #tpu.memory_space<vmem_shared>>
      tpu.wait_indirect_dma semaphore(%arg20 : memref<!tpu.dma_semaphore, #tpu.memory_space<semaphore_mem>>) src(%arg11 : memref<40x128xf32, #tpu.memory_space<vmem>>) dst(%dma_wait3A_229 : memref<10240x128xf32, #tpu.memory_space<vmem_shared>>)
      %add3A_230 = arith.constant 2 : i32
      %add3A_231 = arith.addi %add3A_221, %add3A_230 : i32
      %mul3A_232 = arith.constant 40 : i32
      %mul3A_233 = arith.muli %add3A_231, %mul3A_232 : i32
      %dma_start3A_234 = tpu.memref_slice %arg6[%mul3A_233] : memref<10240xi32, #tpu.memory_space<vmem>> -> memref<40xi32, #tpu.memory_space<vmem>>
      %dma_start3A_235 = arith.constant 0 : i32
      %dma_start3A_236 = arith.constant 0 : i32
      %dma_start3A_237 = tpu.memref_slice %arg2[%dma_start3A_235, %dma_start3A_236] : memref<10240x128xf32, #tpu.memory_space<hbm>> -> memref<10240x128xf32, #tpu.memory_space<hbm>>
      tpu.enqueue_indirect_dma source(%dma_start3A_237 : memref<10240x128xf32, #tpu.memory_space<hbm>>) target(%arg11 : memref<40x128xf32, #tpu.memory_space<vmem>>) offsets(%dma_start3A_234 : memref<40xi32, #tpu.memory_space<vmem>>) semaphore(%arg16 : memref<!tpu.dma_semaphore, #tpu.memory_space<semaphore_mem>>)
      %mul3A_238 = arith.constant 40 : i32
      %mul3A_239 = arith.muli %add3A_221, %mul3A_238 : i32
      %dma_wait3A_240 = tpu.memref_slice %arg6[%mul3A_239] : memref<10240xi32, #tpu.memory_space<vmem>> -> memref<40xi32, #tpu.memory_space<vmem>>
      %dma_wait3A_241 = arith.constant 0 : i32
      %dma_wait3A_242 = arith.constant 0 : i32
      %dma_wait3A_243 = tpu.memref_slice %arg2[%dma_wait3A_241, %dma_wait3A_242] : memref<10240x128xf32, #tpu.memory_space<hbm>> -> memref<10240x128xf32, #tpu.memory_space<hbm>>
      tpu.wait_indirect_dma semaphore(%arg14 : memref<!tpu.dma_semaphore, #tpu.memory_space<semaphore_mem>>) src(%dma_wait3A_243 : memref<10240x128xf32, #tpu.memory_space<hbm>>) dst(%arg9 : memref<40x128xf32, #tpu.memory_space<vmem>>)
      %mul3A_244 = arith.constant 40 : i32
      %mul3A_245 = arith.muli %add3A_221, %mul3A_244 : i32
      %dma_start3A_246 = tpu.memref_slice %arg7[%mul3A_245] : memref<10240xi32, #tpu.memory_space<vmem>> -> memref<40xi32, #tpu.memory_space<vmem>>
      %dma_start3A_247 = arith.constant 0 : i32
      %dma_start3A_248 = arith.constant 0 : i32
      %dma_start3A_249 = tpu.memref_slice %arg12[%dma_start3A_247, %dma_start3A_248] : memref<10240x128xf32, #tpu.memory_space<vmem_shared>> -> memref<10240x128xf32, #tpu.memory_space<vmem_shared>>
      tpu.enqueue_indirect_dma source(%arg9 : memref<40x128xf32, #tpu.memory_space<vmem>>) target(%dma_start3A_249 : memref<10240x128xf32, #tpu.memory_space<vmem_shared>>) offsets(%dma_start3A_246 : memref<40xi32, #tpu.memory_space<vmem>>) semaphore(%arg18 : memref<!tpu.dma_semaphore, #tpu.memory_space<semaphore_mem>>) {add = true}
      %scan3A_250 = arith.constant 0 : i32
      scf.yield %scan3A_250 : i32
    }
    %scan3A_65 = arith.constant 63 : i32
    %dma_wait3A_66 = arith.constant 10160 : i32
    %dma_wait3A_67 = tpu.memref_slice %arg6[%dma_wait3A_66] : memref<10240xi32, #tpu.memory_space<vmem>> -> memref<40xi32, #tpu.memory_space<vmem>>
    %dma_wait3A_68 = arith.constant 0 : i32
    %dma_wait3A_69 = arith.constant 0 : i32
    %dma_wait3A_70 = tpu.memref_slice %arg2[%dma_wait3A_68, %dma_wait3A_69] : memref<10240x128xf32, #tpu.memory_space<hbm>> -> memref<10240x128xf32, #tpu.memory_space<hbm>>
    tpu.wait_indirect_dma semaphore(%arg15 : memref<!tpu.dma_semaphore, #tpu.memory_space<semaphore_mem>>) src(%dma_wait3A_70 : memref<10240x128xf32, #tpu.memory_space<hbm>>) dst(%arg10 : memref<40x128xf32, #tpu.memory_space<vmem>>)
    %dma_start3A_71 = arith.constant 10160 : i32
    %dma_start3A_72 = tpu.memref_slice %arg7[%dma_start3A_71] : memref<10240xi32, #tpu.memory_space<vmem>> -> memref<40xi32, #tpu.memory_space<vmem>>
    %dma_start3A_73 = arith.constant 0 : i32
    %dma_start3A_74 = arith.constant 0 : i32
    %dma_start3A_75 = tpu.memref_slice %arg12[%dma_start3A_73, %dma_start3A_74] : memref<10240x128xf32, #tpu.memory_space<vmem_shared>> -> memref<10240x128xf32, #tpu.memory_space<vmem_shared>>
    tpu.enqueue_indirect_dma source(%arg10 : memref<40x128xf32, #tpu.memory_space<vmem>>) target(%dma_start3A_75 : memref<10240x128xf32, #tpu.memory_space<vmem_shared>>) offsets(%dma_start3A_72 : memref<40xi32, #tpu.memory_space<vmem>>) semaphore(%arg19 : memref<!tpu.dma_semaphore, #tpu.memory_space<semaphore_mem>>) {add = true}
    %dma_wait3A_76 = arith.constant 10200 : i32
    %dma_wait3A_77 = tpu.memref_slice %arg6[%dma_wait3A_76] : memref<10240xi32, #tpu.memory_space<vmem>> -> memref<40xi32, #tpu.memory_space<vmem>>
    %dma_wait3A_78 = arith.constant 0 : i32
    %dma_wait3A_79 = arith.constant 0 : i32
    %dma_wait3A_80 = tpu.memref_slice %arg2[%dma_wait3A_78, %dma_wait3A_79] : memref<10240x128xf32, #tpu.memory_space<hbm>> -> memref<10240x128xf32, #tpu.memory_space<hbm>>
    tpu.wait_indirect_dma semaphore(%arg16 : memref<!tpu.dma_semaphore, #tpu.memory_space<semaphore_mem>>) src(%dma_wait3A_80 : memref<10240x128xf32, #tpu.memory_space<hbm>>) dst(%arg11 : memref<40x128xf32, #tpu.memory_space<vmem>>)
    %dma_start3A_81 = arith.constant 10200 : i32
    %dma_start3A_82 = tpu.memref_slice %arg7[%dma_start3A_81] : memref<10240xi32, #tpu.memory_space<vmem>> -> memref<40xi32, #tpu.memory_space<vmem>>
    %dma_start3A_83 = arith.constant 0 : i32
    %dma_start3A_84 = arith.constant 0 : i32
    %dma_start3A_85 = tpu.memref_slice %arg12[%dma_start3A_83, %dma_start3A_84] : memref<10240x128xf32, #tpu.memory_space<vmem_shared>> -> memref<10240x128xf32, #tpu.memory_space<vmem_shared>>
    tpu.enqueue_indirect_dma source(%arg11 : memref<40x128xf32, #tpu.memory_space<vmem>>) target(%dma_start3A_85 : memref<10240x128xf32, #tpu.memory_space<vmem_shared>>) offsets(%dma_start3A_82 : memref<40xi32, #tpu.memory_space<vmem>>) semaphore(%arg20 : memref<!tpu.dma_semaphore, #tpu.memory_space<semaphore_mem>>) {add = true}
    %dma_wait3A_86 = arith.constant 10080 : i32
    %dma_wait3A_87 = tpu.memref_slice %arg7[%dma_wait3A_86] : memref<10240xi32, #tpu.memory_space<vmem>> -> memref<40xi32, #tpu.memory_space<vmem>>
    %dma_wait3A_88 = arith.constant 0 : i32
    %dma_wait3A_89 = arith.constant 0 : i32
    %dma_wait3A_90 = tpu.memref_slice %arg12[%dma_wait3A_88, %dma_wait3A_89] : memref<10240x128xf32, #tpu.memory_space<vmem_shared>> -> memref<10240x128xf32, #tpu.memory_space<vmem_shared>>
    tpu.wait_indirect_dma semaphore(%arg17 : memref<!tpu.dma_semaphore, #tpu.memory_space<semaphore_mem>>) src(%arg8 : memref<40x128xf32, #tpu.memory_space<vmem>>) dst(%dma_wait3A_90 : memref<10240x128xf32, #tpu.memory_space<vmem_shared>>)
    %dma_wait3A_91 = arith.constant 10120 : i32
    %dma_wait3A_92 = tpu.memref_slice %arg7[%dma_wait3A_91] : memref<10240xi32, #tpu.memory_space<vmem>> -> memref<40xi32, #tpu.memory_space<vmem>>
    %dma_wait3A_93 = arith.constant 0 : i32
    %dma_wait3A_94 = arith.constant 0 : i32
    %dma_wait3A_95 = tpu.memref_slice %arg12[%dma_wait3A_93, %dma_wait3A_94] : memref<10240x128xf32, #tpu.memory_space<vmem_shared>> -> memref<10240x128xf32, #tpu.memory_space<vmem_shared>>
    tpu.wait_indirect_dma semaphore(%arg18 : memref<!tpu.dma_semaphore, #tpu.memory_space<semaphore_mem>>) src(%arg9 : memref<40x128xf32, #tpu.memory_space<vmem>>) dst(%dma_wait3A_95 : memref<10240x128xf32, #tpu.memory_space<vmem_shared>>)
    %dma_wait3A_96 = arith.constant 10160 : i32
    %dma_wait3A_97 = tpu.memref_slice %arg7[%dma_wait3A_96] : memref<10240xi32, #tpu.memory_space<vmem>> -> memref<40xi32, #tpu.memory_space<vmem>>
    %dma_wait3A_98 = arith.constant 0 : i32
    %dma_wait3A_99 = arith.constant 0 : i32
    %dma_wait3A_100 = tpu.memref_slice %arg12[%dma_wait3A_98, %dma_wait3A_99] : memref<10240x128xf32, #tpu.memory_space<vmem_shared>> -> memref<10240x128xf32, #tpu.memory_space<vmem_shared>>
    tpu.wait_indirect_dma semaphore(%arg19 : memref<!tpu.dma_semaphore, #tpu.memory_space<semaphore_mem>>) src(%arg10 : memref<40x128xf32, #tpu.memory_space<vmem>>) dst(%dma_wait3A_100 : memref<10240x128xf32, #tpu.memory_space<vmem_shared>>)
    %dma_wait3A_101 = arith.constant 10200 : i32
    %dma_wait3A_102 = tpu.memref_slice %arg7[%dma_wait3A_101] : memref<10240xi32, #tpu.memory_space<vmem>> -> memref<40xi32, #tpu.memory_space<vmem>>
    %dma_wait3A_103 = arith.constant 0 : i32
    %dma_wait3A_104 = arith.constant 0 : i32
    %dma_wait3A_105 = tpu.memref_slice %arg12[%dma_wait3A_103, %dma_wait3A_104] : memref<10240x128xf32, #tpu.memory_space<vmem_shared>> -> memref<10240x128xf32, #tpu.memory_space<vmem_shared>>
    tpu.wait_indirect_dma semaphore(%arg20 : memref<!tpu.dma_semaphore, #tpu.memory_space<semaphore_mem>>) src(%arg11 : memref<40x128xf32, #tpu.memory_space<vmem>>) dst(%dma_wait3A_105 : memref<10240x128xf32, #tpu.memory_space<vmem_shared>>)
    %scan3A_106 = arith.constant 0 : i32
    %scan3A_107 = arith.constant 1 : i32
    %barrier3A_108 = arith.constant 0 : index
    tpu.barrier barrier_id(%barrier3A_108)
    %mul3A_109 = arith.constant 640 : i32
    %mul3A_110 = arith.muli %arg1, %mul3A_109 : i32
    %mul3A_111 = arith.constant 640 : i32
    %mul3A_112 = arith.muli %arg1, %mul3A_111 : i32
    "tpu.region"() ({
      %run_scoped3A = tpu.sem_alloc : memref<!tpu.dma_semaphore, #tpu.memory_space<semaphore_mem>>
      %dma_start3A_113 = arith.constant 0 : i32
      %dma_start3A_114 = tpu.memref_slice %arg5[%arg0, %mul3A_112, %dma_start3A_113] : memref<2x10240x128xf32, #tpu.memory_space<hbm>> -> memref<1x640x128xf32, #tpu.memory_space<hbm>>
      %dma_start3A_115 = tpu.memref_squeeze %dma_start3A_114 : memref<1x640x128xf32, #tpu.memory_space<hbm>> -> memref<640x128xf32, #tpu.memory_space<hbm>>
      %dma_start3A_116 = arith.constant 0 : i32
      %dma_start3A_117 = tpu.memref_slice %arg12[%mul3A_110, %dma_start3A_116] : memref<10240x128xf32, #tpu.memory_space<vmem_shared>> -> memref<640x128xf32, #tpu.memory_space<vmem_shared>>
      tpu.enqueue_dma source(%dma_start3A_117 : memref<640x128xf32, #tpu.memory_space<vmem_shared>>) target(%dma_start3A_115 : memref<640x128xf32, #tpu.memory_space<hbm>>) target_semaphore(%run_scoped3A : memref<!tpu.dma_semaphore, #tpu.memory_space<semaphore_mem>>)
      %dma_wait3A_118 = arith.constant 0 : i32
      %dma_wait3A_119 = tpu.memref_slice %arg5[%arg0, %mul3A_112, %dma_wait3A_118] : memref<2x10240x128xf32, #tpu.memory_space<hbm>> -> memref<1x640x128xf32, #tpu.memory_space<hbm>>
      %dma_wait3A_120 = tpu.memref_squeeze %dma_wait3A_119 : memref<1x640x128xf32, #tpu.memory_space<hbm>> -> memref<640x128xf32, #tpu.memory_space<hbm>>
      %dma_wait3A_121 = arith.constant 0 : i32
      %dma_wait3A_122 = tpu.memref_slice %arg12[%mul3A_110, %dma_wait3A_121] : memref<10240x128xf32, #tpu.memory_space<vmem_shared>> -> memref<640x128xf32, #tpu.memory_space<vmem_shared>>
      tpu.wait_dma2 semaphore(%run_scoped3A : memref<!tpu.dma_semaphore, #tpu.memory_space<semaphore_mem>>) src(%dma_wait3A_122 : memref<640x128xf32, #tpu.memory_space<vmem_shared>>) dst(%dma_wait3A_120 : memref<640x128xf32, #tpu.memory_space<hbm>>)
      tpu.yield
    }) : () -> ()
    return
  }
}

#map = affine_map<(d0, d1) -> (0, 0)>
module attributes {stable_mosaic.version = 14 : i64} {
  func.func @_deg_kernel(%arg0: i32, %arg1: i32, %arg2: memref<32x10240xi32, #tpu.memory_space<hbm>>, %arg3: memref<32x10240xi32, #tpu.memory_space<hbm>>, %arg4: memref<2x10240xf32, #tpu.memory_space<hbm>>, %arg5: memref<2x10240xf32, #tpu.memory_space<hbm>>, %arg6: memref<10240xi32, #tpu.memory_space<vmem>>, %arg7: memref<10240xi32, #tpu.memory_space<vmem>>, %arg8: memref<128xf32, #tpu.memory_space<vmem>>, %arg9: memref<128xf32, #tpu.memory_space<vmem>>, %arg10: memref<10240xf32, #tpu.memory_space<vmem_shared>>, %arg11: memref<10240xf32, #tpu.memory_space<vmem_shared>>) attributes {dimension_semantics = [#tpu.dimension_semantics<core_parallel>, #tpu.dimension_semantics<subcore_parallel>], iteration_bounds = array<i64: 2, 16>, scalar_prefetch = 0 : i64, scratch_operands = 6 : i64, tpu.core_type = #tpu.core_type<sc_vector_subcore>, window_params = [{transform_indices = #map}, {transform_indices = #map}, {transform_indices = #map}, {transform_indices = #map}]} {
    %mul3A = arith.constant 16 : i32
    %mul3A_0 = arith.muli %arg0, %mul3A : i32
    %add3A = arith.addi %mul3A_0, %arg1 : i32
    "tpu.region"() ({
      %run_scoped3A = tpu.sem_alloc : memref<!tpu.dma_semaphore, #tpu.memory_space<semaphore_mem>>
      %dma_start3A = arith.constant 0 : i32
      %dma_start3A_34 = tpu.memref_slice %arg2[%add3A, %dma_start3A] : memref<32x10240xi32, #tpu.memory_space<hbm>> -> memref<1x10240xi32, #tpu.memory_space<hbm>>
      %dma_start3A_35 = tpu.memref_squeeze %dma_start3A_34 : memref<1x10240xi32, #tpu.memory_space<hbm>> -> memref<10240xi32, #tpu.memory_space<hbm>>
      %dma_start3A_36 = arith.constant 0 : i32
      %dma_start3A_37 = tpu.memref_slice %arg2[%add3A, %dma_start3A_36] : memref<32x10240xi32, #tpu.memory_space<hbm>> -> memref<1x10240xi32, #tpu.memory_space<hbm>>
      %dma_start3A_38 = tpu.memref_squeeze %dma_start3A_37 : memref<1x10240xi32, #tpu.memory_space<hbm>> -> memref<10240xi32, #tpu.memory_space<hbm>>
      tpu.enqueue_dma source(%dma_start3A_38 : memref<10240xi32, #tpu.memory_space<hbm>>) target(%arg6 : memref<10240xi32, #tpu.memory_space<vmem>>) target_semaphore(%run_scoped3A : memref<!tpu.dma_semaphore, #tpu.memory_space<semaphore_mem>>)
      %dma_wait3A = arith.constant 0 : i32
      %dma_wait3A_39 = tpu.memref_slice %arg2[%add3A, %dma_wait3A] : memref<32x10240xi32, #tpu.memory_space<hbm>> -> memref<1x10240xi32, #tpu.memory_space<hbm>>
      %dma_wait3A_40 = tpu.memref_squeeze %dma_wait3A_39 : memref<1x10240xi32, #tpu.memory_space<hbm>> -> memref<10240xi32, #tpu.memory_space<hbm>>
      %dma_wait3A_41 = arith.constant 0 : i32
      %dma_wait3A_42 = tpu.memref_slice %arg2[%add3A, %dma_wait3A_41] : memref<32x10240xi32, #tpu.memory_space<hbm>> -> memref<1x10240xi32, #tpu.memory_space<hbm>>
      %dma_wait3A_43 = tpu.memref_squeeze %dma_wait3A_42 : memref<1x10240xi32, #tpu.memory_space<hbm>> -> memref<10240xi32, #tpu.memory_space<hbm>>
      tpu.wait_dma2 semaphore(%run_scoped3A : memref<!tpu.dma_semaphore, #tpu.memory_space<semaphore_mem>>) src(%dma_wait3A_43 : memref<10240xi32, #tpu.memory_space<hbm>>) dst(%arg6 : memref<10240xi32, #tpu.memory_space<vmem>>)
      tpu.yield
    }) : () -> ()
    "tpu.region"() ({
      %run_scoped3A = tpu.sem_alloc : memref<!tpu.dma_semaphore, #tpu.memory_space<semaphore_mem>>
      %dma_start3A = arith.constant 0 : i32
      %dma_start3A_34 = tpu.memref_slice %arg3[%add3A, %dma_start3A] : memref<32x10240xi32, #tpu.memory_space<hbm>> -> memref<1x10240xi32, #tpu.memory_space<hbm>>
      %dma_start3A_35 = tpu.memref_squeeze %dma_start3A_34 : memref<1x10240xi32, #tpu.memory_space<hbm>> -> memref<10240xi32, #tpu.memory_space<hbm>>
      %dma_start3A_36 = arith.constant 0 : i32
      %dma_start3A_37 = tpu.memref_slice %arg3[%add3A, %dma_start3A_36] : memref<32x10240xi32, #tpu.memory_space<hbm>> -> memref<1x10240xi32, #tpu.memory_space<hbm>>
      %dma_start3A_38 = tpu.memref_squeeze %dma_start3A_37 : memref<1x10240xi32, #tpu.memory_space<hbm>> -> memref<10240xi32, #tpu.memory_space<hbm>>
      tpu.enqueue_dma source(%dma_start3A_38 : memref<10240xi32, #tpu.memory_space<hbm>>) target(%arg7 : memref<10240xi32, #tpu.memory_space<vmem>>) target_semaphore(%run_scoped3A : memref<!tpu.dma_semaphore, #tpu.memory_space<semaphore_mem>>)
      %dma_wait3A = arith.constant 0 : i32
      %dma_wait3A_39 = tpu.memref_slice %arg3[%add3A, %dma_wait3A] : memref<32x10240xi32, #tpu.memory_space<hbm>> -> memref<1x10240xi32, #tpu.memory_space<hbm>>
      %dma_wait3A_40 = tpu.memref_squeeze %dma_wait3A_39 : memref<1x10240xi32, #tpu.memory_space<hbm>> -> memref<10240xi32, #tpu.memory_space<hbm>>
      %dma_wait3A_41 = arith.constant 0 : i32
      %dma_wait3A_42 = tpu.memref_slice %arg3[%add3A, %dma_wait3A_41] : memref<32x10240xi32, #tpu.memory_space<hbm>> -> memref<1x10240xi32, #tpu.memory_space<hbm>>
      %dma_wait3A_43 = tpu.memref_squeeze %dma_wait3A_42 : memref<1x10240xi32, #tpu.memory_space<hbm>> -> memref<10240xi32, #tpu.memory_space<hbm>>
      tpu.wait_dma2 semaphore(%run_scoped3A : memref<!tpu.dma_semaphore, #tpu.memory_space<semaphore_mem>>) src(%dma_wait3A_43 : memref<10240xi32, #tpu.memory_space<hbm>>) dst(%arg7 : memref<10240xi32, #tpu.memory_space<vmem>>)
      tpu.yield
    }) : () -> ()
    %broadcast_in_dim3A = arith.constant 1.000000e+00 : f32
    %broadcast_in_dim3A_1 = vector.broadcast %broadcast_in_dim3A : f32 to vector<16xf32>
    %scan3A = arith.constant 0 : i32
    %scan3A_2 = arith.constant 0 : i32
    %scan3A_3 = arith.constant 8 : i32
    %scan3A_4 = arith.addi %scan3A_2, %scan3A_3 : i32
    %scan3A_5 = arith.constant 1 : i32
    %scan3A_6 = scf.for %scan3A_34 = %scan3A_2 to %scan3A_4 step %scan3A_5 iter_args(%scan3A_35 = %scan3A) -> (i32)  : i32 {
      %mul3A_36 = arith.constant 16 : i32
      %mul3A_37 = arith.muli %scan3A_34, %mul3A_36 : i32
      %swap3A = arith.index_cast %mul3A_37 : i32 to index
      %swap3A_38 = tpu.vector_load %arg8[%swap3A] {strides = array<i32>} : memref<128xf32, #tpu.memory_space<vmem>>, vector<16xf32>,
      %swap3A_39 = vector.shape_cast %swap3A_38 : vector<16xf32> to vector<16xf32>
      %swap3A_40 = vector.shape_cast %broadcast_in_dim3A_1 : vector<16xf32> to vector<16xf32>
      tpu.vector_store %arg8[%swap3A], %swap3A_40 {strides = array<i32>} : memref<128xf32, #tpu.memory_space<vmem>>, vector<16xf32>,
      %scan3A_41 = arith.constant 0 : i32
      scf.yield %scan3A_41 : i32
    }
    %scan3A_7 = arith.constant 8 : i32
    %broadcast_in_dim3A_8 = arith.constant 0.000000e+00 : f32
    %broadcast_in_dim3A_9 = vector.broadcast %broadcast_in_dim3A_8 : f32 to vector<16xf32>
    %scan3A_10 = arith.constant 0 : i32
    %scan3A_11 = arith.constant 0 : i32
    %scan3A_12 = arith.constant 8 : i32
    %scan3A_13 = arith.addi %scan3A_11, %scan3A_12 : i32
    %scan3A_14 = arith.constant 1 : i32
    %scan3A_15 = scf.for %scan3A_34 = %scan3A_11 to %scan3A_13 step %scan3A_14 iter_args(%scan3A_35 = %scan3A_10) -> (i32)  : i32 {
      %mul3A_36 = arith.constant 16 : i32
      %mul3A_37 = arith.muli %scan3A_34, %mul3A_36 : i32
      %swap3A = arith.index_cast %mul3A_37 : i32 to index
      %swap3A_38 = tpu.vector_load %arg9[%swap3A] {strides = array<i32>} : memref<128xf32, #tpu.memory_space<vmem>>, vector<16xf32>,
      %swap3A_39 = vector.shape_cast %swap3A_38 : vector<16xf32> to vector<16xf32>
      %swap3A_40 = vector.shape_cast %broadcast_in_dim3A_9 : vector<16xf32> to vector<16xf32>
      tpu.vector_store %arg9[%swap3A], %swap3A_40 {strides = array<i32>} : memref<128xf32, #tpu.memory_space<vmem>>, vector<16xf32>,
      %scan3A_41 = arith.constant 0 : i32
      scf.yield %scan3A_41 : i32
    }
    %scan3A_16 = arith.constant 8 : i32
    %scan3A_17 = arith.constant 0 : i32
    %scan3A_18 = arith.constant 0 : i32
    %scan3A_19 = arith.constant 5 : i32
    %scan3A_20 = arith.addi %scan3A_18, %scan3A_19 : i32
    %scan3A_21 = arith.constant 1 : i32
    %scan3A_22 = scf.for %scan3A_34 = %scan3A_18 to %scan3A_20 step %scan3A_21 iter_args(%scan3A_35 = %scan3A_17) -> (i32)  : i32 {
      %mul3A_36 = arith.constant 640 : i32
      %mul3A_37 = arith.muli %arg1, %mul3A_36 : i32
      %mul3A_38 = arith.constant 128 : i32
      %mul3A_39 = arith.muli %scan3A_34, %mul3A_38 : i32
      %add3A_40 = arith.addi %mul3A_37, %mul3A_39 : i32
      "tpu.region"() ({
        %run_scoped3A = tpu.sem_alloc : memref<!tpu.dma_semaphore, #tpu.memory_space<semaphore_mem>>
        %dma_start3A = tpu.memref_slice %arg10[%add3A_40] : memref<10240xf32, #tpu.memory_space<vmem_shared>> -> memref<128xf32, #tpu.memory_space<vmem_shared>>
        %dma_start3A_42 = tpu.memref_slice %arg10[%add3A_40] : memref<10240xf32, #tpu.memory_space<vmem_shared>> -> memref<128xf32, #tpu.memory_space<vmem_shared>>
        tpu.enqueue_dma source(%arg9 : memref<128xf32, #tpu.memory_space<vmem>>) target(%dma_start3A_42 : memref<128xf32, #tpu.memory_space<vmem_shared>>) target_semaphore(%run_scoped3A : memref<!tpu.dma_semaphore, #tpu.memory_space<semaphore_mem>>)
        %dma_wait3A = tpu.memref_slice %arg10[%add3A_40] : memref<10240xf32, #tpu.memory_space<vmem_shared>> -> memref<128xf32, #tpu.memory_space<vmem_shared>>
        %dma_wait3A_43 = tpu.memref_slice %arg10[%add3A_40] : memref<10240xf32, #tpu.memory_space<vmem_shared>> -> memref<128xf32, #tpu.memory_space<vmem_shared>>
        tpu.wait_dma2 semaphore(%run_scoped3A : memref<!tpu.dma_semaphore, #tpu.memory_space<semaphore_mem>>) src(%arg9 : memref<128xf32, #tpu.memory_space<vmem>>) dst(%dma_wait3A_43 : memref<128xf32, #tpu.memory_space<vmem_shared>>)
        tpu.yield
      }) : () -> ()
      "tpu.region"() ({
        %run_scoped3A = tpu.sem_alloc : memref<!tpu.dma_semaphore, #tpu.memory_space<semaphore_mem>>
        %dma_start3A = tpu.memref_slice %arg11[%add3A_40] : memref<10240xf32, #tpu.memory_space<vmem_shared>> -> memref<128xf32, #tpu.memory_space<vmem_shared>>
        %dma_start3A_42 = tpu.memref_slice %arg11[%add3A_40] : memref<10240xf32, #tpu.memory_space<vmem_shared>> -> memref<128xf32, #tpu.memory_space<vmem_shared>>
        tpu.enqueue_dma source(%arg9 : memref<128xf32, #tpu.memory_space<vmem>>) target(%dma_start3A_42 : memref<128xf32, #tpu.memory_space<vmem_shared>>) target_semaphore(%run_scoped3A : memref<!tpu.dma_semaphore, #tpu.memory_space<semaphore_mem>>)
        %dma_wait3A = tpu.memref_slice %arg11[%add3A_40] : memref<10240xf32, #tpu.memory_space<vmem_shared>> -> memref<128xf32, #tpu.memory_space<vmem_shared>>
        %dma_wait3A_43 = tpu.memref_slice %arg11[%add3A_40] : memref<10240xf32, #tpu.memory_space<vmem_shared>> -> memref<128xf32, #tpu.memory_space<vmem_shared>>
        tpu.wait_dma2 semaphore(%run_scoped3A : memref<!tpu.dma_semaphore, #tpu.memory_space<semaphore_mem>>) src(%arg9 : memref<128xf32, #tpu.memory_space<vmem>>) dst(%dma_wait3A_43 : memref<128xf32, #tpu.memory_space<vmem_shared>>)
        tpu.yield
      }) : () -> ()
      %scan3A_41 = arith.constant 0 : i32
      scf.yield %scan3A_41 : i32
    }
    %scan3A_23 = arith.constant 5 : i32
    %barrier3A = arith.constant 0 : index
    tpu.barrier barrier_id(%barrier3A)
    %scan3A_24 = arith.constant 0 : i32
    %scan3A_25 = arith.constant 0 : i32
    %scan3A_26 = arith.constant 80 : i32
    %scan3A_27 = arith.addi %scan3A_25, %scan3A_26 : i32
    %scan3A_28 = arith.constant 1 : i32
    %scan3A_29 = scf.for %scan3A_34 = %scan3A_25 to %scan3A_27 step %scan3A_28 iter_args(%scan3A_35 = %scan3A_24) -> (i32)  : i32 {
      %mul3A_36 = arith.constant 128 : i32
      %mul3A_37 = arith.muli %scan3A_34, %mul3A_36 : i32
      "tpu.region"() ({
        %run_scoped3A = tpu.sem_alloc : memref<!tpu.dma_semaphore, #tpu.memory_space<semaphore_mem>>
        %dma_start3A = tpu.memref_slice %arg6[%mul3A_37] : memref<10240xi32, #tpu.memory_space<vmem>> -> memref<128xi32, #tpu.memory_space<vmem>>
        %dma_start3A_41 = arith.constant 0 : i32
        %dma_start3A_42 = tpu.memref_slice %arg10[%dma_start3A_41] : memref<10240xf32, #tpu.memory_space<vmem_shared>> -> memref<10240xf32, #tpu.memory_space<vmem_shared>>
        tpu.enqueue_indirect_dma source(%arg8 : memref<128xf32, #tpu.memory_space<vmem>>) target(%dma_start3A_42 : memref<10240xf32, #tpu.memory_space<vmem_shared>>) offsets(%dma_start3A : memref<128xi32, #tpu.memory_space<vmem>>) semaphore(%run_scoped3A : memref<!tpu.dma_semaphore, #tpu.memory_space<semaphore_mem>>) {add = true}
        %dma_wait3A = tpu.memref_slice %arg6[%mul3A_37] : memref<10240xi32, #tpu.memory_space<vmem>> -> memref<128xi32, #tpu.memory_space<vmem>>
        %dma_wait3A_43 = arith.constant 0 : i32
        %dma_wait3A_44 = tpu.memref_slice %arg10[%dma_wait3A_43] : memref<10240xf32, #tpu.memory_space<vmem_shared>> -> memref<10240xf32, #tpu.memory_space<vmem_shared>>
        tpu.wait_indirect_dma semaphore(%run_scoped3A : memref<!tpu.dma_semaphore, #tpu.memory_space<semaphore_mem>>) src(%arg8 : memref<128xf32, #tpu.memory_space<vmem>>) dst(%dma_wait3A_44 : memref<10240xf32, #tpu.memory_space<vmem_shared>>)
        tpu.yield
      }) : () -> ()
      %mul3A_38 = arith.constant 128 : i32
      %mul3A_39 = arith.muli %scan3A_34, %mul3A_38 : i32
      "tpu.region"() ({
        %run_scoped3A = tpu.sem_alloc : memref<!tpu.dma_semaphore, #tpu.memory_space<semaphore_mem>>
        %dma_start3A = tpu.memref_slice %arg7[%mul3A_39] : memref<10240xi32, #tpu.memory_space<vmem>> -> memref<128xi32, #tpu.memory_space<vmem>>
        %dma_start3A_41 = arith.constant 0 : i32
        %dma_start3A_42 = tpu.memref_slice %arg11[%dma_start3A_41] : memref<10240xf32, #tpu.memory_space<vmem_shared>> -> memref<10240xf32, #tpu.memory_space<vmem_shared>>
        tpu.enqueue_indirect_dma source(%arg8 : memref<128xf32, #tpu.memory_space<vmem>>) target(%dma_start3A_42 : memref<10240xf32, #tpu.memory_space<vmem_shared>>) offsets(%dma_start3A : memref<128xi32, #tpu.memory_space<vmem>>) semaphore(%run_scoped3A : memref<!tpu.dma_semaphore, #tpu.memory_space<semaphore_mem>>) {add = true}
        %dma_wait3A = tpu.memref_slice %arg7[%mul3A_39] : memref<10240xi32, #tpu.memory_space<vmem>> -> memref<128xi32, #tpu.memory_space<vmem>>
        %dma_wait3A_43 = arith.constant 0 : i32
        %dma_wait3A_44 = tpu.memref_slice %arg11[%dma_wait3A_43] : memref<10240xf32, #tpu.memory_space<vmem_shared>> -> memref<10240xf32, #tpu.memory_space<vmem_shared>>
        tpu.wait_indirect_dma semaphore(%run_scoped3A : memref<!tpu.dma_semaphore, #tpu.memory_space<semaphore_mem>>) src(%arg8 : memref<128xf32, #tpu.memory_space<vmem>>) dst(%dma_wait3A_44 : memref<10240xf32, #tpu.memory_space<vmem_shared>>)
        tpu.yield
      }) : () -> ()
      %scan3A_40 = arith.constant 0 : i32
      scf.yield %scan3A_40 : i32
    }
    %scan3A_30 = arith.constant 80 : i32
    %barrier3A_31 = arith.constant 0 : index
    tpu.barrier barrier_id(%barrier3A_31)
    %mul3A_32 = arith.constant 640 : i32
    %mul3A_33 = arith.muli %arg1, %mul3A_32 : i32
    "tpu.region"() ({
      %run_scoped3A = tpu.sem_alloc : memref<!tpu.dma_semaphore, #tpu.memory_space<semaphore_mem>>
      %dma_start3A = tpu.memref_slice %arg4[%arg0, %mul3A_33] : memref<2x10240xf32, #tpu.memory_space<hbm>> -> memref<1x640xf32, #tpu.memory_space<hbm>>
      %dma_start3A_34 = tpu.memref_squeeze %dma_start3A : memref<1x640xf32, #tpu.memory_space<hbm>> -> memref<640xf32, #tpu.memory_space<hbm>>
      %dma_start3A_35 = tpu.memref_slice %arg10[%mul3A_33] : memref<10240xf32, #tpu.memory_space<vmem_shared>> -> memref<640xf32, #tpu.memory_space<vmem_shared>>
      tpu.enqueue_dma source(%dma_start3A_35 : memref<640xf32, #tpu.memory_space<vmem_shared>>) target(%dma_start3A_34 : memref<640xf32, #tpu.memory_space<hbm>>) target_semaphore(%run_scoped3A : memref<!tpu.dma_semaphore, #tpu.memory_space<semaphore_mem>>)
      %dma_wait3A = tpu.memref_slice %arg4[%arg0, %mul3A_33] : memref<2x10240xf32, #tpu.memory_space<hbm>> -> memref<1x640xf32, #tpu.memory_space<hbm>>
      %dma_wait3A_36 = tpu.memref_squeeze %dma_wait3A : memref<1x640xf32, #tpu.memory_space<hbm>> -> memref<640xf32, #tpu.memory_space<hbm>>
      %dma_wait3A_37 = tpu.memref_slice %arg10[%mul3A_33] : memref<10240xf32, #tpu.memory_space<vmem_shared>> -> memref<640xf32, #tpu.memory_space<vmem_shared>>
      tpu.wait_dma2 semaphore(%run_scoped3A : memref<!tpu.dma_semaphore, #tpu.memory_space<semaphore_mem>>) src(%dma_wait3A_37 : memref<640xf32, #tpu.memory_space<vmem_shared>>) dst(%dma_wait3A_36 : memref<640xf32, #tpu.memory_space<hbm>>)
      tpu.yield
    }) : () -> ()
    "tpu.region"() ({
      %run_scoped3A = tpu.sem_alloc : memref<!tpu.dma_semaphore, #tpu.memory_space<semaphore_mem>>
      %dma_start3A = tpu.memref_slice %arg5[%arg0, %mul3A_33] : memref<2x10240xf32, #tpu.memory_space<hbm>> -> memref<1x640xf32, #tpu.memory_space<hbm>>
      %dma_start3A_34 = tpu.memref_squeeze %dma_start3A : memref<1x640xf32, #tpu.memory_space<hbm>> -> memref<640xf32, #tpu.memory_space<hbm>>
      %dma_start3A_35 = tpu.memref_slice %arg11[%mul3A_33] : memref<10240xf32, #tpu.memory_space<vmem_shared>> -> memref<640xf32, #tpu.memory_space<vmem_shared>>
      tpu.enqueue_dma source(%dma_start3A_35 : memref<640xf32, #tpu.memory_space<vmem_shared>>) target(%dma_start3A_34 : memref<640xf32, #tpu.memory_space<hbm>>) target_semaphore(%run_scoped3A : memref<!tpu.dma_semaphore, #tpu.memory_space<semaphore_mem>>)
      %dma_wait3A = tpu.memref_slice %arg5[%arg0, %mul3A_33] : memref<2x10240xf32, #tpu.memory_space<hbm>> -> memref<1x640xf32, #tpu.memory_space<hbm>>
      %dma_wait3A_36 = tpu.memref_squeeze %dma_wait3A : memref<1x640xf32, #tpu.memory_space<hbm>> -> memref<640xf32, #tpu.memory_space<hbm>>
      %dma_wait3A_37 = tpu.memref_slice %arg11[%mul3A_33] : memref<10240xf32, #tpu.memory_space<vmem_shared>> -> memref<640xf32, #tpu.memory_space<vmem_shared>>
      tpu.wait_dma2 semaphore(%run_scoped3A : memref<!tpu.dma_semaphore, #tpu.memory_space<semaphore_mem>>) src(%dma_wait3A_37 : memref<640xf32, #tpu.memory_space<vmem_shared>>) dst(%dma_wait3A_36 : memref<640xf32, #tpu.memory_space<hbm>>)
      tpu.yield
    }) : () -> ()
    return
  }
}

#map = affine_map<(d0, d1) -> (0, 0)>
#map1 = affine_map<(d0, d1) -> (0, 0, 0)>
module attributes {stable_mosaic.version = 14 : i64} {
  func.func @_agg_kernel(%arg0: i32, %arg1: i32, %arg2: memref<10240x128xf32, #tpu.memory_space<hbm>>, %arg3: memref<32x10240xi32, #tpu.memory_space<hbm>>, %arg4: memref<32x10240xi32, #tpu.memory_space<hbm>>, %arg5: memref<2x10240x128xf32, #tpu.memory_space<hbm>>, %arg6: memref<10240xi32, #tpu.memory_space<vmem>>, %arg7: memref<10240xi32, #tpu.memory_space<vmem>>, %arg8: memref<40x128xf32, #tpu.memory_space<vmem>>, %arg9: memref<40x128xf32, #tpu.memory_space<vmem>>, %arg10: memref<40x128xf32, #tpu.memory_space<vmem>>, %arg11: memref<40x128xf32, #tpu.memory_space<vmem>>, %arg12: memref<10240x128xf32, #tpu.memory_space<vmem_shared>>, %arg13: memref<!tpu.dma_semaphore, #tpu.memory_space<semaphore_mem>>, %arg14: memref<!tpu.dma_semaphore, #tpu.memory_space<semaphore_mem>>, %arg15: memref<!tpu.dma_semaphore, #tpu.memory_space<semaphore_mem>>, %arg16: memref<!tpu.dma_semaphore, #tpu.memory_space<semaphore_mem>>, %arg17: memref<!tpu.dma_semaphore, #tpu.memory_space<semaphore_mem>>, %arg18: memref<!tpu.dma_semaphore, #tpu.memory_space<semaphore_mem>>, %arg19: memref<!tpu.dma_semaphore, #tpu.memory_space<semaphore_mem>>, %arg20: memref<!tpu.dma_semaphore, #tpu.memory_space<semaphore_mem>>) attributes {dimension_semantics = [#tpu.dimension_semantics<core_parallel>, #tpu.dimension_semantics<subcore_parallel>], iteration_bounds = array<i64: 2, 16>, scalar_prefetch = 0 : i64, scratch_operands = 15 : i64, tpu.core_type = #tpu.core_type<sc_vector_subcore>, window_params = [{transform_indices = #map}, {transform_indices = #map}, {transform_indices = #map}, {transform_indices = #map1}]} {
    %mul3A = arith.constant 16 : i32
    %mul3A_0 = arith.muli %arg0, %mul3A : i32
    %add3A = arith.addi %mul3A_0, %arg1 : i32
    %broadcast_in_dim3A = arith.constant 0.000000e+00 : f32
    %broadcast_in_dim3A_1 = vector.broadcast %broadcast_in_dim3A : f32 to vector<16xf32>
    %scan3A = arith.constant 0 : i32
    %scan3A_2 = arith.constant 0 : i32
    %scan3A_3 = arith.constant 40 : i32
    %scan3A_4 = arith.addi %scan3A_2, %scan3A_3 : i32
    %scan3A_5 = arith.constant 1 : i32
    %scan3A_6 = scf.for %scan3A_113 = %scan3A_2 to %scan3A_4 step %scan3A_5 iter_args(%scan3A_114 = %scan3A) -> (i32)  : i32 {
      %scan3A_115 = arith.constant 0 : i32
      %scan3A_116 = arith.constant 0 : i32
      %scan3A_117 = arith.constant 8 : i32
      %scan3A_118 = arith.addi %scan3A_116, %scan3A_117 : i32
      %scan3A_119 = arith.constant 1 : i32
      %scan3A_120 = scf.for %scan3A_122 = %scan3A_116 to %scan3A_118 step %scan3A_119 iter_args(%scan3A_123 = %scan3A_115) -> (i32)  : i32 {
        %mul3A_124 = arith.constant 16 : i32
        %mul3A_125 = arith.muli %scan3A_122, %mul3A_124 : i32
        %swap3A = arith.index_cast %scan3A_113 : i32 to index
        %swap3A_126 = arith.index_cast %mul3A_125 : i32 to index
        %swap3A_127 = tpu.vector_load %arg8[%swap3A, %swap3A_126] {strides = array<i32>} : memref<40x128xf32, #tpu.memory_space<vmem>>, vector<1x16xf32>,
        %swap3A_128 = vector.shape_cast %swap3A_127 : vector<1x16xf32> to vector<16xf32>
        %swap3A_129 = vector.shape_cast %broadcast_in_dim3A_1 : vector<16xf32> to vector<1x16xf32>
        tpu.vector_store %arg8[%swap3A, %swap3A_126], %swap3A_129 {strides = array<i32>} : memref<40x128xf32, #tpu.memory_space<vmem>>, vector<1x16xf32>,
        %scan3A_130 = arith.constant 0 : i32
        scf.yield %scan3A_130 : i32
      }
      %scan3A_121 = arith.constant 8 : i32
      scf.yield %scan3A_120 : i32
    }
    %scan3A_7 = arith.constant 40 : i32
    %scan3A_8 = arith.constant 0 : i32
    %scan3A_9 = arith.constant 0 : i32
    %scan3A_10 = arith.constant 16 : i32
    %scan3A_11 = arith.addi %scan3A_9, %scan3A_10 : i32
    %scan3A_12 = arith.constant 1 : i32
    %scan3A_13 = scf.for %scan3A_113 = %scan3A_9 to %scan3A_11 step %scan3A_12 iter_args(%scan3A_114 = %scan3A_8) -> (i32)  : i32 {
      %mul3A_115 = arith.constant 640 : i32
      %mul3A_116 = arith.muli %arg1, %mul3A_115 : i32
      %mul3A_117 = arith.constant 40 : i32
      %mul3A_118 = arith.muli %scan3A_113, %mul3A_117 : i32
      %add3A_119 = arith.addi %mul3A_116, %mul3A_118 : i32
      "tpu.region"() ({
        %run_scoped3A = tpu.sem_alloc : memref<!tpu.dma_semaphore, #tpu.memory_space<semaphore_mem>>
        %dma_start3A_121 = arith.constant 0 : i32
        %dma_start3A_122 = tpu.memref_slice %arg12[%add3A_119, %dma_start3A_121] : memref<10240x128xf32, #tpu.memory_space<vmem_shared>> -> memref<40x128xf32, #tpu.memory_space<vmem_shared>>
        %dma_start3A_123 = arith.constant 0 : i32
        %dma_start3A_124 = tpu.memref_slice %arg12[%add3A_119, %dma_start3A_123] : memref<10240x128xf32, #tpu.memory_space<vmem_shared>> -> memref<40x128xf32, #tpu.memory_space<vmem_shared>>
        tpu.enqueue_dma source(%arg8 : memref<40x128xf32, #tpu.memory_space<vmem>>) target(%dma_start3A_124 : memref<40x128xf32, #tpu.memory_space<vmem_shared>>) target_semaphore(%run_scoped3A : memref<!tpu.dma_semaphore, #tpu.memory_space<semaphore_mem>>)
        %dma_wait3A_125 = arith.constant 0 : i32
        %dma_wait3A_126 = tpu.memref_slice %arg12[%add3A_119, %dma_wait3A_125] : memref<10240x128xf32, #tpu.memory_space<vmem_shared>> -> memref<40x128xf32, #tpu.memory_space<vmem_shared>>
        %dma_wait3A_127 = arith.constant 0 : i32
        %dma_wait3A_128 = tpu.memref_slice %arg12[%add3A_119, %dma_wait3A_127] : memref<10240x128xf32, #tpu.memory_space<vmem_shared>> -> memref<40x128xf32, #tpu.memory_space<vmem_shared>>
        tpu.wait_dma2 semaphore(%run_scoped3A : memref<!tpu.dma_semaphore, #tpu.memory_space<semaphore_mem>>) src(%arg8 : memref<40x128xf32, #tpu.memory_space<vmem>>) dst(%dma_wait3A_128 : memref<40x128xf32, #tpu.memory_space<vmem_shared>>)
        tpu.yield
      }) : () -> ()
      %scan3A_120 = arith.constant 0 : i32
      scf.yield %scan3A_120 : i32
    }
    %scan3A_14 = arith.constant 16 : i32
    %barrier3A = arith.constant 0 : index
    tpu.barrier barrier_id(%barrier3A)
    %scan3A_15 = arith.constant 0 : i32
    %scan3A_16 = arith.constant 0 : i32
    %mul3A_17 = arith.constant 10240 : i32
    %mul3A_18 = arith.muli %scan3A_16, %mul3A_17 : i32
    "tpu.region"() ({
      %run_scoped3A = tpu.sem_alloc : memref<!tpu.dma_semaphore, #tpu.memory_space<semaphore_mem>>
      %dma_start3A_113 = tpu.memref_slice %arg3[%add3A, %mul3A_18] : memref<32x10240xi32, #tpu.memory_space<hbm>> -> memref<1x10240xi32, #tpu.memory_space<hbm>>
      %dma_start3A_114 = tpu.memref_squeeze %dma_start3A_113 : memref<1x10240xi32, #tpu.memory_space<hbm>> -> memref<10240xi32, #tpu.memory_space<hbm>>
      %dma_start3A_115 = tpu.memref_slice %arg3[%add3A, %mul3A_18] : memref<32x10240xi32, #tpu.memory_space<hbm>> -> memref<1x10240xi32, #tpu.memory_space<hbm>>
      %dma_start3A_116 = tpu.memref_squeeze %dma_start3A_115 : memref<1x10240xi32, #tpu.memory_space<hbm>> -> memref<10240xi32, #tpu.memory_space<hbm>>
      tpu.enqueue_dma source(%dma_start3A_116 : memref<10240xi32, #tpu.memory_space<hbm>>) target(%arg6 : memref<10240xi32, #tpu.memory_space<vmem>>) target_semaphore(%run_scoped3A : memref<!tpu.dma_semaphore, #tpu.memory_space<semaphore_mem>>)
      %dma_wait3A_117 = tpu.memref_slice %arg3[%add3A, %mul3A_18] : memref<32x10240xi32, #tpu.memory_space<hbm>> -> memref<1x10240xi32, #tpu.memory_space<hbm>>
      %dma_wait3A_118 = tpu.memref_squeeze %dma_wait3A_117 : memref<1x10240xi32, #tpu.memory_space<hbm>> -> memref<10240xi32, #tpu.memory_space<hbm>>
      %dma_wait3A_119 = tpu.memref_slice %arg3[%add3A, %mul3A_18] : memref<32x10240xi32, #tpu.memory_space<hbm>> -> memref<1x10240xi32, #tpu.memory_space<hbm>>
      %dma_wait3A_120 = tpu.memref_squeeze %dma_wait3A_119 : memref<1x10240xi32, #tpu.memory_space<hbm>> -> memref<10240xi32, #tpu.memory_space<hbm>>
      tpu.wait_dma2 semaphore(%run_scoped3A : memref<!tpu.dma_semaphore, #tpu.memory_space<semaphore_mem>>) src(%dma_wait3A_120 : memref<10240xi32, #tpu.memory_space<hbm>>) dst(%arg6 : memref<10240xi32, #tpu.memory_space<vmem>>)
      tpu.yield
    }) : () -> ()
    %mul3A_19 = arith.constant 10240 : i32
    %mul3A_20 = arith.muli %scan3A_16, %mul3A_19 : i32
    "tpu.region"() ({
      %run_scoped3A = tpu.sem_alloc : memref<!tpu.dma_semaphore, #tpu.memory_space<semaphore_mem>>
      %dma_start3A_113 = tpu.memref_slice %arg4[%add3A, %mul3A_20] : memref<32x10240xi32, #tpu.memory_space<hbm>> -> memref<1x10240xi32, #tpu.memory_space<hbm>>
      %dma_start3A_114 = tpu.memref_squeeze %dma_start3A_113 : memref<1x10240xi32, #tpu.memory_space<hbm>> -> memref<10240xi32, #tpu.memory_space<hbm>>
      %dma_start3A_115 = tpu.memref_slice %arg4[%add3A, %mul3A_20] : memref<32x10240xi32, #tpu.memory_space<hbm>> -> memref<1x10240xi32, #tpu.memory_space<hbm>>
      %dma_start3A_116 = tpu.memref_squeeze %dma_start3A_115 : memref<1x10240xi32, #tpu.memory_space<hbm>> -> memref<10240xi32, #tpu.memory_space<hbm>>
      tpu.enqueue_dma source(%dma_start3A_116 : memref<10240xi32, #tpu.memory_space<hbm>>) target(%arg7 : memref<10240xi32, #tpu.memory_space<vmem>>) target_semaphore(%run_scoped3A : memref<!tpu.dma_semaphore, #tpu.memory_space<semaphore_mem>>)
      %dma_wait3A_117 = tpu.memref_slice %arg4[%add3A, %mul3A_20] : memref<32x10240xi32, #tpu.memory_space<hbm>> -> memref<1x10240xi32, #tpu.memory_space<hbm>>
      %dma_wait3A_118 = tpu.memref_squeeze %dma_wait3A_117 : memref<1x10240xi32, #tpu.memory_space<hbm>> -> memref<10240xi32, #tpu.memory_space<hbm>>
      %dma_wait3A_119 = tpu.memref_slice %arg4[%add3A, %mul3A_20] : memref<32x10240xi32, #tpu.memory_space<hbm>> -> memref<1x10240xi32, #tpu.memory_space<hbm>>
      %dma_wait3A_120 = tpu.memref_squeeze %dma_wait3A_119 : memref<1x10240xi32, #tpu.memory_space<hbm>> -> memref<10240xi32, #tpu.memory_space<hbm>>
      tpu.wait_dma2 semaphore(%run_scoped3A : memref<!tpu.dma_semaphore, #tpu.memory_space<semaphore_mem>>) src(%dma_wait3A_120 : memref<10240xi32, #tpu.memory_space<hbm>>) dst(%arg7 : memref<10240xi32, #tpu.memory_space<vmem>>)
      tpu.yield
    }) : () -> ()
    %dma_start3A = arith.constant 0 : i32
    %dma_start3A_21 = tpu.memref_slice %arg6[%dma_start3A] : memref<10240xi32, #tpu.memory_space<vmem>> -> memref<40xi32, #tpu.memory_space<vmem>>
    %dma_start3A_22 = arith.constant 0 : i32
    %dma_start3A_23 = arith.constant 0 : i32
    %dma_start3A_24 = tpu.memref_slice %arg2[%dma_start3A_22, %dma_start3A_23] : memref<10240x128xf32, #tpu.memory_space<hbm>> -> memref<10240x128xf32, #tpu.memory_space<hbm>>
    tpu.enqueue_indirect_dma source(%dma_start3A_24 : memref<10240x128xf32, #tpu.memory_space<hbm>>) target(%arg8 : memref<40x128xf32, #tpu.memory_space<vmem>>) offsets(%dma_start3A_21 : memref<40xi32, #tpu.memory_space<vmem>>) semaphore(%arg13 : memref<!tpu.dma_semaphore, #tpu.memory_space<semaphore_mem>>)
    %dma_start3A_25 = arith.constant 40 : i32
    %dma_start3A_26 = tpu.memref_slice %arg6[%dma_start3A_25] : memref<10240xi32, #tpu.memory_space<vmem>> -> memref<40xi32, #tpu.memory_space<vmem>>
    %dma_start3A_27 = arith.constant 0 : i32
    %dma_start3A_28 = arith.constant 0 : i32
    %dma_start3A_29 = tpu.memref_slice %arg2[%dma_start3A_27, %dma_start3A_28] : memref<10240x128xf32, #tpu.memory_space<hbm>> -> memref<10240x128xf32, #tpu.memory_space<hbm>>
    tpu.enqueue_indirect_dma source(%dma_start3A_29 : memref<10240x128xf32, #tpu.memory_space<hbm>>) target(%arg9 : memref<40x128xf32, #tpu.memory_space<vmem>>) offsets(%dma_start3A_26 : memref<40xi32, #tpu.memory_space<vmem>>) semaphore(%arg14 : memref<!tpu.dma_semaphore, #tpu.memory_space<semaphore_mem>>)
    %dma_start3A_30 = arith.constant 80 : i32
    %dma_start3A_31 = tpu.memref_slice %arg6[%dma_start3A_30] : memref<10240xi32, #tpu.memory_space<vmem>> -> memref<40xi32, #tpu.memory_space<vmem>>
    %dma_start3A_32 = arith.constant 0 : i32
    %dma_start3A_33 = arith.constant 0 : i32
    %dma_start3A_34 = tpu.memref_slice %arg2[%dma_start3A_32, %dma_start3A_33] : memref<10240x128xf32, #tpu.memory_space<hbm>> -> memref<10240x128xf32, #tpu.memory_space<hbm>>
    tpu.enqueue_indirect_dma source(%dma_start3A_34 : memref<10240x128xf32, #tpu.memory_space<hbm>>) target(%arg10 : memref<40x128xf32, #tpu.memory_space<vmem>>) offsets(%dma_start3A_31 : memref<40xi32, #tpu.memory_space<vmem>>) semaphore(%arg15 : memref<!tpu.dma_semaphore, #tpu.memory_space<semaphore_mem>>)
    %dma_wait3A = arith.constant 0 : i32
    %dma_wait3A_35 = tpu.memref_slice %arg6[%dma_wait3A] : memref<10240xi32, #tpu.memory_space<vmem>> -> memref<40xi32, #tpu.memory_space<vmem>>
    %dma_wait3A_36 = arith.constant 0 : i32
    %dma_wait3A_37 = arith.constant 0 : i32
    %dma_wait3A_38 = tpu.memref_slice %arg2[%dma_wait3A_36, %dma_wait3A_37] : memref<10240x128xf32, #tpu.memory_space<hbm>> -> memref<10240x128xf32, #tpu.memory_space<hbm>>
    tpu.wait_indirect_dma semaphore(%arg13 : memref<!tpu.dma_semaphore, #tpu.memory_space<semaphore_mem>>) src(%dma_wait3A_38 : memref<10240x128xf32, #tpu.memory_space<hbm>>) dst(%arg8 : memref<40x128xf32, #tpu.memory_space<vmem>>)
    %dma_start3A_39 = arith.constant 0 : i32
    %dma_start3A_40 = tpu.memref_slice %arg7[%dma_start3A_39] : memref<10240xi32, #tpu.memory_space<vmem>> -> memref<40xi32, #tpu.memory_space<vmem>>
    %dma_start3A_41 = arith.constant 0 : i32
    %dma_start3A_42 = arith.constant 0 : i32
    %dma_start3A_43 = tpu.memref_slice %arg12[%dma_start3A_41, %dma_start3A_42] : memref<10240x128xf32, #tpu.memory_space<vmem_shared>> -> memref<10240x128xf32, #tpu.memory_space<vmem_shared>>
    tpu.enqueue_indirect_dma source(%arg8 : memref<40x128xf32, #tpu.memory_space<vmem>>) target(%dma_start3A_43 : memref<10240x128xf32, #tpu.memory_space<vmem_shared>>) offsets(%dma_start3A_40 : memref<40xi32, #tpu.memory_space<vmem>>) semaphore(%arg17 : memref<!tpu.dma_semaphore, #tpu.memory_space<semaphore_mem>>) {add = true}
    %dma_start3A_44 = arith.constant 120 : i32
    %dma_start3A_45 = tpu.memref_slice %arg6[%dma_start3A_44] : memref<10240xi32, #tpu.memory_space<vmem>> -> memref<40xi32, #tpu.memory_space<vmem>>
    %dma_start3A_46 = arith.constant 0 : i32
    %dma_start3A_47 = arith.constant 0 : i32
    %dma_start3A_48 = tpu.memref_slice %arg2[%dma_start3A_46, %dma_start3A_47] : memref<10240x128xf32, #tpu.memory_space<hbm>> -> memref<10240x128xf32, #tpu.memory_space<hbm>>
    tpu.enqueue_indirect_dma source(%dma_start3A_48 : memref<10240x128xf32, #tpu.memory_space<hbm>>) target(%arg11 : memref<40x128xf32, #tpu.memory_space<vmem>>) offsets(%dma_start3A_45 : memref<40xi32, #tpu.memory_space<vmem>>) semaphore(%arg16 : memref<!tpu.dma_semaphore, #tpu.memory_space<semaphore_mem>>)
    %dma_wait3A_49 = arith.constant 40 : i32
    %dma_wait3A_50 = tpu.memref_slice %arg6[%dma_wait3A_49] : memref<10240xi32, #tpu.memory_space<vmem>> -> memref<40xi32, #tpu.memory_space<vmem>>
    %dma_wait3A_51 = arith.constant 0 : i32
    %dma_wait3A_52 = arith.constant 0 : i32
    %dma_wait3A_53 = tpu.memref_slice %arg2[%dma_wait3A_51, %dma_wait3A_52] : memref<10240x128xf32, #tpu.memory_space<hbm>> -> memref<10240x128xf32, #tpu.memory_space<hbm>>
    tpu.wait_indirect_dma semaphore(%arg14 : memref<!tpu.dma_semaphore, #tpu.memory_space<semaphore_mem>>) src(%dma_wait3A_53 : memref<10240x128xf32, #tpu.memory_space<hbm>>) dst(%arg9 : memref<40x128xf32, #tpu.memory_space<vmem>>)
    %dma_start3A_54 = arith.constant 40 : i32
    %dma_start3A_55 = tpu.memref_slice %arg7[%dma_start3A_54] : memref<10240xi32, #tpu.memory_space<vmem>> -> memref<40xi32, #tpu.memory_space<vmem>>
    %dma_start3A_56 = arith.constant 0 : i32
    %dma_start3A_57 = arith.constant 0 : i32
    %dma_start3A_58 = tpu.memref_slice %arg12[%dma_start3A_56, %dma_start3A_57] : memref<10240x128xf32, #tpu.memory_space<vmem_shared>> -> memref<10240x128xf32, #tpu.memory_space<vmem_shared>>
    tpu.enqueue_indirect_dma source(%arg9 : memref<40x128xf32, #tpu.memory_space<vmem>>) target(%dma_start3A_58 : memref<10240x128xf32, #tpu.memory_space<vmem_shared>>) offsets(%dma_start3A_55 : memref<40xi32, #tpu.memory_space<vmem>>) semaphore(%arg18 : memref<!tpu.dma_semaphore, #tpu.memory_space<semaphore_mem>>) {add = true}
    %scan3A_59 = arith.constant 0 : i32
    %scan3A_60 = arith.constant 0 : i32
    %scan3A_61 = arith.constant 63 : i32
    %scan3A_62 = arith.addi %scan3A_60, %scan3A_61 : i32
    %scan3A_63 = arith.constant 1 : i32
    %scan3A_64 = scf.for %scan3A_113 = %scan3A_60 to %scan3A_62 step %scan3A_63 iter_args(%scan3A_114 = %scan3A_59) -> (i32)  : i32 {
      %mul3A_115 = arith.constant 4 : i32
      %mul3A_116 = arith.muli %mul3A_115, %scan3A_113 : i32
      %add3A_117 = arith.constant 2 : i32
      %add3A_118 = arith.addi %add3A_117, %mul3A_116 : i32
      %add3A_119 = arith.constant 0 : i32
      %add3A_120 = arith.addi %add3A_118, %add3A_119 : i32
      %sub3A = arith.constant 2 : i32
      %sub3A_121 = arith.subi %add3A_120, %sub3A : i32
      %mul3A_122 = arith.constant 40 : i32
      %mul3A_123 = arith.muli %sub3A_121, %mul3A_122 : i32
      %dma_wait3A_124 = tpu.memref_slice %arg7[%mul3A_123] : memref<10240xi32, #tpu.memory_space<vmem>> -> memref<40xi32, #tpu.memory_space<vmem>>
      %dma_wait3A_125 = arith.constant 0 : i32
      %dma_wait3A_126 = arith.constant 0 : i32
      %dma_wait3A_127 = tpu.memref_slice %arg12[%dma_wait3A_125, %dma_wait3A_126] : memref<10240x128xf32, #tpu.memory_space<vmem_shared>> -> memref<10240x128xf32, #tpu.memory_space<vmem_shared>>
      tpu.wait_indirect_dma semaphore(%arg17 : memref<!tpu.dma_semaphore, #tpu.memory_space<semaphore_mem>>) src(%arg8 : memref<40x128xf32, #tpu.memory_space<vmem>>) dst(%dma_wait3A_127 : memref<10240x128xf32, #tpu.memory_space<vmem_shared>>)
      %add3A_128 = arith.constant 2 : i32
      %add3A_129 = arith.addi %add3A_120, %add3A_128 : i32
      %mul3A_130 = arith.constant 40 : i32
      %mul3A_131 = arith.muli %add3A_129, %mul3A_130 : i32
      %dma_start3A_132 = tpu.memref_slice %arg6[%mul3A_131] : memref<10240xi32, #tpu.memory_space<vmem>> -> memref<40xi32, #tpu.memory_space<vmem>>
      %dma_start3A_133 = arith.constant 0 : i32
      %dma_start3A_134 = arith.constant 0 : i32
      %dma_start3A_135 = tpu.memref_slice %arg2[%dma_start3A_133, %dma_start3A_134] : memref<10240x128xf32, #tpu.memory_space<hbm>> -> memref<10240x128xf32, #tpu.memory_space<hbm>>
      tpu.enqueue_indirect_dma source(%dma_start3A_135 : memref<10240x128xf32, #tpu.memory_space<hbm>>) target(%arg8 : memref<40x128xf32, #tpu.memory_space<vmem>>) offsets(%dma_start3A_132 : memref<40xi32, #tpu.memory_space<vmem>>) semaphore(%arg13 : memref<!tpu.dma_semaphore, #tpu.memory_space<semaphore_mem>>)
      %mul3A_136 = arith.constant 40 : i32
      %mul3A_137 = arith.muli %add3A_120, %mul3A_136 : i32
      %dma_wait3A_138 = tpu.memref_slice %arg6[%mul3A_137] : memref<10240xi32, #tpu.memory_space<vmem>> -> memref<40xi32, #tpu.memory_space<vmem>>
      %dma_wait3A_139 = arith.constant 0 : i32
      %dma_wait3A_140 = arith.constant 0 : i32
      %dma_wait3A_141 = tpu.memref_slice %arg2[%dma_wait3A_139, %dma_wait3A_140] : memref<10240x128xf32, #tpu.memory_space<hbm>> -> memref<10240x128xf32, #tpu.memory_space<hbm>>
      tpu.wait_indirect_dma semaphore(%arg15 : memref<!tpu.dma_semaphore, #tpu.memory_space<semaphore_mem>>) src(%dma_wait3A_141 : memref<10240x128xf32, #tpu.memory_space<hbm>>) dst(%arg10 : memref<40x128xf32, #tpu.memory_space<vmem>>)
      %mul3A_142 = arith.constant 40 : i32
      %mul3A_143 = arith.muli %add3A_120, %mul3A_142 : i32
      %dma_start3A_144 = tpu.memref_slice %arg7[%mul3A_143] : memref<10240xi32, #tpu.memory_space<vmem>> -> memref<40xi32, #tpu.memory_space<vmem>>
      %dma_start3A_145 = arith.constant 0 : i32
      %dma_start3A_146 = arith.constant 0 : i32
      %dma_start3A_147 = tpu.memref_slice %arg12[%dma_start3A_145, %dma_start3A_146] : memref<10240x128xf32, #tpu.memory_space<vmem_shared>> -> memref<10240x128xf32, #tpu.memory_space<vmem_shared>>
      tpu.enqueue_indirect_dma source(%arg10 : memref<40x128xf32, #tpu.memory_space<vmem>>) target(%dma_start3A_147 : memref<10240x128xf32, #tpu.memory_space<vmem_shared>>) offsets(%dma_start3A_144 : memref<40xi32, #tpu.memory_space<vmem>>) semaphore(%arg19 : memref<!tpu.dma_semaphore, #tpu.memory_space<semaphore_mem>>) {add = true}
      %mul3A_148 = arith.constant 4 : i32
      %mul3A_149 = arith.muli %mul3A_148, %scan3A_113 : i32
      %add3A_150 = arith.constant 2 : i32
      %add3A_151 = arith.addi %add3A_150, %mul3A_149 : i32
      %add3A_152 = arith.constant 1 : i32
      %add3A_153 = arith.addi %add3A_151, %add3A_152 : i32
      %sub3A_154 = arith.constant 2 : i32
      %sub3A_155 = arith.subi %add3A_153, %sub3A_154 : i32
      %mul3A_156 = arith.constant 40 : i32
      %mul3A_157 = arith.muli %sub3A_155, %mul3A_156 : i32
      %dma_wait3A_158 = tpu.memref_slice %arg7[%mul3A_157] : memref<10240xi32, #tpu.memory_space<vmem>> -> memref<40xi32, #tpu.memory_space<vmem>>
      %dma_wait3A_159 = arith.constant 0 : i32
      %dma_wait3A_160 = arith.constant 0 : i32
      %dma_wait3A_161 = tpu.memref_slice %arg12[%dma_wait3A_159, %dma_wait3A_160] : memref<10240x128xf32, #tpu.memory_space<vmem_shared>> -> memref<10240x128xf32, #tpu.memory_space<vmem_shared>>
      tpu.wait_indirect_dma semaphore(%arg18 : memref<!tpu.dma_semaphore, #tpu.memory_space<semaphore_mem>>) src(%arg9 : memref<40x128xf32, #tpu.memory_space<vmem>>) dst(%dma_wait3A_161 : memref<10240x128xf32, #tpu.memory_space<vmem_shared>>)
      %add3A_162 = arith.constant 2 : i32
      %add3A_163 = arith.addi %add3A_153, %add3A_162 : i32
      %mul3A_164 = arith.constant 40 : i32
      %mul3A_165 = arith.muli %add3A_163, %mul3A_164 : i32
      %dma_start3A_166 = tpu.memref_slice %arg6[%mul3A_165] : memref<10240xi32, #tpu.memory_space<vmem>> -> memref<40xi32, #tpu.memory_space<vmem>>
      %dma_start3A_167 = arith.constant 0 : i32
      %dma_start3A_168 = arith.constant 0 : i32
      %dma_start3A_169 = tpu.memref_slice %arg2[%dma_start3A_167, %dma_start3A_168] : memref<10240x128xf32, #tpu.memory_space<hbm>> -> memref<10240x128xf32, #tpu.memory_space<hbm>>
      tpu.enqueue_indirect_dma source(%dma_start3A_169 : memref<10240x128xf32, #tpu.memory_space<hbm>>) target(%arg9 : memref<40x128xf32, #tpu.memory_space<vmem>>) offsets(%dma_start3A_166 : memref<40xi32, #tpu.memory_space<vmem>>) semaphore(%arg14 : memref<!tpu.dma_semaphore, #tpu.memory_space<semaphore_mem>>)
      %mul3A_170 = arith.constant 40 : i32
      %mul3A_171 = arith.muli %add3A_153, %mul3A_170 : i32
      %dma_wait3A_172 = tpu.memref_slice %arg6[%mul3A_171] : memref<10240xi32, #tpu.memory_space<vmem>> -> memref<40xi32, #tpu.memory_space<vmem>>
      %dma_wait3A_173 = arith.constant 0 : i32
      %dma_wait3A_174 = arith.constant 0 : i32
      %dma_wait3A_175 = tpu.memref_slice %arg2[%dma_wait3A_173, %dma_wait3A_174] : memref<10240x128xf32, #tpu.memory_space<hbm>> -> memref<10240x128xf32, #tpu.memory_space<hbm>>
      tpu.wait_indirect_dma semaphore(%arg16 : memref<!tpu.dma_semaphore, #tpu.memory_space<semaphore_mem>>) src(%dma_wait3A_175 : memref<10240x128xf32, #tpu.memory_space<hbm>>) dst(%arg11 : memref<40x128xf32, #tpu.memory_space<vmem>>)
      %mul3A_176 = arith.constant 40 : i32
      %mul3A_177 = arith.muli %add3A_153, %mul3A_176 : i32
      %dma_start3A_178 = tpu.memref_slice %arg7[%mul3A_177] : memref<10240xi32, #tpu.memory_space<vmem>> -> memref<40xi32, #tpu.memory_space<vmem>>
      %dma_start3A_179 = arith.constant 0 : i32
      %dma_start3A_180 = arith.constant 0 : i32
      %dma_start3A_181 = tpu.memref_slice %arg12[%dma_start3A_179, %dma_start3A_180] : memref<10240x128xf32, #tpu.memory_space<vmem_shared>> -> memref<10240x128xf32, #tpu.memory_space<vmem_shared>>
      tpu.enqueue_indirect_dma source(%arg11 : memref<40x128xf32, #tpu.memory_space<vmem>>) target(%dma_start3A_181 : memref<10240x128xf32, #tpu.memory_space<vmem_shared>>) offsets(%dma_start3A_178 : memref<40xi32, #tpu.memory_space<vmem>>) semaphore(%arg20 : memref<!tpu.dma_semaphore, #tpu.memory_space<semaphore_mem>>) {add = true}
      %mul3A_182 = arith.constant 4 : i32
      %mul3A_183 = arith.muli %mul3A_182, %scan3A_113 : i32
      %add3A_184 = arith.constant 2 : i32
      %add3A_185 = arith.addi %add3A_184, %mul3A_183 : i32
      %add3A_186 = arith.constant 2 : i32
      %add3A_187 = arith.addi %add3A_185, %add3A_186 : i32
      %sub3A_188 = arith.constant 2 : i32
      %sub3A_189 = arith.subi %add3A_187, %sub3A_188 : i32
      %mul3A_190 = arith.constant 40 : i32
      %mul3A_191 = arith.muli %sub3A_189, %mul3A_190 : i32
      %dma_wait3A_192 = tpu.memref_slice %arg7[%mul3A_191] : memref<10240xi32, #tpu.memory_space<vmem>> -> memref<40xi32, #tpu.memory_space<vmem>>
      %dma_wait3A_193 = arith.constant 0 : i32
      %dma_wait3A_194 = arith.constant 0 : i32
      %dma_wait3A_195 = tpu.memref_slice %arg12[%dma_wait3A_193, %dma_wait3A_194] : memref<10240x128xf32, #tpu.memory_space<vmem_shared>> -> memref<10240x128xf32, #tpu.memory_space<vmem_shared>>
      tpu.wait_indirect_dma semaphore(%arg19 : memref<!tpu.dma_semaphore, #tpu.memory_space<semaphore_mem>>) src(%arg10 : memref<40x128xf32, #tpu.memory_space<vmem>>) dst(%dma_wait3A_195 : memref<10240x128xf32, #tpu.memory_space<vmem_shared>>)
      %add3A_196 = arith.constant 2 : i32
      %add3A_197 = arith.addi %add3A_187, %add3A_196 : i32
      %mul3A_198 = arith.constant 40 : i32
      %mul3A_199 = arith.muli %add3A_197, %mul3A_198 : i32
      %dma_start3A_200 = tpu.memref_slice %arg6[%mul3A_199] : memref<10240xi32, #tpu.memory_space<vmem>> -> memref<40xi32, #tpu.memory_space<vmem>>
      %dma_start3A_201 = arith.constant 0 : i32
      %dma_start3A_202 = arith.constant 0 : i32
      %dma_start3A_203 = tpu.memref_slice %arg2[%dma_start3A_201, %dma_start3A_202] : memref<10240x128xf32, #tpu.memory_space<hbm>> -> memref<10240x128xf32, #tpu.memory_space<hbm>>
      tpu.enqueue_indirect_dma source(%dma_start3A_203 : memref<10240x128xf32, #tpu.memory_space<hbm>>) target(%arg10 : memref<40x128xf32, #tpu.memory_space<vmem>>) offsets(%dma_start3A_200 : memref<40xi32, #tpu.memory_space<vmem>>) semaphore(%arg15 : memref<!tpu.dma_semaphore, #tpu.memory_space<semaphore_mem>>)
      %mul3A_204 = arith.constant 40 : i32
      %mul3A_205 = arith.muli %add3A_187, %mul3A_204 : i32
      %dma_wait3A_206 = tpu.memref_slice %arg6[%mul3A_205] : memref<10240xi32, #tpu.memory_space<vmem>> -> memref<40xi32, #tpu.memory_space<vmem>>
      %dma_wait3A_207 = arith.constant 0 : i32
      %dma_wait3A_208 = arith.constant 0 : i32
      %dma_wait3A_209 = tpu.memref_slice %arg2[%dma_wait3A_207, %dma_wait3A_208] : memref<10240x128xf32, #tpu.memory_space<hbm>> -> memref<10240x128xf32, #tpu.memory_space<hbm>>
      tpu.wait_indirect_dma semaphore(%arg13 : memref<!tpu.dma_semaphore, #tpu.memory_space<semaphore_mem>>) src(%dma_wait3A_209 : memref<10240x128xf32, #tpu.memory_space<hbm>>) dst(%arg8 : memref<40x128xf32, #tpu.memory_space<vmem>>)
      %mul3A_210 = arith.constant 40 : i32
      %mul3A_211 = arith.muli %add3A_187, %mul3A_210 : i32
      %dma_start3A_212 = tpu.memref_slice %arg7[%mul3A_211] : memref<10240xi32, #tpu.memory_space<vmem>> -> memref<40xi32, #tpu.memory_space<vmem>>
      %dma_start3A_213 = arith.constant 0 : i32
      %dma_start3A_214 = arith.constant 0 : i32
      %dma_start3A_215 = tpu.memref_slice %arg12[%dma_start3A_213, %dma_start3A_214] : memref<10240x128xf32, #tpu.memory_space<vmem_shared>> -> memref<10240x128xf32, #tpu.memory_space<vmem_shared>>
      tpu.enqueue_indirect_dma source(%arg8 : memref<40x128xf32, #tpu.memory_space<vmem>>) target(%dma_start3A_215 : memref<10240x128xf32, #tpu.memory_space<vmem_shared>>) offsets(%dma_start3A_212 : memref<40xi32, #tpu.memory_space<vmem>>) semaphore(%arg17 : memref<!tpu.dma_semaphore, #tpu.memory_space<semaphore_mem>>) {add = true}
      %mul3A_216 = arith.constant 4 : i32
      %mul3A_217 = arith.muli %mul3A_216, %scan3A_113 : i32
      %add3A_218 = arith.constant 2 : i32
      %add3A_219 = arith.addi %add3A_218, %mul3A_217 : i32
      %add3A_220 = arith.constant 3 : i32
      %add3A_221 = arith.addi %add3A_219, %add3A_220 : i32
      %sub3A_222 = arith.constant 2 : i32
      %sub3A_223 = arith.subi %add3A_221, %sub3A_222 : i32
      %mul3A_224 = arith.constant 40 : i32
      %mul3A_225 = arith.muli %sub3A_223, %mul3A_224 : i32
      %dma_wait3A_226 = tpu.memref_slice %arg7[%mul3A_225] : memref<10240xi32, #tpu.memory_space<vmem>> -> memref<40xi32, #tpu.memory_space<vmem>>
      %dma_wait3A_227 = arith.constant 0 : i32
      %dma_wait3A_228 = arith.constant 0 : i32
      %dma_wait3A_229 = tpu.memref_slice %arg12[%dma_wait3A_227, %dma_wait3A_228] : memref<10240x128xf32, #tpu.memory_space<vmem_shared>> -> memref<10240x128xf32, #tpu.memory_space<vmem_shared>>
      tpu.wait_indirect_dma semaphore(%arg20 : memref<!tpu.dma_semaphore, #tpu.memory_space<semaphore_mem>>) src(%arg11 : memref<40x128xf32, #tpu.memory_space<vmem>>) dst(%dma_wait3A_229 : memref<10240x128xf32, #tpu.memory_space<vmem_shared>>)
      %add3A_230 = arith.constant 2 : i32
      %add3A_231 = arith.addi %add3A_221, %add3A_230 : i32
      %mul3A_232 = arith.constant 40 : i32
      %mul3A_233 = arith.muli %add3A_231, %mul3A_232 : i32
      %dma_start3A_234 = tpu.memref_slice %arg6[%mul3A_233] : memref<10240xi32, #tpu.memory_space<vmem>> -> memref<40xi32, #tpu.memory_space<vmem>>
      %dma_start3A_235 = arith.constant 0 : i32
      %dma_start3A_236 = arith.constant 0 : i32
      %dma_start3A_237 = tpu.memref_slice %arg2[%dma_start3A_235, %dma_start3A_236] : memref<10240x128xf32, #tpu.memory_space<hbm>> -> memref<10240x128xf32, #tpu.memory_space<hbm>>
      tpu.enqueue_indirect_dma source(%dma_start3A_237 : memref<10240x128xf32, #tpu.memory_space<hbm>>) target(%arg11 : memref<40x128xf32, #tpu.memory_space<vmem>>) offsets(%dma_start3A_234 : memref<40xi32, #tpu.memory_space<vmem>>) semaphore(%arg16 : memref<!tpu.dma_semaphore, #tpu.memory_space<semaphore_mem>>)
      %mul3A_238 = arith.constant 40 : i32
      %mul3A_239 = arith.muli %add3A_221, %mul3A_238 : i32
      %dma_wait3A_240 = tpu.memref_slice %arg6[%mul3A_239] : memref<10240xi32, #tpu.memory_space<vmem>> -> memref<40xi32, #tpu.memory_space<vmem>>
      %dma_wait3A_241 = arith.constant 0 : i32
      %dma_wait3A_242 = arith.constant 0 : i32
      %dma_wait3A_243 = tpu.memref_slice %arg2[%dma_wait3A_241, %dma_wait3A_242] : memref<10240x128xf32, #tpu.memory_space<hbm>> -> memref<10240x128xf32, #tpu.memory_space<hbm>>
      tpu.wait_indirect_dma semaphore(%arg14 : memref<!tpu.dma_semaphore, #tpu.memory_space<semaphore_mem>>) src(%dma_wait3A_243 : memref<10240x128xf32, #tpu.memory_space<hbm>>) dst(%arg9 : memref<40x128xf32, #tpu.memory_space<vmem>>)
      %mul3A_244 = arith.constant 40 : i32
      %mul3A_245 = arith.muli %add3A_221, %mul3A_244 : i32
      %dma_start3A_246 = tpu.memref_slice %arg7[%mul3A_245] : memref<10240xi32, #tpu.memory_space<vmem>> -> memref<40xi32, #tpu.memory_space<vmem>>
      %dma_start3A_247 = arith.constant 0 : i32
      %dma_start3A_248 = arith.constant 0 : i32
      %dma_start3A_249 = tpu.memref_slice %arg12[%dma_start3A_247, %dma_start3A_248] : memref<10240x128xf32, #tpu.memory_space<vmem_shared>> -> memref<10240x128xf32, #tpu.memory_space<vmem_shared>>
      tpu.enqueue_indirect_dma source(%arg9 : memref<40x128xf32, #tpu.memory_space<vmem>>) target(%dma_start3A_249 : memref<10240x128xf32, #tpu.memory_space<vmem_shared>>) offsets(%dma_start3A_246 : memref<40xi32, #tpu.memory_space<vmem>>) semaphore(%arg18 : memref<!tpu.dma_semaphore, #tpu.memory_space<semaphore_mem>>) {add = true}
      %scan3A_250 = arith.constant 0 : i32
      scf.yield %scan3A_250 : i32
    }
    %scan3A_65 = arith.constant 63 : i32
    %dma_wait3A_66 = arith.constant 10160 : i32
    %dma_wait3A_67 = tpu.memref_slice %arg6[%dma_wait3A_66] : memref<10240xi32, #tpu.memory_space<vmem>> -> memref<40xi32, #tpu.memory_space<vmem>>
    %dma_wait3A_68 = arith.constant 0 : i32
    %dma_wait3A_69 = arith.constant 0 : i32
    %dma_wait3A_70 = tpu.memref_slice %arg2[%dma_wait3A_68, %dma_wait3A_69] : memref<10240x128xf32, #tpu.memory_space<hbm>> -> memref<10240x128xf32, #tpu.memory_space<hbm>>
    tpu.wait_indirect_dma semaphore(%arg15 : memref<!tpu.dma_semaphore, #tpu.memory_space<semaphore_mem>>) src(%dma_wait3A_70 : memref<10240x128xf32, #tpu.memory_space<hbm>>) dst(%arg10 : memref<40x128xf32, #tpu.memory_space<vmem>>)
    %dma_start3A_71 = arith.constant 10160 : i32
    %dma_start3A_72 = tpu.memref_slice %arg7[%dma_start3A_71] : memref<10240xi32, #tpu.memory_space<vmem>> -> memref<40xi32, #tpu.memory_space<vmem>>
    %dma_start3A_73 = arith.constant 0 : i32
    %dma_start3A_74 = arith.constant 0 : i32
    %dma_start3A_75 = tpu.memref_slice %arg12[%dma_start3A_73, %dma_start3A_74] : memref<10240x128xf32, #tpu.memory_space<vmem_shared>> -> memref<10240x128xf32, #tpu.memory_space<vmem_shared>>
    tpu.enqueue_indirect_dma source(%arg10 : memref<40x128xf32, #tpu.memory_space<vmem>>) target(%dma_start3A_75 : memref<10240x128xf32, #tpu.memory_space<vmem_shared>>) offsets(%dma_start3A_72 : memref<40xi32, #tpu.memory_space<vmem>>) semaphore(%arg19 : memref<!tpu.dma_semaphore, #tpu.memory_space<semaphore_mem>>) {add = true}
    %dma_wait3A_76 = arith.constant 10200 : i32
    %dma_wait3A_77 = tpu.memref_slice %arg6[%dma_wait3A_76] : memref<10240xi32, #tpu.memory_space<vmem>> -> memref<40xi32, #tpu.memory_space<vmem>>
    %dma_wait3A_78 = arith.constant 0 : i32
    %dma_wait3A_79 = arith.constant 0 : i32
    %dma_wait3A_80 = tpu.memref_slice %arg2[%dma_wait3A_78, %dma_wait3A_79] : memref<10240x128xf32, #tpu.memory_space<hbm>> -> memref<10240x128xf32, #tpu.memory_space<hbm>>
    tpu.wait_indirect_dma semaphore(%arg16 : memref<!tpu.dma_semaphore, #tpu.memory_space<semaphore_mem>>) src(%dma_wait3A_80 : memref<10240x128xf32, #tpu.memory_space<hbm>>) dst(%arg11 : memref<40x128xf32, #tpu.memory_space<vmem>>)
    %dma_start3A_81 = arith.constant 10200 : i32
    %dma_start3A_82 = tpu.memref_slice %arg7[%dma_start3A_81] : memref<10240xi32, #tpu.memory_space<vmem>> -> memref<40xi32, #tpu.memory_space<vmem>>
    %dma_start3A_83 = arith.constant 0 : i32
    %dma_start3A_84 = arith.constant 0 : i32
    %dma_start3A_85 = tpu.memref_slice %arg12[%dma_start3A_83, %dma_start3A_84] : memref<10240x128xf32, #tpu.memory_space<vmem_shared>> -> memref<10240x128xf32, #tpu.memory_space<vmem_shared>>
    tpu.enqueue_indirect_dma source(%arg11 : memref<40x128xf32, #tpu.memory_space<vmem>>) target(%dma_start3A_85 : memref<10240x128xf32, #tpu.memory_space<vmem_shared>>) offsets(%dma_start3A_82 : memref<40xi32, #tpu.memory_space<vmem>>) semaphore(%arg20 : memref<!tpu.dma_semaphore, #tpu.memory_space<semaphore_mem>>) {add = true}
    %dma_wait3A_86 = arith.constant 10080 : i32
    %dma_wait3A_87 = tpu.memref_slice %arg7[%dma_wait3A_86] : memref<10240xi32, #tpu.memory_space<vmem>> -> memref<40xi32, #tpu.memory_space<vmem>>
    %dma_wait3A_88 = arith.constant 0 : i32
    %dma_wait3A_89 = arith.constant 0 : i32
    %dma_wait3A_90 = tpu.memref_slice %arg12[%dma_wait3A_88, %dma_wait3A_89] : memref<10240x128xf32, #tpu.memory_space<vmem_shared>> -> memref<10240x128xf32, #tpu.memory_space<vmem_shared>>
    tpu.wait_indirect_dma semaphore(%arg17 : memref<!tpu.dma_semaphore, #tpu.memory_space<semaphore_mem>>) src(%arg8 : memref<40x128xf32, #tpu.memory_space<vmem>>) dst(%dma_wait3A_90 : memref<10240x128xf32, #tpu.memory_space<vmem_shared>>)
    %dma_wait3A_91 = arith.constant 10120 : i32
    %dma_wait3A_92 = tpu.memref_slice %arg7[%dma_wait3A_91] : memref<10240xi32, #tpu.memory_space<vmem>> -> memref<40xi32, #tpu.memory_space<vmem>>
    %dma_wait3A_93 = arith.constant 0 : i32
    %dma_wait3A_94 = arith.constant 0 : i32
    %dma_wait3A_95 = tpu.memref_slice %arg12[%dma_wait3A_93, %dma_wait3A_94] : memref<10240x128xf32, #tpu.memory_space<vmem_shared>> -> memref<10240x128xf32, #tpu.memory_space<vmem_shared>>
    tpu.wait_indirect_dma semaphore(%arg18 : memref<!tpu.dma_semaphore, #tpu.memory_space<semaphore_mem>>) src(%arg9 : memref<40x128xf32, #tpu.memory_space<vmem>>) dst(%dma_wait3A_95 : memref<10240x128xf32, #tpu.memory_space<vmem_shared>>)
    %dma_wait3A_96 = arith.constant 10160 : i32
    %dma_wait3A_97 = tpu.memref_slice %arg7[%dma_wait3A_96] : memref<10240xi32, #tpu.memory_space<vmem>> -> memref<40xi32, #tpu.memory_space<vmem>>
    %dma_wait3A_98 = arith.constant 0 : i32
    %dma_wait3A_99 = arith.constant 0 : i32
    %dma_wait3A_100 = tpu.memref_slice %arg12[%dma_wait3A_98, %dma_wait3A_99] : memref<10240x128xf32, #tpu.memory_space<vmem_shared>> -> memref<10240x128xf32, #tpu.memory_space<vmem_shared>>
    tpu.wait_indirect_dma semaphore(%arg19 : memref<!tpu.dma_semaphore, #tpu.memory_space<semaphore_mem>>) src(%arg10 : memref<40x128xf32, #tpu.memory_space<vmem>>) dst(%dma_wait3A_100 : memref<10240x128xf32, #tpu.memory_space<vmem_shared>>)
    %dma_wait3A_101 = arith.constant 10200 : i32
    %dma_wait3A_102 = tpu.memref_slice %arg7[%dma_wait3A_101] : memref<10240xi32, #tpu.memory_space<vmem>> -> memref<40xi32, #tpu.memory_space<vmem>>
    %dma_wait3A_103 = arith.constant 0 : i32
    %dma_wait3A_104 = arith.constant 0 : i32
    %dma_wait3A_105 = tpu.memref_slice %arg12[%dma_wait3A_103, %dma_wait3A_104] : memref<10240x128xf32, #tpu.memory_space<vmem_shared>> -> memref<10240x128xf32, #tpu.memory_space<vmem_shared>>
    tpu.wait_indirect_dma semaphore(%arg20 : memref<!tpu.dma_semaphore, #tpu.memory_space<semaphore_mem>>) src(%arg11 : memref<40x128xf32, #tpu.memory_space<vmem>>) dst(%dma_wait3A_105 : memref<10240x128xf32, #tpu.memory_space<vmem_shared>>)
    %scan3A_106 = arith.constant 0 : i32
    %scan3A_107 = arith.constant 1 : i32
    %barrier3A_108 = arith.constant 0 : index
    tpu.barrier barrier_id(%barrier3A_108)
    %mul3A_109 = arith.constant 640 : i32
    %mul3A_110 = arith.muli %arg1, %mul3A_109 : i32
    %mul3A_111 = arith.constant 640 : i32
    %mul3A_112 = arith.muli %arg1, %mul3A_111 : i32
    "tpu.region"() ({
      %run_scoped3A = tpu.sem_alloc : memref<!tpu.dma_semaphore, #tpu.memory_space<semaphore_mem>>
      %dma_start3A_113 = arith.constant 0 : i32
      %dma_start3A_114 = tpu.memref_slice %arg5[%arg0, %mul3A_112, %dma_start3A_113] : memref<2x10240x128xf32, #tpu.memory_space<hbm>> -> memref<1x640x128xf32, #tpu.memory_space<hbm>>
      %dma_start3A_115 = tpu.memref_squeeze %dma_start3A_114 : memref<1x640x128xf32, #tpu.memory_space<hbm>> -> memref<640x128xf32, #tpu.memory_space<hbm>>
      %dma_start3A_116 = arith.constant 0 : i32
      %dma_start3A_117 = tpu.memref_slice %arg12[%mul3A_110, %dma_start3A_116] : memref<10240x128xf32, #tpu.memory_space<vmem_shared>> -> memref<640x128xf32, #tpu.memory_space<vmem_shared>>
      tpu.enqueue_dma source(%dma_start3A_117 : memref<640x128xf32, #tpu.memory_space<vmem_shared>>) target(%dma_start3A_115 : memref<640x128xf32, #tpu.memory_space<hbm>>) target_semaphore(%run_scoped3A : memref<!tpu.dma_semaphore, #tpu.memory_space<semaphore_mem>>)
      %dma_wait3A_118 = arith.constant 0 : i32
      %dma_wait3A_119 = tpu.memref_slice %arg5[%arg0, %mul3A_112, %dma_wait3A_118] : memref<2x10240x128xf32, #tpu.memory_space<hbm>> -> memref<1x640x128xf32, #tpu.memory_space<hbm>>
      %dma_wait3A_120 = tpu.memref_squeeze %dma_wait3A_119 : memref<1x640x128xf32, #tpu.memory_space<hbm>> -> memref<640x128xf32, #tpu.memory_space<hbm>>
      %dma_wait3A_121 = arith.constant 0 : i32
      %dma_wait3A_122 = tpu.memref_slice %arg12[%mul3A_110, %dma_wait3A_121] : memref<10240x128xf32, #tpu.memory_space<vmem_shared>> -> memref<640x128xf32, #tpu.memory_space<vmem_shared>>
      tpu.wait_dma2 semaphore(%run_scoped3A : memref<!tpu.dma_semaphore, #tpu.memory_space<semaphore_mem>>) src(%dma_wait3A_122 : memref<640x128xf32, #tpu.memory_space<vmem_shared>>) dst(%dma_wait3A_120 : memref<640x128xf32, #tpu.memory_space<hbm>>)
      tpu.yield
    }) : () -> ()
    return
  }
}

module attributes {stable_mosaic.version = 14 : i64} {
  func.func @_xw_body(%arg0: memref<10000x128xf32, #tpu.memory_space<vmem>>, %arg1: memref<128x128xf32, #tpu.memory_space<vmem>>, %arg2: memref<10000x128xf32, #tpu.memory_space<vmem>>) attributes {dimension_semantics = [], scalar_prefetch = 0 : i64, scratch_operands = 0 : i64, tpu.core_type = #tpu.core_type<tc>} {
    %get3A = arith.constant 0 : index
    %get3A_0 = arith.constant 0 : index
    %get3A_1 = vector.load %arg0[%get3A, %get3A_0] : memref<10000x128xf32, #tpu.memory_space<vmem>>, vector<10000x128xf32>
    %get3A_2 = arith.constant 0 : index
    %get3A_3 = arith.constant 0 : index
    %get3A_4 = vector.load %arg1[%get3A_2, %get3A_3] : memref<128x128xf32, #tpu.memory_space<vmem>>, vector<128x128xf32>
    %dot_general3A = arith.constant dense<0.000000e+00> : vector<10000x128xf32>
    %dot_general3A_5 = tpu.matmul %get3A_1, %get3A_4, %dot_general3A {dimension_numbers = #tpu.dot_dimension_numbers<[1], [0], [0], [1], [0, 0, 1, 1], [], []>, transpose_lhs_hint = false} : vector<10000x128xf32>, vector<128x128xf32>, vector<10000x128xf32> -> vector<10000x128xf32>
    %swap3A = arith.constant 0 : index
    %swap3A_6 = arith.constant 0 : index
    %swap3A_7 = vector.load %arg2[%swap3A, %swap3A_6] : memref<10000x128xf32, #tpu.memory_space<vmem>>, vector<10000x128xf32>
    tpu.vector_store %arg2[%swap3A, %swap3A_6], %dot_general3A_5 {strides = array<i32>} : memref<10000x128xf32, #tpu.memory_space<vmem>>, vector<10000x128xf32>,
    return
  }
}

module attributes {stable_mosaic.version = 14 : i64} {
  func.func @_norms_body(%arg0: memref<2x10240x1xf32, #tpu.memory_space<vmem>>, %arg1: memref<2x10240x1xf32, #tpu.memory_space<vmem>>, %arg2: memref<10000x128xf32, #tpu.memory_space<vmem>>, %arg3: memref<10240x128xf32, #tpu.memory_space<vmem>>, %arg4: memref<10240x1xf32, #tpu.memory_space<vmem>>, %arg5: memref<10240x1xf32, #tpu.memory_space<vmem>>) attributes {dimension_semantics = [], scalar_prefetch = 0 : i64, scratch_operands = 0 : i64, tpu.core_type = #tpu.core_type<tc>} {
    %get3A = arith.constant 0 : index
    %get3A_0 = arith.constant 0 : index
    %get3A_1 = arith.constant 0 : index
    %get3A_2 = vector.load %arg0[%get3A, %get3A_0, %get3A_1] : memref<2x10240x1xf32, #tpu.memory_space<vmem>>, vector<1x10240x1xf32>
    %get3A_3 = vector.shape_cast %get3A_2 : vector<1x10240x1xf32> to vector<10240x1xf32>
    %get3A_4 = arith.constant 1 : index
    %get3A_5 = arith.constant 0 : index
    %get3A_6 = arith.constant 0 : index
    %get3A_7 = vector.load %arg0[%get3A_4, %get3A_5, %get3A_6] : memref<2x10240x1xf32, #tpu.memory_space<vmem>>, vector<1x10240x1xf32>
    %get3A_8 = vector.shape_cast %get3A_7 : vector<1x10240x1xf32> to vector<10240x1xf32>
    %add3A = arith.addf %get3A_3, %get3A_8 : vector<10240x1xf32>
    %get3A_9 = arith.constant 0 : index
    %get3A_10 = arith.constant 0 : index
    %get3A_11 = arith.constant 0 : index
    %get3A_12 = vector.load %arg1[%get3A_9, %get3A_10, %get3A_11] : memref<2x10240x1xf32, #tpu.memory_space<vmem>>, vector<1x10240x1xf32>
    %get3A_13 = vector.shape_cast %get3A_12 : vector<1x10240x1xf32> to vector<10240x1xf32>
    %get3A_14 = arith.constant 1 : index
    %get3A_15 = arith.constant 0 : index
    %get3A_16 = arith.constant 0 : index
    %get3A_17 = vector.load %arg1[%get3A_14, %get3A_15, %get3A_16] : memref<2x10240x1xf32, #tpu.memory_space<vmem>>, vector<1x10240x1xf32>
    %get3A_18 = vector.shape_cast %get3A_17 : vector<1x10240x1xf32> to vector<10240x1xf32>
    %add3A_19 = arith.addf %get3A_13, %get3A_18 : vector<10240x1xf32>
    %gt3A = arith.constant 0.000000e+00 : f32
    %gt3A_20 = vector.broadcast %gt3A : f32 to vector<10240x1xf32>
    %gt3A_21 = arith.cmpf ogt, %add3A, %gt3A_20 : vector<10240x1xf32>
    %max3A = arith.constant 9.99999996E-13 : f32
    %max3A_22 = vector.broadcast %max3A : f32 to vector<10240x1xf32>
    %max3A_23 = arith.maximumf %add3A, %max3A_22 : vector<10240x1xf32>
    %rsqrt3A = math.rsqrt %max3A_23 : vector<10240x1xf32>
    %jit3A = arith.constant 0.000000e+00 : f32
    %broadcast_in_dim3A = vector.broadcast %jit3A : f32 to vector<10240x1xf32>
    %select_n3A = arith.select %gt3A_21, %rsqrt3A, %broadcast_in_dim3A : vector<10240x1xi1>, vector<10240x1xf32>
    %gt3A_24 = arith.constant 0.000000e+00 : f32
    %gt3A_25 = vector.broadcast %gt3A_24 : f32 to vector<10240x1xf32>
    %gt3A_26 = arith.cmpf ogt, %add3A_19, %gt3A_25 : vector<10240x1xf32>
    %max3A_27 = arith.constant 9.99999996E-13 : f32
    %max3A_28 = vector.broadcast %max3A_27 : f32 to vector<10240x1xf32>
    %max3A_29 = arith.maximumf %add3A_19, %max3A_28 : vector<10240x1xf32>
    %rsqrt3A_30 = math.rsqrt %max3A_29 : vector<10240x1xf32>
    %jit3A_31 = arith.constant 0.000000e+00 : f32
    %broadcast_in_dim3A_32 = vector.broadcast %jit3A_31 : f32 to vector<10240x1xf32>
    %select_n3A_33 = arith.select %gt3A_26, %rsqrt3A_30, %broadcast_in_dim3A_32 : vector<10240x1xi1>, vector<10240x1xf32>
    %swap3A = arith.constant 0 : index
    %swap3A_34 = arith.constant 0 : index
    %swap3A_35 = vector.load %arg4[%swap3A, %swap3A_34] : memref<10240x1xf32, #tpu.memory_space<vmem>>, vector<10240x1xf32>
    tpu.vector_store %arg4[%swap3A, %swap3A_34], %select_n3A {strides = array<i32>} : memref<10240x1xf32, #tpu.memory_space<vmem>>, vector<10240x1xf32>,
    %swap3A_36 = arith.constant 0 : index
    %swap3A_37 = arith.constant 0 : index
    %swap3A_38 = vector.load %arg5[%swap3A_36, %swap3A_37] : memref<10240x1xf32, #tpu.memory_space<vmem>>, vector<10240x1xf32>
    tpu.vector_store %arg5[%swap3A_36, %swap3A_37], %select_n3A_33 {strides = array<i32>} : memref<10240x1xf32, #tpu.memory_space<vmem>>, vector<10240x1xf32>,
    %get3A_39 = arith.constant 0 : index
    %get3A_40 = arith.constant 0 : index
    %get3A_41 = vector.load %arg2[%get3A_39, %get3A_40] : memref<10000x128xf32, #tpu.memory_space<vmem>>, vector<10000x128xf32>
    %slice3A = vector.extract_strided_slice %select_n3A {offsets = [0, 0], sizes = [10000, 1], strides = [1, 1]} : vector<10240x1xf32> to vector<10000x1xf32>
    %mul3A = vector.broadcast %slice3A : vector<10000x1xf32> to vector<10000x128xf32>
    %mul3A_42 = arith.mulf %get3A_41, %mul3A : vector<10000x128xf32>
    %swap3A_43 = arith.constant 0 : index
    %swap3A_44 = arith.constant 0 : index
    %swap3A_45 = vector.load %arg3[%swap3A_43, %swap3A_44] : memref<10240x128xf32, #tpu.memory_space<vmem>>, vector<10000x128xf32>
    tpu.vector_store %arg3[%swap3A_43, %swap3A_44], %mul3A_42 {strides = array<i32>} : memref<10240x128xf32, #tpu.memory_space<vmem>>, vector<10000x128xf32>,
    %broadcast_in_dim3A_46 = arith.constant 0.000000e+00 : f32
    %broadcast_in_dim3A_47 = vector.broadcast %broadcast_in_dim3A_46 : f32 to vector<240x128xf32>
    %swap3A_48 = arith.constant 10000 : index
    %swap3A_49 = arith.constant 0 : index
    %swap3A_50 = vector.load %arg3[%swap3A_48, %swap3A_49] : memref<10240x128xf32, #tpu.memory_space<vmem>>, vector<240x128xf32>
    tpu.vector_store %arg3[%swap3A_48, %swap3A_49], %broadcast_in_dim3A_47 {strides = array<i32>} : memref<10240x128xf32, #tpu.memory_space<vmem>>, vector<240x128xf32>,
    return
  }
}

module attributes {stable_mosaic.version = 14 : i64} {
  func.func @_layer_body(%arg0: memref<2x10240x128xf32, #tpu.memory_space<vmem>>, %arg1: memref<10240x1xf32, #tpu.memory_space<vmem>>, %arg2: memref<1x128xf32, #tpu.memory_space<vmem>>, %arg3: memref<128x128xf32, #tpu.memory_space<vmem>>, %arg4: memref<10240x1xf32, #tpu.memory_space<vmem>>, %arg5: memref<10240x128xf32, #tpu.memory_space<vmem>>) attributes {dimension_semantics = [], scalar_prefetch = 0 : i64, scratch_operands = 0 : i64, tpu.core_type = #tpu.core_type<tc>} {
    %get3A = arith.constant 0 : index
    %get3A_0 = arith.constant 0 : index
    %get3A_1 = arith.constant 0 : index
    %get3A_2 = vector.load %arg0[%get3A, %get3A_0, %get3A_1] : memref<2x10240x128xf32, #tpu.memory_space<vmem>>, vector<1x10240x128xf32>
    %get3A_3 = vector.shape_cast %get3A_2 : vector<1x10240x128xf32> to vector<10240x128xf32>
    %get3A_4 = arith.constant 1 : index
    %get3A_5 = arith.constant 0 : index
    %get3A_6 = arith.constant 0 : index
    %get3A_7 = vector.load %arg0[%get3A_4, %get3A_5, %get3A_6] : memref<2x10240x128xf32, #tpu.memory_space<vmem>>, vector<1x10240x128xf32>
    %get3A_8 = vector.shape_cast %get3A_7 : vector<1x10240x128xf32> to vector<10240x128xf32>
    %add3A = arith.addf %get3A_3, %get3A_8 : vector<10240x128xf32>
    %get3A_9 = arith.constant 0 : index
    %get3A_10 = arith.constant 0 : index
    %get3A_11 = vector.load %arg1[%get3A_9, %get3A_10] : memref<10240x1xf32, #tpu.memory_space<vmem>>, vector<10240x1xf32>
    %mul3A = vector.broadcast %get3A_11 : vector<10240x1xf32> to vector<10240x128xf32>
    %mul3A_12 = arith.mulf %add3A, %mul3A : vector<10240x128xf32>
    %get3A_13 = arith.constant 0 : index
    %get3A_14 = arith.constant 0 : index
    %get3A_15 = vector.load %arg2[%get3A_13, %get3A_14] : memref<1x128xf32, #tpu.memory_space<vmem>>, vector<1x128xf32>
    %add3A_16 = vector.broadcast %get3A_15 : vector<1x128xf32> to vector<10240x128xf32>
    %add3A_17 = arith.addf %mul3A_12, %add3A_16 : vector<10240x128xf32>
    %max3A = arith.constant 0.000000e+00 : f32
    %max3A_18 = vector.broadcast %max3A : f32 to vector<10240x128xf32>
    %max3A_19 = arith.maximumf %add3A_17, %max3A_18 : vector<10240x128xf32>
    %get3A_20 = arith.constant 0 : index
    %get3A_21 = arith.constant 0 : index
    %get3A_22 = vector.load %arg3[%get3A_20, %get3A_21] : memref<128x128xf32, #tpu.memory_space<vmem>>, vector<128x128xf32>
    %dot_general3A = arith.constant dense<0.000000e+00> : vector<10240x128xf32>
    %dot_general3A_23 = tpu.matmul %max3A_19, %get3A_22, %dot_general3A {dimension_numbers = #tpu.dot_dimension_numbers<[1], [0], [0], [1], [0, 0, 1, 1], [], []>, transpose_lhs_hint = false} : vector<10240x128xf32>, vector<128x128xf32>, vector<10240x128xf32> -> vector<10240x128xf32>
    %get3A_24 = arith.constant 0 : index
    %get3A_25 = arith.constant 0 : index
    %get3A_26 = vector.load %arg4[%get3A_24, %get3A_25] : memref<10240x1xf32, #tpu.memory_space<vmem>>, vector<10240x1xf32>
    %mul3A_27 = vector.broadcast %get3A_26 : vector<10240x1xf32> to vector<10240x128xf32>
    %mul3A_28 = arith.mulf %dot_general3A_23, %mul3A_27 : vector<10240x128xf32>
    %swap3A = arith.constant 0 : index
    %swap3A_29 = arith.constant 0 : index
    %swap3A_30 = vector.load %arg5[%swap3A, %swap3A_29] : memref<10240x128xf32, #tpu.memory_space<vmem>>, vector<10240x128xf32>
    tpu.vector_store %arg5[%swap3A, %swap3A_29], %mul3A_28 {strides = array<i32>} : memref<10240x128xf32, #tpu.memory_space<vmem>>, vector<10240x128xf32>,
    return
  }
}

module attributes {stable_mosaic.version = 14 : i64} {
  func.func @_final_body(%arg0: memref<2x10240x128xf32, #tpu.memory_space<vmem>>, %arg1: memref<10240x1xf32, #tpu.memory_space<vmem>>, %arg2: memref<1x128xf32, #tpu.memory_space<vmem>>, %arg3: memref<128x128xf32, #tpu.memory_space<vmem>>, %arg4: memref<1x128xf32, #tpu.memory_space<vmem>>, %arg5: memref<128x128xf32, #tpu.memory_space<vmem>>, %arg6: memref<1x128xf32, #tpu.memory_space<vmem>>, %arg7: memref<1x128xf32, #tpu.memory_space<vmem>>, %arg8: memref<10000x128xf32, #tpu.memory_space<vmem>>) attributes {dimension_semantics = [], scalar_prefetch = 0 : i64, scratch_operands = 0 : i64, tpu.core_type = #tpu.core_type<tc>} {
    %get3A = arith.constant 0 : index
    %get3A_0 = arith.constant 0 : index
    %get3A_1 = arith.constant 0 : index
    %get3A_2 = vector.load %arg0[%get3A, %get3A_0, %get3A_1] : memref<2x10240x128xf32, #tpu.memory_space<vmem>>, vector<1x10000x128xf32>
    %get3A_3 = vector.shape_cast %get3A_2 : vector<1x10000x128xf32> to vector<10000x128xf32>
    %get3A_4 = arith.constant 1 : index
    %get3A_5 = arith.constant 0 : index
    %get3A_6 = arith.constant 0 : index
    %get3A_7 = vector.load %arg0[%get3A_4, %get3A_5, %get3A_6] : memref<2x10240x128xf32, #tpu.memory_space<vmem>>, vector<1x10000x128xf32>
    %get3A_8 = vector.shape_cast %get3A_7 : vector<1x10000x128xf32> to vector<10000x128xf32>
    %add3A = arith.addf %get3A_3, %get3A_8 : vector<10000x128xf32>
    %get3A_9 = arith.constant 0 : index
    %get3A_10 = arith.constant 0 : index
    %get3A_11 = vector.load %arg1[%get3A_9, %get3A_10] : memref<10240x1xf32, #tpu.memory_space<vmem>>, vector<10000x1xf32>
    %mul3A = vector.broadcast %get3A_11 : vector<10000x1xf32> to vector<10000x128xf32>
    %mul3A_12 = arith.mulf %add3A, %mul3A : vector<10000x128xf32>
    %get3A_13 = arith.constant 0 : index
    %get3A_14 = arith.constant 0 : index
    %get3A_15 = vector.load %arg2[%get3A_13, %get3A_14] : memref<1x128xf32, #tpu.memory_space<vmem>>, vector<1x128xf32>
    %add3A_16 = vector.broadcast %get3A_15 : vector<1x128xf32> to vector<10000x128xf32>
    %add3A_17 = arith.addf %mul3A_12, %add3A_16 : vector<10000x128xf32>
    %max3A = arith.constant 0.000000e+00 : f32
    %max3A_18 = vector.broadcast %max3A : f32 to vector<10000x128xf32>
    %max3A_19 = arith.maximumf %add3A_17, %max3A_18 : vector<10000x128xf32>
    %swap3A = arith.constant 0 : index
    %swap3A_20 = arith.constant 0 : index
    %swap3A_21 = vector.load %arg8[%swap3A, %swap3A_20] : memref<10000x128xf32, #tpu.memory_space<vmem>>, vector<10000x128xf32>
    tpu.vector_store %arg8[%swap3A, %swap3A_20], %max3A_19 {strides = array<i32>} : memref<10000x128xf32, #tpu.memory_space<vmem>>, vector<10000x128xf32>,
    %reduce_sum3A = arith.constant dense<0.000000e+00> : vector<128xf32>
    %reduce_sum3A_22 = vector.multi_reduction <add>, %max3A_19, %reduce_sum3A [0] : vector<10000x128xf32> to vector<128xf32>
    %broadcast_in_dim3A = vector.shape_cast %reduce_sum3A_22 : vector<128xf32> to vector<1x128xf32>
    %mul3A_23 = arith.constant 9.99999974E-5 : f32
    %mul3A_24 = vector.broadcast %mul3A_23 : f32 to vector<1x128xf32>
    %mul3A_25 = arith.mulf %broadcast_in_dim3A, %mul3A_24 : vector<1x128xf32>
    %get3A_26 = arith.constant 0 : index
    %get3A_27 = arith.constant 0 : index
    %get3A_28 = vector.load %arg3[%get3A_26, %get3A_27] : memref<128x128xf32, #tpu.memory_space<vmem>>, vector<128x128xf32>
    %dot_general3A = arith.constant dense<0.000000e+00> : vector<1x128xf32>
    %dot_general3A_29 = tpu.matmul %mul3A_25, %get3A_28, %dot_general3A {dimension_numbers = #tpu.dot_dimension_numbers<[1], [0], [0], [1], [0, 0, 1, 1], [], []>, transpose_lhs_hint = false} : vector<1x128xf32>, vector<128x128xf32>, vector<1x128xf32> -> vector<1x128xf32>
    %get3A_30 = arith.constant 0 : index
    %get3A_31 = arith.constant 0 : index
    %get3A_32 = vector.load %arg4[%get3A_30, %get3A_31] : memref<1x128xf32, #tpu.memory_space<vmem>>, vector<1x128xf32>
    %add3A_33 = arith.addf %dot_general3A_29, %get3A_32 : vector<1x128xf32>
    %max3A_34 = arith.constant 0.000000e+00 : f32
    %max3A_35 = vector.broadcast %max3A_34 : f32 to vector<1x128xf32>
    %max3A_36 = arith.maximumf %add3A_33, %max3A_35 : vector<1x128xf32>
    %get3A_37 = arith.constant 0 : index
    %get3A_38 = arith.constant 0 : index
    %get3A_39 = vector.load %arg5[%get3A_37, %get3A_38] : memref<128x128xf32, #tpu.memory_space<vmem>>, vector<128x128xf32>
    %dot_general3A_40 = arith.constant dense<0.000000e+00> : vector<1x128xf32>
    %dot_general3A_41 = tpu.matmul %max3A_36, %get3A_39, %dot_general3A_40 {dimension_numbers = #tpu.dot_dimension_numbers<[1], [0], [0], [1], [0, 0, 1, 1], [], []>, transpose_lhs_hint = false} : vector<1x128xf32>, vector<128x128xf32>, vector<1x128xf32> -> vector<1x128xf32>
    %get3A_42 = arith.constant 0 : index
    %get3A_43 = arith.constant 0 : index
    %get3A_44 = vector.load %arg6[%get3A_42, %get3A_43] : memref<1x128xf32, #tpu.memory_space<vmem>>, vector<1x128xf32>
    %add3A_45 = arith.addf %dot_general3A_41, %get3A_44 : vector<1x128xf32>
    %swap3A_46 = arith.constant 0 : index
    %swap3A_47 = arith.constant 0 : index
    %swap3A_48 = vector.load %arg7[%swap3A_46, %swap3A_47] : memref<1x128xf32, #tpu.memory_space<vmem>>, vector<1x128xf32>
    tpu.vector_store %arg7[%swap3A_46, %swap3A_47], %add3A_45 {strides = array<i32>} : memref<1x128xf32, #tpu.memory_space<vmem>>, vector<1x128xf32>,
    return
  }
}

</mosaic_0001>

<sc_bundles>
// kernel: kernel.12.cloned.1.call-start
scs
__scs_entry_jumppad:
0x0: {  	(pc) =	sbr.rel $0x88, $3  }
0x1: {  	(tag) =	ssettag $0x0;
	lr =	simm.s32 $0x1  }
0x2: {  	[smem:$0x3F97] =	sst lr;
	_ =	strace $0xD0000000  }
0x3: {  	_ = 	snop  }
0x4: {  	_ = 	snop  }
0x5: {  	_ = 	snop  }
0x6: {  	_ = 	snop  }
0x7: {  	_ = 	snop  }
__scs_overlays_trampoline_lowered:
0x8: {  	[smem:$0x3FA6] =	sst s0  }
0x9: {  	[smem:$0x3FA7] =	sst s1  }
0xa: {  	[smem:$0x3FA8] =	sst s2  }
0xb: {  	[smem:$0x3FA9] =	sst s3  }
0xc: {  	[smem:$0x3FAA] =	sst s4  }
0xd: {  	[smem:$0x3FAB] =	sst s5  }
0xe: {  	[smem:$0x3FAC] =	sst s6  }
0xf: {  	[smem:$0x3FAD] =	sst s7  }
0x10: {  	[smem:$0x3FAE] =	sst s8  }
0x11: {  	[smem:$0x3FAF] =	sst s9;
	s0 =	simm.s32 @!p0 $0x0  }
0x12: {  	s1 =	sld [smem:$0x3F95];
	s0 =	simm.s32 @p0 $0x1  }
0x13: {  	[smem:$0x3FB0] =	sst s0;
	s0 =	simm.s32 @!p1 $0x0  }
0x14: {  	s2 =	sld [smem:$0x3F94];
	s0 =	simm.s32 @p1 $0x1  }
0x15: {  	[smem:$0x3FB1] =	sst s0;
	s0 =	simm.s32 @!p2 $0x0  }
0x16: {  	s3 =	sld [smem:$0x3FDB];
	s0 =	simm.s32 @p2 $0x1  }
0x17: {  	s4 =	simm.s32 $0x1BF5;
	[smem:$0x3FB3] =	sst s0  }
0x18: {  	s0 =	sld [smem:$0x3F96];
	_ =	swait.ge [sflag:s4], $0x0  }
0x19: {  	s7 =	sld [smem:$0x3F97]  }
0x1a: {  	s8 =	sadd.s32 $0xFFFFE003, lr  }
0x1b: {  	s9 =	sadd.s32 $0xFFFFFEF7, lr;
	s5 =	simm.s32 $0xFFFFFFFF;
	p2 =	slt.u32 s8, $0xFFFFF086  }
0x1c: {  	p1 =	slt.u32 s9, $0xF7A;
	s5 =	simm.s32 @!p2 $0x0  }
0x1d: {  	s5 =	simm.s32 @p1 $0x1;
	p0 =	seq.s32 s7, s2  }
0x1e: {  	s7 =	smul.u32 @!p0 $0xF7A, s2;
	p2 =	seq.s32 @!p0 s5, $0x0  }
0x1f: {  	s9 =	smul.u32 $0xF7A, s1;
	s8 =	simm.s32 @!p0 $0x1BF5;
	p2 =	por !p2, p0  }
0x20: {  	[sflag:s8] =	ssyncset.s32 @!p0 $0xFFFFF086;
	s6 =	sadd.s32 @!p0 s3, s7;
	s7 =	simm.s32 @!p0 $0x108  }
0x21: {  	s3 =	sadd.s32 s3, s9;
	s6 =	sadd.s32 @!p0 $0x88, s6;
	s7 =	simm.s32 @p2 $0x1082  }
0x22: {  	[simem:s7], [sflag:s8] =	dma.local @!p0 [hbm:s6], $0xF7A  }
0x23: {  	s9 =	sor.u32 $0xD0000000, s2;
	s6 =	simm.s32 $0x108;
	_ =	swait.ge @!p0 [sflag:s8], $0x0  }
0x24: {  	s3 =	sadd.s32 $0x88, s3;
	s6 =	simm.s32 @!p1 $0x1082;
	[sflag:s4] =	ssyncset.s32 $0xFFFFF086  }
0x25: {  	[simem:s6], [sflag:s4] =	dma.local [hbm:s3], $0xF7A  }
0x26: {  	[smem:$0x3F97] =	sst s1;
	(tag) =	ssettag s2;
	_ =	strace s9  }
0x27: {  	s1 =	sld [smem:$0x3FA7]  }
0x28: {  	s2 =	sld [smem:$0x3FA8]  }
0x29: {  	s4 =	sld [smem:$0x3FAA]  }
0x2a: {  	p0 =	seq.s32 s5, $0x0;
	s5 =	sld [smem:$0x3FAB]  }
0x2b: {  	s6 =	sld [smem:$0x3FAC]  }
0x2c: {  	s7 =	sld [smem:$0x3FAD]  }
0x2d: {  	s3 =	simm.s32 $0x108;
	s8 =	sld [smem:$0x3FAE]  }
0x2e: {  	s3 =	simm.s32 @!p0 $0x1082;
	s9 =	sld [smem:$0x3FAF]  }
0x2f: {  	lr =	sadd.s32 s0, s3;
	s0 =	sld [smem:$0x3FA6]  }
0x30: {  	s3 =	sld [smem:$0x3FA9]  }
0x31: {  	[smem:$0x3FB2] =	sst s10  }
0x32: {  	s10 =	sld [smem:$0x3FB0];
	_ =	sdelay $0x3  }
0x33: {  	p0 =	seq.s32 s10, $0x1;
	s10 =	sld [smem:$0x3FB2];
	_ =	sdelay $0x3  }
0x34: {  	[smem:$0x3FB2] =	sst s10  }
0x35: {  	s10 =	sld [smem:$0x3FB1];
	_ =	sdelay $0x3  }
0x36: {  	p1 =	seq.s32 s10, $0x1;
	s10 =	sld [smem:$0x3FB2];
	_ =	sdelay $0x3  }
0x37: {  	[smem:$0x3FB2] =	sst s10  }
0x38: {  	s10 =	sld [smem:$0x3FB3]  }
0x39: {  	_ = 	snop;
	(pc) =	sbr.ind lr, $3  }
0x3a: {  	_ = 	snop  }
0x3b: {  	_ = 	snop  }
0x3c: {  	p2 =	seq.s32 s10, $0x1;
	s10 =	sld [smem:$0x3FB2]  }
0x3d: {  	_ =	shalt  }
0x3e: {  	_ =	shalt  }
0x3f: {  	_ =	shalt  }
0x40: {  	_ =	shalt  }
0x41: {  	_ =	shalt  }
0x42: {  	_ =	shalt  }
0x43: {  	_ =	shalt  }
0x44: {  	_ =	shalt  }
0x45: {  	_ =	shalt  }
0x46: {  	_ =	shalt  }
0x47: {  	_ =	shalt  }
0x48: {  	_ =	shalt  }
0x49: {  	_ =	shalt  }
0x4a: {  	_ =	shalt  }
0x4b: {  	_ =	shalt  }
0x4c: {  	_ =	shalt  }
0x4d: {  	_ =	shalt  }
0x4e: {  	_ =	shalt  }
0x4f: {  	_ =	shalt  }
0x50: {  	_ =	shalt  }
0x51: {  	_ =	shalt  }
0x52: {  	_ =	shalt  }
0x53: {  	_ =	shalt  }
0x54: {  	_ =	shalt  }
0x55: {  	_ =	shalt  }
0x56: {  	_ =	shalt  }
0x57: {  	_ =	shalt  }
0x58: {  	_ =	shalt  }
0x59: {  	_ =	shalt  }
0x5a: {  	_ =	shalt  }
0x5b: {  	_ =	shalt  }
0x5c: {  	_ =	shalt  }
0x5d: {  	_ =	shalt  }
0x5e: {  	_ =	shalt  }
0x5f: {  	_ =	shalt  }
0x60: {  	_ =	shalt  }
0x61: {  	_ =	shalt  }
0x62: {  	_ =	shalt  }
0x63: {  	_ =	shalt  }
0x64: {  	_ =	shalt  }
0x65: {  	_ =	shalt  }
0x66: {  	_ =	shalt  }
0x67: {  	_ =	shalt  }
0x68: {  	_ =	shalt  }
0x69: {  	_ =	shalt  }
0x6a: {  	_ =	shalt  }
0x6b: {  	_ =	shalt  }
0x6c: {  	_ =	shalt  }
0x6d: {  	_ =	shalt  }
0x6e: {  	_ =	shalt  }
0x6f: {  	_ =	shalt  }
0x70: {  	_ =	shalt  }
0x71: {  	_ =	shalt  }
0x72: {  	_ =	shalt  }
0x73: {  	_ =	shalt  }
0x74: {  	_ =	shalt  }
0x75: {  	_ =	shalt  }
0x76: {  	_ =	shalt  }
0x77: {  	_ =	shalt  }
0x78: {  	_ =	shalt  }
0x79: {  	_ =	shalt  }
0x7a: {  	_ =	shalt  }
0x7b: {  	_ =	shalt  }
0x7c: {  	_ =	shalt  }
0x7d: {  	_ =	shalt  }
0x7e: {  	_ =	shalt  }
0x7f: {  	_ =	shalt  }
0x80: {  	_ =	shalt  }
0x81: {  	_ =	shalt  }
0x82: {  	_ =	shalt  }
0x83: {  	_ =	shalt  }
0x84: {  	_ =	shalt  }
0x85: {  	_ =	shalt  }
0x86: {  	_ =	shalt  }
0x87: {  	_ =	shalt  }
.Lfunc_end0:
.L_simem_size_0:
called_computation.1_lowered:
.L_overlay_start_0:
0x88: {  	s2 =	sld [smem:$0x3FD9]  }
0x89: {  	s3 =	sld [smem:$0x3FFE];
	_ =	sdelay $0x1  }
0x8a: {  	s1 =	srdreg.scid  }
0x8b: {  	s0 =	sand.u32 $0x1, s1  }
0x8c: {  	s14 =	sshll.u32 s0, $0xA;
	s2 =	sadd.s32 s3, s2  }
0x8d: {  	s2 =	sadd.s32 s2, s14  }
0x8e: {  	[smem:$0x3FBE] =	sst s2  }
0x8f: {  	_ = 	snop  }
0x90: {  	s2 =	sld [smem:$0x3FD0];
	_ =	sdelay $0x2  }
0x91: {  	s15 =	simm.s32 $0xA;
	s4 =	simm.s32 $0x10  }
0x92: {  	[smem:s4], [sflag:s15] =	dma.local [hbm:s2], $0x1  }
0x93: {  	_ =	swait.eq [sflag:s15], $0x1  }
0x94: {  	[sflag:s15] =	ssyncset.done $0x0  }
0x95: {  	[sflag:s15] =	ssyncadd.s32 $0xFFFFFFFF  }
0x96: {  	s16 =	sld [smem:$0x11];
	(tm) =	ssettm $0x1  }
0x97: {  	s17 =	sld [smem:$0x3FFB];
	_ =	sdelay $0x3  }
0x98: {  	_ =	strace s17  }
0x99: {  	s3 =	sld [smem:$0x3FFC];
	_ =	sdelay $0x3  }
0x9a: {  	_ =	strace s3  }
0x9b: {  	s3 =	sld [smem:$0x3FFD];
	_ =	sdelay $0x3  }
0x9c: {  	_ =	strace s3  }
0x9d: {  	_ =	strace $0x8FFFFFFF  }
0x9e: {  	s18 =	sld [smem:$0x3FDB];
	_ =	sdelay $0x1  }
0x9f: {  	s19 =	simm.s32 $_scs_section_size  }
0xa0: {  	s5 =	simm.s32 $_size__tile_overlayer_lowered;
	s6 =	simm.s32 $_tile_overlayer_lowered  }
0xa1: {  	s22 =	simm.s32 $0x1BFF;
	s21 =	sshll.u32 s6, $0x1;
	s3 =	sadd.s32 s19, s18  }
0xa2: {  	s7 =	simm.s32 $0x0;
	s20 =	sshll.u32 s5, $0x1;
	s5 =	sadd.s32 s21, s3  }
0xa3: {  	[timem:s7], [sflag:s22] =	dma.local [hbm:s5], s20  }
0xa4: {  	_ =	swait.ge [sflag:s22], s20  }
0xa5: {  	s4 =	ssub.s32 $0x0, s20;
	[sflag:s22] =	ssyncset.done $0x0  }
0xa6: {  	[sflag:s22] =	ssyncadd.s32 s4;
	_ =	sdelay $0x1  }
0xa7: {  	s23 =	simm.s32 $0x1B8B  }
0xa8: {  	_ =	swait.ge [sflag:s23], $0x1  }
0xa9: {  	[sflag:s23] =	ssyncset.done $0x0  }
0xaa: {  	s25 =	simm.s32 $0x1B8E;
	s24 =	sld [smem:$0x3FFE];
	[sflag:s23] =	ssyncadd.s32 $0xFFFFFFFF  }
0xab: {  	s26 =	simm.s32 $execute0_lowered;
	[smem:$0x3FD2] =	sst s25  }
0xac: {  	s5 =	sshll.u32 s26, $0x1;
	_ =	strace $0x80000049;
	[dreg:$0x1] =	wrdreg $0xFFFFFFFF  }
0xad: {  	s28 =	simm.s32 $_size_execute0_lowered;
	s3 =	sadd.s32 s3, s5;
	[dreg:$0x0] =	wrdreg $0x0  }
0xae: {  	s5 =	sshll.u32 s28, $0x1;
	[dreg:$0x2] =	wrdreg s3  }
0xaf: {  	[dreg:$0x3] =	wrdreg s5  }
0xb0: {  	[dreg:$0x4] =	wrdreg $0xC0  }
0xb1: {  	_ =	task [dreg:s7], $0x5FFFF  }
0xb2: {  	[dreg:$0x1] =	wrdreg $0xFFFFFFFF  }
0xb3: {  	[dreg:$0x0] =	wrdreg $0x60  }
0xb4: {  	[dreg:$0x2] =	wrdreg s24  }
0xb5: {  	[dreg:$0x3] =	wrdreg s16  }
0xb6: {  	[dreg:$0x4] =	wrdreg $0xA0000  }
0xb7: {  	[dreg:$0x5] =	wrdreg $0x9  }
0xb8: {  	_ =	task.clear_ibuf [dreg:s7], $0x6FFFF;
	_ =	strace $0x90000049  }
0xb9: {  	s29 =	simm.s32 $0x9;
	_ =	strace $0x8000004B  }
0xba: {  	_ =	swait.ge [sflag:s29], $0x1  }
0xbb: {  	[sflag:s29] =	ssyncadd.s32 $0xFFFFFFFF  }
0xbc: {  	_ =	strace $0x9000004B  }
0xbd: {  	_ =	sfence  }
0xbe: {  	s30 =	sld [smem:$0x0];
	_ =	sdelay $0x2  }
0xbf: {  	s31 =	sshll.u32 s1, $0xD;
	s1 =	sshrl.u32 s1, $0x2  }
0xc0: {  	s3 =	sand.u32 $0x4000, s31;
	s1 =	sadd.s32 s1, s30  }
0xc1: {  	s0 =	sor.u32 s3, s0;
	s1 =	sshll.u32 s1, $0x11  }
0xc2: {  	s0 =	sor.u32 s1, s0  }
0xc3: {  	s0 =	sadd.s32 $0x8F2B, s0  }
0xc4: {  	[sflag:s0] =	ssyncadd.remote.s32 $0x1  }
0xc5: {  	_ =	sfence.sel $0xFFFF  }
0xc6: {  	[dreg:$0x0] =	wrdreg $0xFFFFFFFF;
	(pc) =	sbr.abs _section_cstart, $3  }
0xc7: {  	[dreg:$0x1] =	wrdreg $0xFFFFFFFF  }
0xc8: {  	_ =	task.clear_ibuf [dreg:s7], $0x2FFFF;
	_ =	strace $0x9FFFFFFF  }
0xc9: {  	(tm) =	ssettm $0x7FFFFFFF  }
tec
execute0_lowered:
.L_overlay_start_1:
0x0: {  	(tag) =	ssettag $0x1  }
0x1: {  	s0 =	srdreg.scid  }
0x2: {  	s1 =	rddreg [dreg:$0x0];
	s9 =	stileid.u32  }
0x3: {  	s5 =	rddreg [dreg:$0x1];
	s28 =	simm.s32 $0x80;
	s29 =	simm.s32 $0x400  }
0x4: {  	s30 =	simm.s32 $0x2800;
	s31 =	simm.s32 $0x28;
	s11 =	simm.s32 $0x6  }
0x5: {  	s0 =	sand.u32 $0x1, s0;
	s6 =	sshll.u32 s9, $0x7;
	s8 =	smul.u32 $0x14000, s9  }
0x6: {  	s15 =	smul.u32 $0x50000, s9;
	s2 =	sshll.u32 s0, $0x4;
	s6 =	sand.u32 $0x380, s6  }
0x7: {  	s7 =	smul.u32 $0x140000, s0;
	s0 =	ssub.s32 $0x2, s0;
	s3 =	sor.u32 s9, s2  }
0x8: {  	s2 =	rddreg [dreg:$0x2];
	s10 =	sshrl.u32 s0, $0x1;
	s3 =	sshrl.u32 s3, $0x3  }
0x9: {  	s17 =	sshrl.u32 s15, $0x2;
	s7 =	sadd.s32 s8, s7;
	s4 =	smul.u32 $0x14000, s3  }
0xa: {  	s0 =	ssub.s32 s0, s10;
	s3 =	simm.s32 $0x0;
	s7 =	sshrl.u32 s7, $0x3  }
0xb: {  	s0 =	smax.u32 s0, $0x1;
	[smem:$0x7FF] =	sst s3;
	s6 =	sor.u32 s6, s4  }
0xc: {  	_ =	strace $0x8000004A;
	s4 =	sadd.s32 $0xCC00, s1;
	s6 =	sshrl.u32 s6, $0x3  }
0xd: {  	[dreg:$0x7] =	wrdreg s0;
	s16 =	sadd.s32 s6, s1;
	s5 =	sadd.s32 s5, s6  }
0xe: {  	s1 =	sadd.s32 s7, s1;
	[dreg:$0x4] =	wrdreg s5;
	s18 =	sadd.s32 $0x2C00, s16  }
0xf: {  	s7 =	sadd.s32 s17, s2;
	s1 =	sadd.s32 $0x34C00, s1;
	[dreg:$0x5] =	wrdreg s18  }
0x10: {  	s12 =	simm.s32 $0x4;
	s19 =	sadd.s32 $0x1400, s7;
	[dreg:$0x6] =	wrdreg s1  }
0x11: {  	s13 =	simm.s32 $0x7;
	s20 =	sadd.s32 $0x2800, s7;
	[dreg:$0x8] =	wrdreg s19  }
0x12: {  	s14 =	simm.s32 $0x8;
	s21 =	sadd.s32 $0x3C00, s7;
	[dreg:$0x9] =	wrdreg s20  }
0x13: {  	s9 =	simm.s32 $0x5;
	s22 =	sadd.s32 $0x5000, s7;
	[dreg:$0xa] =	wrdreg s21  }
0x14: {  	s8 =	simm.s32 $0x2;
	s23 =	sadd.s32 $0x6400, s7;
	[dreg:$0xb] =	wrdreg s22  }
0x15: {  	s10 =	simm.s32 $0x3;
	s24 =	sadd.s32 $0x7800, s7;
	[dreg:$0xc] =	wrdreg s23  }
0x16: {  	s0 =	simm.s32 $0x7800;
	s25 =	sadd.s32 $0x8C00, s7;
	[dreg:$0xd] =	wrdreg s24  }
0x17: {  	s6 =	simm.s32 $0x8C00;
	s26 =	sadd.s32 $0xA000, s7;
	[dreg:$0xe] =	wrdreg s25  }
0x18: {  	s5 =	simm.s32 $0x1;
	[dreg:$0xf] =	wrdreg s26;
	s18 =	sadd.s32 $0xB400, s7  }
0x19: {  	s19 =	sadd.s32 $0xC800, s7;
	s20 =	sadd.s32 $0xDC00, s7;
	s21 =	sadd.s32 $0xF000, s7  }
0x1a: {  	s22 =	sadd.s32 $0x10400, s7;
	s23 =	sadd.s32 $0x11800, s7;
	s24 =	sadd.s32 $0x12C00, s7  }
0x1b: {  	v0 =	vimm.f32 $0.0e+00;
	s25 =	simm.s32 $0x5000;
	s26 =	simm.s32 $0x9;
	s1 =	simm.s32 $0x6400  }
.LBB2_1:
0x1c: {  	s15 =	simm.s32 $0x70;
	s16 =	simm.s32 $0x3C0  }
.LBB2_2:
0x1d: {  	p0 =	sne.s32 s16, $0x4FC0;
	[tilespmem:s15+$0x5000] =	vst v0  }
0x1e: {  	[tilespmem:s15+$0x4F90] =	vst v0  }
0x1f: {  	[tilespmem:s15+$0x4FA0] =	vst v0  }
.Ltmp0:
0x20: {  	[tilespmem:s15+$0x4FB0] =	vst v0;
	(pc) =	sbr.rel @p0 .LBB2_2-.Ltmp0, $4  }
0x21: {  	[tilespmem:s15+$0x4FC0] =	vst v0  }
0x22: {  	[tilespmem:s15+$0x4FD0] =	vst v0  }
0x23: {  	[tilespmem:s15+$0x4FE0] =	vst v0  }
0x24: {  	[tilespmem:s15+$0x4FF0] =	vst v0;
	s15 =	sshra.s32 s16, $0x2;
	s16 =	sadd.s32 $0x200, s16  }
0x25: {  	[tilespmem:s15+$0x5000] =	vst v0  }
0x26: {  	[tilespmem:s15+$0x4F90] =	vst v0  }
0x27: {  	[tilespmem:s15+$0x4FA0] =	vst v0  }
0x28: {  	[tilespmem:s15+$0x4FB0] =	vst v0  }
0x29: {  	[tilespmem:s15+$0x4FC0] =	vst v0  }
0x2a: {  	[tilespmem:s15+$0x4FD0] =	vst v0  }
0x2b: {  	[tilespmem:s15+$0x4FE0] =	vst v0  }
0x2c: {  	[tilespmem:s15+$0x4FF0] =	vst v0  }
0x2d: {  	[spmem:s7] =	stream.linear.scatter [tilespmem:s25], [sflag:$0x9], $0x1400, $0x38;
	[tilespmem:$0x1E000] =	vst v63  }
0x2e: {  	_ =	swait.ge [sflag:s26], $0x1400  }
0x2f: {  	[sflag:s26] =	ssyncset.done $0x0  }
0x30: {  	s17 =	rddreg [dreg:$0x8];
	[sflag:s26] =	ssyncadd.s32 $0xFFFFEC00  }
0x31: {  	[spmem:s17] =	stream.linear.scatter [tilespmem:s25], [sflag:$0x9], $0x1400, $0x38;
	[tilespmem:$0x1E000] =	vst v63  }
0x32: {  	_ =	swait.ge [sflag:s26], $0x1400  }
0x33: {  	[sflag:s26] =	ssyncset.done $0x0  }
0x34: {  	s16 =	rddreg [dreg:$0x9];
	[sflag:s26] =	ssyncadd.s32 $0xFFFFEC00  }
0x35: {  	[spmem:s16] =	stream.linear.scatter [tilespmem:s25], [sflag:$0x9], $0x1400, $0x38;
	[tilespmem:$0x1E000] =	vst v63  }
0x36: {  	_ =	swait.ge [sflag:s26], $0x1400  }
0x37: {  	[sflag:s26] =	ssyncset.done $0x0  }
0x38: {  	s17 =	rddreg [dreg:$0xa];
	[sflag:s26] =	ssyncadd.s32 $0xFFFFEC00  }
0x39: {  	[spmem:s17] =	stream.linear.scatter [tilespmem:s25], [sflag:$0x9], $0x1400, $0x38;
	[tilespmem:$0x1E000] =	vst v63  }
0x3a: {  	_ =	swait.ge [sflag:s26], $0x1400  }
0x3b: {  	[sflag:s26] =	ssyncset.done $0x0  }
0x3c: {  	s16 =	rddreg [dreg:$0xb];
	[sflag:s26] =	ssyncadd.s32 $0xFFFFEC00  }
0x3d: {  	[spmem:s16] =	stream.linear.scatter [tilespmem:s25], [sflag:$0x9], $0x1400, $0x38;
	[tilespmem:$0x1E000] =	vst v63  }
0x3e: {  	_ =	swait.ge [sflag:s26], $0x1400  }
0x3f: {  	[sflag:s26] =	ssyncset.done $0x0  }
0x40: {  	s17 =	rddreg [dreg:$0xc];
	[sflag:s26] =	ssyncadd.s32 $0xFFFFEC00  }
0x41: {  	[spmem:s17] =	stream.linear.scatter [tilespmem:s25], [sflag:$0x9], $0x1400, $0x38;
	[tilespmem:$0x1E000] =	vst v63  }
0x42: {  	_ =	swait.ge [sflag:s26], $0x1400  }
0x43: {  	[sflag:s26] =	ssyncset.done $0x0  }
0x44: {  	s16 =	rddreg [dreg:$0xd];
	[sflag:s26] =	ssyncadd.s32 $0xFFFFEC00  }
0x45: {  	[spmem:s16] =	stream.linear.scatter [tilespmem:s25], [sflag:$0x9], $0x1400, $0x38;
	[tilespmem:$0x1E000] =	vst v63  }
0x46: {  	_ =	swait.ge [sflag:s26], $0x1400  }
0x47: {  	[sflag:s26] =	ssyncset.done $0x0  }
0x48: {  	s17 =	rddreg [dreg:$0xe];
	[sflag:s26] =	ssyncadd.s32 $0xFFFFEC00  }
0x49: {  	[spmem:s17] =	stream.linear.scatter [tilespmem:s25], [sflag:$0x9], $0x1400, $0x38;
	[tilespmem:$0x1E000] =	vst v63  }
0x4a: {  	_ =	swait.ge [sflag:s26], $0x1400  }
0x4b: {  	[sflag:s26] =	ssyncset.done $0x0  }
0x4c: {  	s16 =	rddreg [dreg:$0xf];
	[sflag:s26] =	ssyncadd.s32 $0xFFFFEC00  }
0x4d: {  	[spmem:s16] =	stream.linear.scatter [tilespmem:s25], [sflag:$0x9], $0x1400, $0x38;
	[tilespmem:$0x1E000] =	vst v63  }
0x4e: {  	_ =	swait.ge [sflag:s26], $0x1400  }
0x4f: {  	[sflag:s26] =	ssyncset.done $0x0  }
0x50: {  	[sflag:s26] =	ssyncadd.s32 $0xFFFFEC00  }
0x51: {  	[spmem:s18] =	stream.linear.scatter [tilespmem:s25], [sflag:$0x9], $0x1400, $0x38;
	[tilespmem:$0x1E000] =	vst v63  }
0x52: {  	_ =	swait.ge [sflag:s26], $0x1400  }
0x53: {  	[sflag:s26] =	ssyncset.done $0x0  }
0x54: {  	[sflag:s26] =	ssyncadd.s32 $0xFFFFEC00  }
0x55: {  	[spmem:s19] =	stream.linear.scatter [tilespmem:s25], [sflag:$0x9], $0x1400, $0x38;
	[tilespmem:$0x1E000] =	vst v63  }
0x56: {  	_ =	swait.ge [sflag:s26], $0x1400  }
0x57: {  	[sflag:s26] =	ssyncset.done $0x0  }
0x58: {  	[sflag:s26] =	ssyncadd.s32 $0xFFFFEC00  }
0x59: {  	[spmem:s20] =	stream.linear.scatter [tilespmem:s25], [sflag:$0x9], $0x1400, $0x38;
	[tilespmem:$0x1E000] =	vst v63  }
0x5a: {  	_ =	swait.ge [sflag:s26], $0x1400  }
0x5b: {  	[sflag:s26] =	ssyncset.done $0x0  }
0x5c: {  	[sflag:s26] =	ssyncadd.s32 $0xFFFFEC00  }
0x5d: {  	[spmem:s21] =	stream.linear.scatter [tilespmem:s25], [sflag:$0x9], $0x1400, $0x38;
	[tilespmem:$0x1E000] =	vst v63  }
0x5e: {  	_ =	swait.ge [sflag:s26], $0x1400  }
0x5f: {  	[sflag:s26] =	ssyncset.done $0x0  }
0x60: {  	[sflag:s26] =	ssyncadd.s32 $0xFFFFEC00  }
0x61: {  	[spmem:s22] =	stream.linear.scatter [tilespmem:s25], [sflag:$0x9], $0x1400, $0x38;
	[tilespmem:$0x1E000] =	vst v63  }
0x62: {  	_ =	swait.ge [sflag:s26], $0x1400  }
0x63: {  	[sflag:s26] =	ssyncset.done $0x0  }
0x64: {  	[sflag:s26] =	ssyncadd.s32 $0xFFFFEC00  }
0x65: {  	[spmem:s23] =	stream.linear.scatter [tilespmem:s25], [sflag:$0x9], $0x1400, $0x38;
	[tilespmem:$0x1E000] =	vst v63  }
0x66: {  	_ =	swait.ge [sflag:s26], $0x1400  }
0x67: {  	[sflag:s26] =	ssyncset.done $0x0  }
0x68: {  	[sflag:s26] =	ssyncadd.s32 $0xFFFFEC00  }
0x69: {  	[spmem:s24] =	stream.linear.scatter [tilespmem:s25], [sflag:$0x9], $0x1400, $0x38;
	[tilespmem:$0x1E000] =	vst v63  }
0x6a: {  	_ =	swait.ge [sflag:s26], $0x1400  }
0x6b: {  	[sflag:s26] =	ssyncset.done $0x0  }
0x6c: {  	[sflag:s26] =	ssyncadd.s32 $0xFFFFEC00  }
0x6d: {  	[bflag:$0x0] =	sbarrier.arrive $0xFFFF  }
0x6e: {  	s15 =	simm.s32 $0x0;
	s16 =	rddreg [dreg:$0x4]  }
0x6f: {  	[tilespmem:s15], [sflag:$0x9] =	stream.strided.gather [hbm4b:s16+s28], $0x2800, s29, s28, $0x38;
	[tilespmem:$0x1E000] =	vst v63  }
0x70: {  	_ =	swait.ge [sflag:s26], $0x2800  }
0x71: {  	[sflag:s26] =	ssyncset.done $0x0  }
0x72: {  	s17 =	rddreg [dreg:$0x5];
	[sflag:s26] =	ssyncadd.s32 $0xFFFFD800  }
0x73: {  	[tilespmem:s30], [sflag:$0x9] =	stream.strided.gather [hbm4b:s17+s28], $0x2800, s29, s28, $0x38;
	[tilespmem:$0x1E000] =	vst v63  }
0x74: {  	_ =	swait.ge [sflag:s26], $0x2800  }
0x75: {  	[sflag:s26] =	ssyncset.done $0x0  }
0x76: {  	[sflag:s26] =	ssyncadd.s32 $0xFFFFD800  }
0x77: {  	[tilespmem:s25], [sflag:$0x1] =	stream.indirect.gather [hbm4b:s4+s31], $0x80, s15, s31, $0xb8;
	[tilespmem:$0x1E000] =	vst v63  }
0x78: {  	_ = 	snop  }
0x79: {  	[tilespmem:s1], [sflag:$0x2] =	stream.indirect.gather [hbm4b:s4+s31], $0x80, s31, s31, $0xb8;
	[tilespmem:$0x1E000] =	vst v63  }
0x7a: {  	s16 =	simm.s32 $0x50  }
0x7b: {  	[tilespmem:s0], [sflag:$0x3] =	stream.indirect.gather [hbm4b:s4+s31], $0x80, s16, s31, $0xb8;
	[tilespmem:$0x1E000] =	vst v63  }
0x7c: {  	_ =	swait.ge [sflag:s5], $0x1400  }
0x7d: {  	[sflag:s5] =	ssyncset.done $0x0  }
0x7e: {  	[sflag:s5] =	ssyncadd.s32 $0xFFFFEC00  }
0x7f: {  	[spmem:s2] =	stream.indirect.scatter.add.f32 [tilespmem:s25], [sflag:$0x5], $0x80, s30, s31, $0xb8;
	[tilespmem:$0x1E000] =	vst v63  }
0x80: {  	s17 =	simm.s32 $0x78  }
0x81: {  	[tilespmem:s6], [sflag:$0x4] =	stream.indirect.gather [hbm4b:s4+s31], $0x80, s17, s31, $0xb8;
	[tilespmem:$0x1E000] =	vst v63  }
0x82: {  	_ =	swait.ge [sflag:s8], $0x1400  }
0x83: {  	[sflag:s8] =	ssyncset.done $0x0  }
0x84: {  	s16 =	simm.s32 $0x2828;
	[sflag:s8] =	ssyncadd.s32 $0xFFFFEC00  }
0x85: {  	[spmem:s2] =	stream.indirect.scatter.add.f32 [tilespmem:s1], [sflag:$0x6], $0x80, s16, s31, $0xb8;
	[tilespmem:$0x1E000] =	vst v63  }
0x86: {  	_ =	swait.ge [sflag:s9], $0x1400  }
0x87: {  	[sflag:s9] =	ssyncset.done $0x0  }
0x88: {  	s17 =	simm.s32 $0xA0;
	[sflag:s9] =	ssyncadd.s32 $0xFFFFEC00  }
0x89: {  	[tilespmem:s25], [sflag:$0x1] =	stream.indirect.gather [hbm4b:s4+s31], $0x80, s17, s31, $0xb8;
	[tilespmem:$0x1E000] =	vst v63  }
0x8a: {  	_ =	swait.ge [sflag:s10], $0x1400  }
0x8b: {  	[sflag:s10] =	ssyncset.done $0x0  }
0x8c: {  	s16 =	simm.s32 $0x2850;
	[sflag:s10] =	ssyncadd.s32 $0xFFFFEC00  }
0x8d: {  	[spmem:s2] =	stream.indirect.scatter.add.f32 [tilespmem:s0], [sflag:$0x7], $0x80, s16, s31, $0xb8;
	[tilespmem:$0x1E000] =	vst v63  }
0x8e: {  	_ =	swait.ge [sflag:s11], $0x1400  }
0x8f: {  	[sflag:s11] =	ssyncset.done $0x0  }
0x90: {  	s17 =	simm.s32 $0xC8;
	[sflag:s11] =	ssyncadd.s32 $0xFFFFEC00  }
0x91: {  	[tilespmem:s1], [sflag:$0x2] =	stream.indirect.gather [hbm4b:s4+s31], $0x80, s17, s31, $0xb8;
	[tilespmem:$0x1E000] =	vst v63  }
0x92: {  	_ =	swait.ge [sflag:s12], $0x1400  }
0x93: {  	[sflag:s12] =	ssyncset.done $0x0  }
0x94: {  	s16 =	simm.s32 $0x2878;
	[sflag:s12] =	ssyncadd.s32 $0xFFFFEC00  }
0x95: {  	[spmem:s2] =	stream.indirect.scatter.add.f32 [tilespmem:s6], [sflag:$0x8], $0x80, s16, s31, $0xb8;
	[tilespmem:$0x1E000] =	vst v63  }
0x96: {  	_ =	swait.ge [sflag:s13], $0x1400  }
0x97: {  	[sflag:s13] =	ssyncset.done $0x0  }
0x98: {  	s17 =	simm.s32 $0xF0;
	[sflag:s13] =	ssyncadd.s32 $0xFFFFEC00  }
0x99: {  	[tilespmem:s0], [sflag:$0x3] =	stream.indirect.gather [hbm4b:s4+s31], $0x80, s17, s31, $0xb8;
	[tilespmem:$0x1E000] =	vst v63  }
0x9a: {  	_ =	swait.ge [sflag:s5], $0x1400  }
0x9b: {  	[sflag:s5] =	ssyncset.done $0x0  }
0x9c: {  	s16 =	simm.s32 $0x28A0;
	[sflag:s5] =	ssyncadd.s32 $0xFFFFEC00  }
0x9d: {  	[spmem:s2] =	stream.indirect.scatter.add.f32 [tilespmem:s25], [sflag:$0x5], $0x80, s16, s31, $0xb8;
	[tilespmem:$0x1E000] =	vst v63  }
0x9e: {  	_ =	swait.ge [sflag:s14], $0x1400  }
0x9f: {  	[sflag:s14] =	ssyncset.done $0x0  }
0xa0: {  	s17 =	simm.s32 $0x118;
	[sflag:s14] =	ssyncadd.s32 $0xFFFFEC00  }
0xa1: {  	[tilespmem:s6], [sflag:$0x4] =	stream.indirect.gather [hbm4b:s4+s31], $0x80, s17, s31, $0xb8;
	[tilespmem:$0x1E000] =	vst v63  }
0xa2: {  	_ =	swait.ge [sflag:s8], $0x1400  }
0xa3: {  	[sflag:s8] =	ssyncset.done $0x0  }
0xa4: {  	s15 =	simm.s32 $0x280;
	s16 =	simm.s32 $0x28C8;
	[sflag:s8] =	ssyncadd.s32 $0xFFFFEC00  }
.LBB2_4:
0xa5: {  	[spmem:s2] =	stream.indirect.scatter.add.f32 [tilespmem:s1], [sflag:$0x6], $0x80, s16, s31, $0xb8;
	[tilespmem:$0x1E000] =	vst v63  }
0xa6: {  	s16 =	smov.u32 s15  }
0xa7: {  	p0 =	sne.s32 s15, $0x9B00;
	s15 =	sadd.s32 $0x280, s15;
	_ =	swait.ge [sflag:s9], $0x1400  }
0xa8: {  	s16 =	sshra.s32 s16, $0x2;
	[sflag:s9] =	ssyncset.done $0x0  }
0xa9: {  	s17 =	sadd.s32 $0xA0, s16;
	[sflag:s9] =	ssyncadd.s32 $0xFFFFEC00  }
0xaa: {  	[tilespmem:s25], [sflag:$0x1] =	stream.indirect.gather [hbm4b:s4+s31], $0x80, s17, s31, $0xb8;
	[tilespmem:$0x1E000] =	vst v63  }
0xab: {  	_ =	swait.ge [sflag:s10], $0x1400  }
0xac: {  	[sflag:s10] =	ssyncset.done $0x0  }
0xad: {  	s17 =	sadd.s32 $0x2850, s16;
	[sflag:s10] =	ssyncadd.s32 $0xFFFFEC00  }
0xae: {  	[spmem:s2] =	stream.indirect.scatter.add.f32 [tilespmem:s0], [sflag:$0x7], $0x80, s17, s31, $0xb8;
	[tilespmem:$0x1E000] =	vst v63  }
0xaf: {  	_ =	swait.ge [sflag:s11], $0x1400  }
0xb0: {  	[sflag:s11] =	ssyncset.done $0x0  }
0xb1: {  	s17 =	sadd.s32 $0xC8, s16;
	[sflag:s11] =	ssyncadd.s32 $0xFFFFEC00  }
0xb2: {  	[tilespmem:s1], [sflag:$0x2] =	stream.indirect.gather [hbm4b:s4+s31], $0x80, s17, s31, $0xb8;
	[tilespmem:$0x1E000] =	vst v63  }
0xb3: {  	_ =	swait.ge [sflag:s12], $0x1400  }
0xb4: {  	[sflag:s12] =	ssyncset.done $0x0  }
0xb5: {  	s17 =	sadd.s32 $0x2878, s16;
	[sflag:s12] =	ssyncadd.s32 $0xFFFFEC00  }
0xb6: {  	[spmem:s2] =	stream.indirect.scatter.add.f32 [tilespmem:s6], [sflag:$0x8], $0x80, s17, s31, $0xb8;
	[tilespmem:$0x1E000] =	vst v63  }
0xb7: {  	_ =	swait.ge [sflag:s13], $0x1400  }
0xb8: {  	[sflag:s13] =	ssyncset.done $0x0  }
0xb9: {  	s17 =	sadd.s32 $0xF0, s16;
	[sflag:s13] =	ssyncadd.s32 $0xFFFFEC00  }
0xba: {  	[tilespmem:s0], [sflag:$0x3] =	stream.indirect.gather [hbm4b:s4+s31], $0x80, s17, s31, $0xb8;
	[tilespmem:$0x1E000] =	vst v63  }
0xbb: {  	_ =	swait.ge [sflag:s5], $0x1400  }
0xbc: {  	[sflag:s5] =	ssyncset.done $0x0  }
0xbd: {  	s17 =	sadd.s32 $0x28A0, s16;
	[sflag:s5] =	ssyncadd.s32 $0xFFFFEC00  }
0xbe: {  	[spmem:s2] =	stream.indirect.scatter.add.f32 [tilespmem:s25], [sflag:$0x5], $0x80, s17, s31, $0xb8;
	[tilespmem:$0x1E000] =	vst v63  }
0xbf: {  	_ =	swait.ge [sflag:s14], $0x1400  }
0xc0: {  	[sflag:s14] =	ssyncset.done $0x0  }
.Ltmp1:
0xc1: {  	s17 =	sadd.s32 $0x118, s16;
	[sflag:s14] =	ssyncadd.s32 $0xFFFFEC00;
	(pc) =	sbr.rel @p0 .LBB2_4-.Ltmp1, $4  }
0xc2: {  	[tilespmem:s6], [sflag:$0x4] =	stream.indirect.gather [hbm4b:s4+s31], $0x80, s17, s31, $0xb8;
	[tilespmem:$0x1E000] =	vst v63  }
0xc3: {  	_ =	swait.ge [sflag:s8], $0x1400  }
0xc4: {  	[sflag:s8] =	ssyncset.done $0x0  }
0xc5: {  	s16 =	sadd.s32 $0x28C8, s16;
	[sflag:s8] =	ssyncadd.s32 $0xFFFFEC00  }
0xc6: {  	[spmem:s2] =	stream.indirect.scatter.add.f32 [tilespmem:s1], [sflag:$0x6], $0x80, s16, s31, $0xb8;
	[tilespmem:$0x1E000] =	vst v63  }
0xc7: {  	_ =	swait.ge [sflag:s10], $0x1400  }
0xc8: {  	[sflag:s10] =	ssyncset.done $0x0  }
0xc9: {  	s15 =	simm.s32 $0x4FB0;
	[sflag:s10] =	ssyncadd.s32 $0xFFFFEC00  }
0xca: {  	[spmem:s2] =	stream.indirect.scatter.add.f32 [tilespmem:s0], [sflag:$0x7], $0x80, s15, s31, $0xb8;
	[tilespmem:$0x1E000] =	vst v63  }
0xcb: {  	_ =	swait.ge [sflag:s12], $0x1400  }
0xcc: {  	[sflag:s12] =	ssyncset.done $0x0  }
0xcd: {  	s17 =	simm.s32 $0x4FD8;
	[sflag:s12] =	ssyncadd.s32 $0xFFFFEC00  }
0xce: {  	[spmem:s2] =	stream.indirect.scatter.add.f32 [tilespmem:s6], [sflag:$0x8], $0x80, s17, s31, $0xb8;
	[tilespmem:$0x1E000] =	vst v63  }
0xcf: {  	_ =	swait.ge [sflag:s9], $0x1400  }
0xd0: {  	[sflag:s9] =	ssyncset.done $0x0  }
0xd1: {  	[sflag:s9] =	ssyncadd.s32 $0xFFFFEC00  }
0xd2: {  	_ =	swait.ge [sflag:s11], $0x1400  }
0xd3: {  	[sflag:s11] =	ssyncset.done $0x0  }
0xd4: {  	[sflag:s11] =	ssyncadd.s32 $0xFFFFEC00  }
0xd5: {  	_ =	swait.ge [sflag:s13], $0x1400  }
0xd6: {  	[sflag:s13] =	ssyncset.done $0x0  }
0xd7: {  	[sflag:s13] =	ssyncadd.s32 $0xFFFFEC00  }
0xd8: {  	_ =	swait.ge [sflag:s14], $0x1400  }
0xd9: {  	[sflag:s14] =	ssyncset.done $0x0  }
0xda: {  	s16 =	stileid.u32;
	[sflag:s14] =	ssyncadd.s32 $0xFFFFEC00  }
0xdb: {  	s15 =	sshll.u32 s16, $0x6;
	[bflag:$0x0] =	sbarrier.arrive $0xFFFF  }
0xdc: {  	s16 =	sshrl.u32 s7, $0x3;
	s15 =	sor.u32 $0x1C09, s15;
	s17 =	rddreg [dreg:$0x6]  }
0xdd: {  	[hbm:s17], [sflag:s15] =	dma.local [spmem:s16], $0x2800  }
0xde: {  	_ =	swait.ge [sflag:s26], $0x2800  }
0xdf: {  	s3 =	sadd.s32 $0x1, s3;
	s17 =	rddreg [dreg:$0x7]  }
0xe0: {  	p0 =	sne.s32 s3, s17  }
.Ltmp2:
0xe1: {  	_ = 	snop;
	(pc) =	sbr.rel @p0 .LBB2_1-.Ltmp2, $3  }
0xe2: {  	_ =	sdelay $0x1  }
0xe3: {  	[sflag:s26] =	ssyncset.done $0x0  }
0xe4: {  	[sflag:s26] =	ssyncadd.s32 $0xFFFFD800  }
0xe5: {  	_ =	sfence.sel $0x180000  }
0xe6: {  	[bflag:$0x0] =	sbarrier.arrive $0xFFFF  }
0xe7: {  	_ =	strace $0x9000004A  }
0xe8: {  	s0 =	stileid.u32;
	[bflag:$0x2] =	sbarrier.arrive $0xFFFF  }
0xe9: {  	p0 =	sne.s32 s0, $0x0;
	s0 =	rddreg [dreg:$0x3]  }
0xea: {  	s0 =	sadd.s32 @!p0 $0x100000, s0  }
0xeb: {  	[sflag:s0] =	ssyncadd.tile.s32 @!p0 $0x1;
	_ =	shalt  }
.Lfunc_end2:
_tile_overlayer_lowered:
.L_overlay_start_2:
0xec: {  	(tag) =	ssettag $0x2  }
0xed: {  	s0 =	rddreg [dreg:$0x0];
	s2 =	stileid.u32  }
0xee: {  	s1 =	rddreg [dreg:$0x1];
	p0 =	sne.s32 s2, $0x0  }
0xef: {  	s3 =	rddreg [dreg:$0x2];
	[bflag:$0x3] =	sbarrier.arrive $0xFFFF;
	s2 =	simm.s32 @!p0 $0x1C09  }
0xf0: {  	[timem:s3], [sflag:s2] =	dma.local @!p0 [hbm:s0], s1  }
0xf1: {  	s0 =	simm.s32 @!p0 $0x9  }
0xf2: {  	_ =	swait.ge @!p0 [sflag:s0], s1  }
0xf3: {  	s1 =	ssub.s32 @!p0 $0x0, s1;
	[sflag:s0] =	ssyncset.done @!p0 $0x0  }
0xf4: {  	[sflag:s0] =	ssyncadd.s32 @!p0 s1  }
0xf5: {  	[bflag:$0x3] =	sbarrier.arrive $0xFFFF  }
0xf6: {  	_ =	shalt  }

// kernel: kernel.15.cloned.1.call-start
scs
__scs_entry_jumppad:
0x0: {  	(pc) =	sbr.rel $0x88, $3  }
0x1: {  	(tag) =	ssettag $0x0;
	lr =	simm.s32 $0x1  }
0x2: {  	[smem:$0x3F97] =	sst lr;
	_ =	strace $0xD0000000  }
0x3: {  	_ = 	snop  }
0x4: {  	_ = 	snop  }
0x5: {  	_ = 	snop  }
0x6: {  	_ = 	snop  }
0x7: {  	_ = 	snop  }
__scs_overlays_trampoline_lowered:
0x8: {  	[smem:$0x3FA6] =	sst s0  }
0x9: {  	[smem:$0x3FA7] =	sst s1  }
0xa: {  	[smem:$0x3FA8] =	sst s2  }
0xb: {  	[smem:$0x3FA9] =	sst s3  }
0xc: {  	[smem:$0x3FAA] =	sst s4  }
0xd: {  	[smem:$0x3FAB] =	sst s5  }
0xe: {  	[smem:$0x3FAC] =	sst s6  }
0xf: {  	[smem:$0x3FAD] =	sst s7  }
0x10: {  	[smem:$0x3FAE] =	sst s8  }
0x11: {  	[smem:$0x3FAF] =	sst s9;
	s0 =	simm.s32 @!p0 $0x0  }
0x12: {  	s1 =	sld [smem:$0x3F95];
	s0 =	simm.s32 @p0 $0x1  }
0x13: {  	[smem:$0x3FB0] =	sst s0;
	s0 =	simm.s32 @!p1 $0x0  }
0x14: {  	s2 =	sld [smem:$0x3F94];
	s0 =	simm.s32 @p1 $0x1  }
0x15: {  	[smem:$0x3FB1] =	sst s0;
	s0 =	simm.s32 @!p2 $0x0  }
0x16: {  	s3 =	sld [smem:$0x3FDB];
	s0 =	simm.s32 @p2 $0x1  }
0x17: {  	s4 =	simm.s32 $0x1BF5;
	[smem:$0x3FB3] =	sst s0  }
0x18: {  	s0 =	sld [smem:$0x3F96];
	_ =	swait.ge [sflag:s4], $0x0  }
0x19: {  	s7 =	sld [smem:$0x3F97]  }
0x1a: {  	s8 =	sadd.s32 $0xFFFFE003, lr  }
0x1b: {  	s9 =	sadd.s32 $0xFFFFFEF7, lr;
	s5 =	simm.s32 $0xFFFFFFFF;
	p2 =	slt.u32 s8, $0xFFFFF086  }
0x1c: {  	p1 =	slt.u32 s9, $0xF7A;
	s5 =	simm.s32 @!p2 $0x0  }
0x1d: {  	s5 =	simm.s32 @p1 $0x1;
	p0 =	seq.s32 s7, s2  }
0x1e: {  	s7 =	smul.u32 @!p0 $0xF7A, s2;
	p2 =	seq.s32 @!p0 s5, $0x0  }
0x1f: {  	s9 =	smul.u32 $0xF7A, s1;
	s8 =	simm.s32 @!p0 $0x1BF5;
	p2 =	por !p2, p0  }
0x20: {  	[sflag:s8] =	ssyncset.s32 @!p0 $0xFFFFF086;
	s6 =	sadd.s32 @!p0 s3, s7;
	s7 =	simm.s32 @!p0 $0x108  }
0x21: {  	s3 =	sadd.s32 s3, s9;
	s6 =	sadd.s32 @!p0 $0x88, s6;
	s7 =	simm.s32 @p2 $0x1082  }
0x22: {  	[simem:s7], [sflag:s8] =	dma.local @!p0 [hbm:s6], $0xF7A  }
0x23: {  	s9 =	sor.u32 $0xD0000000, s2;
	s6 =	simm.s32 $0x108;
	_ =	swait.ge @!p0 [sflag:s8], $0x0  }
0x24: {  	s3 =	sadd.s32 $0x88, s3;
	s6 =	simm.s32 @!p1 $0x1082;
	[sflag:s4] =	ssyncset.s32 $0xFFFFF086  }
0x25: {  	[simem:s6], [sflag:s4] =	dma.local [hbm:s3], $0xF7A  }
0x26: {  	[smem:$0x3F97] =	sst s1;
	(tag) =	ssettag s2;
	_ =	strace s9  }
0x27: {  	s1 =	sld [smem:$0x3FA7]  }
0x28: {  	s2 =	sld [smem:$0x3FA8]  }
0x29: {  	s4 =	sld [smem:$0x3FAA]  }
0x2a: {  	p0 =	seq.s32 s5, $0x0;
	s5 =	sld [smem:$0x3FAB]  }
0x2b: {  	s6 =	sld [smem:$0x3FAC]  }
0x2c: {  	s7 =	sld [smem:$0x3FAD]  }
0x2d: {  	s3 =	simm.s32 $0x108;
	s8 =	sld [smem:$0x3FAE]  }
0x2e: {  	s3 =	simm.s32 @!p0 $0x1082;
	s9 =	sld [smem:$0x3FAF]  }
0x2f: {  	lr =	sadd.s32 s0, s3;
	s0 =	sld [smem:$0x3FA6]  }
0x30: {  	s3 =	sld [smem:$0x3FA9]  }
0x31: {  	[smem:$0x3FB2] =	sst s10  }
0x32: {  	s10 =	sld [smem:$0x3FB0];
	_ =	sdelay $0x3  }
0x33: {  	p0 =	seq.s32 s10, $0x1;
	s10 =	sld [smem:$0x3FB2];
	_ =	sdelay $0x3  }
0x34: {  	[smem:$0x3FB2] =	sst s10  }
0x35: {  	s10 =	sld [smem:$0x3FB1];
	_ =	sdelay $0x3  }
0x36: {  	p1 =	seq.s32 s10, $0x1;
	s10 =	sld [smem:$0x3FB2];
	_ =	sdelay $0x3  }
0x37: {  	[smem:$0x3FB2] =	sst s10  }
0x38: {  	s10 =	sld [smem:$0x3FB3]  }
0x39: {  	_ = 	snop;
	(pc) =	sbr.ind lr, $3  }
0x3a: {  	_ = 	snop  }
0x3b: {  	_ = 	snop  }
0x3c: {  	p2 =	seq.s32 s10, $0x1;
	s10 =	sld [smem:$0x3FB2]  }
0x3d: {  	_ =	shalt  }
0x3e: {  	_ =	shalt  }
0x3f: {  	_ =	shalt  }
0x40: {  	_ =	shalt  }
0x41: {  	_ =	shalt  }
0x42: {  	_ =	shalt  }
0x43: {  	_ =	shalt  }
0x44: {  	_ =	shalt  }
0x45: {  	_ =	shalt  }
0x46: {  	_ =	shalt  }
0x47: {  	_ =	shalt  }
0x48: {  	_ =	shalt  }
0x49: {  	_ =	shalt  }
0x4a: {  	_ =	shalt  }
0x4b: {  	_ =	shalt  }
0x4c: {  	_ =	shalt  }
0x4d: {  	_ =	shalt  }
0x4e: {  	_ =	shalt  }
0x4f: {  	_ =	shalt  }
0x50: {  	_ =	shalt  }
0x51: {  	_ =	shalt  }
0x52: {  	_ =	shalt  }
0x53: {  	_ =	shalt  }
0x54: {  	_ =	shalt  }
0x55: {  	_ =	shalt  }
0x56: {  	_ =	shalt  }
0x57: {  	_ =	shalt  }
0x58: {  	_ =	shalt  }
0x59: {  	_ =	shalt  }
0x5a: {  	_ =	shalt  }
0x5b: {  	_ =	shalt  }
0x5c: {  	_ =	shalt  }
0x5d: {  	_ =	shalt  }
0x5e: {  	_ =	shalt  }
0x5f: {  	_ =	shalt  }
0x60: {  	_ =	shalt  }
0x61: {  	_ =	shalt  }
0x62: {  	_ =	shalt  }
0x63: {  	_ =	shalt  }
0x64: {  	_ =	shalt  }
0x65: {  	_ =	shalt  }
0x66: {  	_ =	shalt  }
0x67: {  	_ =	shalt  }
0x68: {  	_ =	shalt  }
0x69: {  	_ =	shalt  }
0x6a: {  	_ =	shalt  }
0x6b: {  	_ =	shalt  }
0x6c: {  	_ =	shalt  }
0x6d: {  	_ =	shalt  }
0x6e: {  	_ =	shalt  }
0x6f: {  	_ =	shalt  }
0x70: {  	_ =	shalt  }
0x71: {  	_ =	shalt  }
0x72: {  	_ =	shalt  }
0x73: {  	_ =	shalt  }
0x74: {  	_ =	shalt  }
0x75: {  	_ =	shalt  }
0x76: {  	_ =	shalt  }
0x77: {  	_ =	shalt  }
0x78: {  	_ =	shalt  }
0x79: {  	_ =	shalt  }
0x7a: {  	_ =	shalt  }
0x7b: {  	_ =	shalt  }
0x7c: {  	_ =	shalt  }
0x7d: {  	_ =	shalt  }
0x7e: {  	_ =	shalt  }
0x7f: {  	_ =	shalt  }
0x80: {  	_ =	shalt  }
0x81: {  	_ =	shalt  }
0x82: {  	_ =	shalt  }
0x83: {  	_ =	shalt  }
0x84: {  	_ =	shalt  }
0x85: {  	_ =	shalt  }
0x86: {  	_ =	shalt  }
0x87: {  	_ =	shalt  }
.Lfunc_end0:
.L_simem_size_0:
called_computation.2_lowered:
.L_overlay_start_0:
0x88: {  	s2 =	sld [smem:$0x3FD9]  }
0x89: {  	s3 =	sld [smem:$0x3FFE];
	_ =	sdelay $0x1  }
0x8a: {  	s1 =	srdreg.scid  }
0x8b: {  	s0 =	sand.u32 $0x1, s1  }
0x8c: {  	s14 =	sshll.u32 s0, $0xA;
	s2 =	sadd.s32 s3, s2  }
0x8d: {  	s2 =	sadd.s32 s2, s14  }
0x8e: {  	[smem:$0x3FBE] =	sst s2  }
0x8f: {  	_ = 	snop  }
0x90: {  	s2 =	sld [smem:$0x3FD0];
	_ =	sdelay $0x2  }
0x91: {  	s15 =	simm.s32 $0xA;
	s4 =	simm.s32 $0x10  }
0x92: {  	[smem:s4], [sflag:s15] =	dma.local [hbm:s2], $0x1  }
0x93: {  	_ =	swait.eq [sflag:s15], $0x1  }
0x94: {  	[sflag:s15] =	ssyncset.done $0x0  }
0x95: {  	[sflag:s15] =	ssyncadd.s32 $0xFFFFFFFF  }
0x96: {  	s16 =	sld [smem:$0x11];
	(tm) =	ssettm $0x1  }
0x97: {  	s17 =	sld [smem:$0x3FFB];
	_ =	sdelay $0x3  }
0x98: {  	_ =	strace s17  }
0x99: {  	s3 =	sld [smem:$0x3FFC];
	_ =	sdelay $0x3  }
0x9a: {  	_ =	strace s3  }
0x9b: {  	s3 =	sld [smem:$0x3FFD];
	_ =	sdelay $0x3  }
0x9c: {  	_ =	strace s3  }
0x9d: {  	_ =	strace $0x8FFFFFFF  }
0x9e: {  	s18 =	sld [smem:$0x3FDB];
	_ =	sdelay $0x1  }
0x9f: {  	s19 =	simm.s32 $_scs_section_size  }
0xa0: {  	s5 =	simm.s32 $_size__tile_overlayer_lowered;
	s6 =	simm.s32 $_tile_overlayer_lowered  }
0xa1: {  	s22 =	simm.s32 $0x1BFF;
	s21 =	sshll.u32 s6, $0x1;
	s3 =	sadd.s32 s19, s18  }
0xa2: {  	s7 =	simm.s32 $0x0;
	s20 =	sshll.u32 s5, $0x1;
	s5 =	sadd.s32 s21, s3  }
0xa3: {  	[timem:s7], [sflag:s22] =	dma.local [hbm:s5], s20  }
0xa4: {  	_ =	swait.ge [sflag:s22], s20  }
0xa5: {  	s4 =	ssub.s32 $0x0, s20;
	[sflag:s22] =	ssyncset.done $0x0  }
0xa6: {  	[sflag:s22] =	ssyncadd.s32 s4;
	_ =	sdelay $0x1  }
0xa7: {  	s23 =	simm.s32 $0x1B8B  }
0xa8: {  	_ =	swait.ge [sflag:s23], $0x1  }
0xa9: {  	[sflag:s23] =	ssyncset.done $0x0  }
0xaa: {  	s25 =	simm.s32 $0x1B8E;
	s24 =	sld [smem:$0x3FFE];
	[sflag:s23] =	ssyncadd.s32 $0xFFFFFFFF  }
0xab: {  	s26 =	simm.s32 $execute0_lowered;
	[smem:$0x3FD2] =	sst s25  }
0xac: {  	s5 =	sshll.u32 s26, $0x1;
	_ =	strace $0x8000004C;
	[dreg:$0x1] =	wrdreg $0xFFFFFFFF  }
0xad: {  	s28 =	simm.s32 $_size_execute0_lowered;
	s3 =	sadd.s32 s3, s5;
	[dreg:$0x0] =	wrdreg $0x0  }
0xae: {  	s5 =	sshll.u32 s28, $0x1;
	[dreg:$0x2] =	wrdreg s3  }
0xaf: {  	[dreg:$0x3] =	wrdreg s5  }
0xb0: {  	[dreg:$0x4] =	wrdreg $0xC0  }
0xb1: {  	_ =	task [dreg:s7], $0x5FFFF  }
0xb2: {  	[dreg:$0x1] =	wrdreg $0xFFFFFFFF  }
0xb3: {  	[dreg:$0x0] =	wrdreg $0x60  }
0xb4: {  	[dreg:$0x2] =	wrdreg s24  }
0xb5: {  	[dreg:$0x3] =	wrdreg s16  }
0xb6: {  	[dreg:$0x4] =	wrdreg $0xA0000  }
0xb7: {  	[dreg:$0x5] =	wrdreg $0x9  }
0xb8: {  	_ =	task.clear_ibuf [dreg:s7], $0x6FFFF;
	_ =	strace $0x9000004C  }
0xb9: {  	s29 =	simm.s32 $0x9;
	_ =	strace $0x8000004E  }
0xba: {  	_ =	swait.ge [sflag:s29], $0x1  }
0xbb: {  	[sflag:s29] =	ssyncadd.s32 $0xFFFFFFFF  }
0xbc: {  	_ =	strace $0x9000004E  }
0xbd: {  	_ =	sfence  }
0xbe: {  	s30 =	sld [smem:$0x0];
	_ =	sdelay $0x2  }
0xbf: {  	s31 =	sshll.u32 s1, $0xD;
	s1 =	sshrl.u32 s1, $0x2  }
0xc0: {  	s3 =	sand.u32 $0x4000, s31;
	s1 =	sadd.s32 s1, s30  }
0xc1: {  	s0 =	sor.u32 s3, s0;
	s1 =	sshll.u32 s1, $0x11  }
0xc2: {  	s0 =	sor.u32 s1, s0  }
0xc3: {  	s0 =	sadd.s32 $0x8F2B, s0  }
0xc4: {  	[sflag:s0] =	ssyncadd.remote.s32 $0x1  }
0xc5: {  	_ =	sfence.sel $0xFFFF  }
0xc6: {  	[dreg:$0x0] =	wrdreg $0xFFFFFFFF;
	(pc) =	sbr.abs _section_cstart, $3  }
0xc7: {  	[dreg:$0x1] =	wrdreg $0xFFFFFFFF  }
0xc8: {  	_ =	task.clear_ibuf [dreg:s7], $0x2FFFF;
	_ =	strace $0x9FFFFFFF  }
0xc9: {  	(tm) =	ssettm $0x7FFFFFFF  }
tec
execute0_lowered:
.L_overlay_start_1:
0x0: {  	(tag) =	ssettag $0x1  }
0x1: {  	s0 =	srdreg.scid  }
0x2: {  	s1 =	rddreg [dreg:$0x0];
	s9 =	stileid.u32  }
0x3: {  	s5 =	rddreg [dreg:$0x1];
	s28 =	simm.s32 $0x80;
	s29 =	simm.s32 $0x400  }
0x4: {  	s30 =	simm.s32 $0x2800;
	s31 =	simm.s32 $0x28;
	s11 =	simm.s32 $0x6  }
0x5: {  	s0 =	sand.u32 $0x1, s0;
	s6 =	sshll.u32 s9, $0x7;
	s8 =	smul.u32 $0x14000, s9  }
0x6: {  	s15 =	smul.u32 $0x50000, s9;
	s2 =	sshll.u32 s0, $0x4;
	s6 =	sand.u32 $0x380, s6  }
0x7: {  	s7 =	smul.u32 $0x140000, s0;
	s0 =	ssub.s32 $0x2, s0;
	s3 =	sor.u32 s9, s2  }
0x8: {  	s2 =	rddreg [dreg:$0x2];
	s10 =	sshrl.u32 s0, $0x1;
	s3 =	sshrl.u32 s3, $0x3  }
0x9: {  	s17 =	sshrl.u32 s15, $0x2;
	s7 =	sadd.s32 s8, s7;
	s4 =	smul.u32 $0x14000, s3  }
0xa: {  	s0 =	ssub.s32 s0, s10;
	s3 =	simm.s32 $0x0;
	s7 =	sshrl.u32 s7, $0x3  }
0xb: {  	s0 =	smax.u32 s0, $0x1;
	[smem:$0x7FF] =	sst s3;
	s6 =	sor.u32 s6, s4  }
0xc: {  	_ =	strace $0x8000004D;
	s4 =	sadd.s32 $0xCC00, s1;
	s6 =	sshrl.u32 s6, $0x3  }
0xd: {  	[dreg:$0x7] =	wrdreg s0;
	s16 =	sadd.s32 s6, s1;
	s5 =	sadd.s32 s5, s6  }
0xe: {  	s1 =	sadd.s32 s7, s1;
	[dreg:$0x4] =	wrdreg s5;
	s18 =	sadd.s32 $0x2C00, s16  }
0xf: {  	s7 =	sadd.s32 s17, s2;
	s1 =	sadd.s32 $0x34C00, s1;
	[dreg:$0x5] =	wrdreg s18  }
0x10: {  	s12 =	simm.s32 $0x4;
	s19 =	sadd.s32 $0x1400, s7;
	[dreg:$0x6] =	wrdreg s1  }
0x11: {  	s13 =	simm.s32 $0x7;
	s20 =	sadd.s32 $0x2800, s7;
	[dreg:$0x8] =	wrdreg s19  }
0x12: {  	s14 =	simm.s32 $0x8;
	s21 =	sadd.s32 $0x3C00, s7;
	[dreg:$0x9] =	wrdreg s20  }
0x13: {  	s9 =	simm.s32 $0x5;
	s22 =	sadd.s32 $0x5000, s7;
	[dreg:$0xa] =	wrdreg s21  }
0x14: {  	s8 =	simm.s32 $0x2;
	s23 =	sadd.s32 $0x6400, s7;
	[dreg:$0xb] =	wrdreg s22  }
0x15: {  	s10 =	simm.s32 $0x3;
	s24 =	sadd.s32 $0x7800, s7;
	[dreg:$0xc] =	wrdreg s23  }
0x16: {  	s0 =	simm.s32 $0x7800;
	s25 =	sadd.s32 $0x8C00, s7;
	[dreg:$0xd] =	wrdreg s24  }
0x17: {  	s6 =	simm.s32 $0x8C00;
	s26 =	sadd.s32 $0xA000, s7;
	[dreg:$0xe] =	wrdreg s25  }
0x18: {  	s5 =	simm.s32 $0x1;
	[dreg:$0xf] =	wrdreg s26;
	s18 =	sadd.s32 $0xB400, s7  }
0x19: {  	s19 =	sadd.s32 $0xC800, s7;
	s20 =	sadd.s32 $0xDC00, s7;
	s21 =	sadd.s32 $0xF000, s7  }
0x1a: {  	s22 =	sadd.s32 $0x10400, s7;
	s23 =	sadd.s32 $0x11800, s7;
	s24 =	sadd.s32 $0x12C00, s7  }
0x1b: {  	v0 =	vimm.f32 $0.0e+00;
	s25 =	simm.s32 $0x5000;
	s26 =	simm.s32 $0x9;
	s1 =	simm.s32 $0x6400  }
.LBB2_1:
0x1c: {  	s15 =	simm.s32 $0x70;
	s16 =	simm.s32 $0x3C0  }
.LBB2_2:
0x1d: {  	p0 =	sne.s32 s16, $0x4FC0;
	[tilespmem:s15+$0x5000] =	vst v0  }
0x1e: {  	[tilespmem:s15+$0x4F90] =	vst v0  }
0x1f: {  	[tilespmem:s15+$0x4FA0] =	vst v0  }
.Ltmp0:
0x20: {  	[tilespmem:s15+$0x4FB0] =	vst v0;
	(pc) =	sbr.rel @p0 .LBB2_2-.Ltmp0, $4  }
0x21: {  	[tilespmem:s15+$0x4FC0] =	vst v0  }
0x22: {  	[tilespmem:s15+$0x4FD0] =	vst v0  }
0x23: {  	[tilespmem:s15+$0x4FE0] =	vst v0  }
0x24: {  	[tilespmem:s15+$0x4FF0] =	vst v0;
	s15 =	sshra.s32 s16, $0x2;
	s16 =	sadd.s32 $0x200, s16  }
0x25: {  	[tilespmem:s15+$0x5000] =	vst v0  }
0x26: {  	[tilespmem:s15+$0x4F90] =	vst v0  }
0x27: {  	[tilespmem:s15+$0x4FA0] =	vst v0  }
0x28: {  	[tilespmem:s15+$0x4FB0] =	vst v0  }
0x29: {  	[tilespmem:s15+$0x4FC0] =	vst v0  }
0x2a: {  	[tilespmem:s15+$0x4FD0] =	vst v0  }
0x2b: {  	[tilespmem:s15+$0x4FE0] =	vst v0  }
0x2c: {  	[tilespmem:s15+$0x4FF0] =	vst v0  }
0x2d: {  	[spmem:s7] =	stream.linear.scatter [tilespmem:s25], [sflag:$0x9], $0x1400, $0x38;
	[tilespmem:$0x1E000] =	vst v63  }
0x2e: {  	_ =	swait.ge [sflag:s26], $0x1400  }
0x2f: {  	[sflag:s26] =	ssyncset.done $0x0  }
0x30: {  	s17 =	rddreg [dreg:$0x8];
	[sflag:s26] =	ssyncadd.s32 $0xFFFFEC00  }
0x31: {  	[spmem:s17] =	stream.linear.scatter [tilespmem:s25], [sflag:$0x9], $0x1400, $0x38;
	[tilespmem:$0x1E000] =	vst v63  }
0x32: {  	_ =	swait.ge [sflag:s26], $0x1400  }
0x33: {  	[sflag:s26] =	ssyncset.done $0x0  }
0x34: {  	s16 =	rddreg [dreg:$0x9];
	[sflag:s26] =	ssyncadd.s32 $0xFFFFEC00  }
0x35: {  	[spmem:s16] =	stream.linear.scatter [tilespmem:s25], [sflag:$0x9], $0x1400, $0x38;
	[tilespmem:$0x1E000] =	vst v63  }
0x36: {  	_ =	swait.ge [sflag:s26], $0x1400  }
0x37: {  	[sflag:s26] =	ssyncset.done $0x0  }
0x38: {  	s17 =	rddreg [dreg:$0xa];
	[sflag:s26] =	ssyncadd.s32 $0xFFFFEC00  }
0x39: {  	[spmem:s17] =	stream.linear.scatter [tilespmem:s25], [sflag:$0x9], $0x1400, $0x38;
	[tilespmem:$0x1E000] =	vst v63  }
0x3a: {  	_ =	swait.ge [sflag:s26], $0x1400  }
0x3b: {  	[sflag:s26] =	ssyncset.done $0x0  }
0x3c: {  	s16 =	rddreg [dreg:$0xb];
	[sflag:s26] =	ssyncadd.s32 $0xFFFFEC00  }
0x3d: {  	[spmem:s16] =	stream.linear.scatter [tilespmem:s25], [sflag:$0x9], $0x1400, $0x38;
	[tilespmem:$0x1E000] =	vst v63  }
0x3e: {  	_ =	swait.ge [sflag:s26], $0x1400  }
0x3f: {  	[sflag:s26] =	ssyncset.done $0x0  }
0x40: {  	s17 =	rddreg [dreg:$0xc];
	[sflag:s26] =	ssyncadd.s32 $0xFFFFEC00  }
0x41: {  	[spmem:s17] =	stream.linear.scatter [tilespmem:s25], [sflag:$0x9], $0x1400, $0x38;
	[tilespmem:$0x1E000] =	vst v63  }
0x42: {  	_ =	swait.ge [sflag:s26], $0x1400  }
0x43: {  	[sflag:s26] =	ssyncset.done $0x0  }
0x44: {  	s16 =	rddreg [dreg:$0xd];
	[sflag:s26] =	ssyncadd.s32 $0xFFFFEC00  }
0x45: {  	[spmem:s16] =	stream.linear.scatter [tilespmem:s25], [sflag:$0x9], $0x1400, $0x38;
	[tilespmem:$0x1E000] =	vst v63  }
0x46: {  	_ =	swait.ge [sflag:s26], $0x1400  }
0x47: {  	[sflag:s26] =	ssyncset.done $0x0  }
0x48: {  	s17 =	rddreg [dreg:$0xe];
	[sflag:s26] =	ssyncadd.s32 $0xFFFFEC00  }
0x49: {  	[spmem:s17] =	stream.linear.scatter [tilespmem:s25], [sflag:$0x9], $0x1400, $0x38;
	[tilespmem:$0x1E000] =	vst v63  }
0x4a: {  	_ =	swait.ge [sflag:s26], $0x1400  }
0x4b: {  	[sflag:s26] =	ssyncset.done $0x0  }
0x4c: {  	s16 =	rddreg [dreg:$0xf];
	[sflag:s26] =	ssyncadd.s32 $0xFFFFEC00  }
0x4d: {  	[spmem:s16] =	stream.linear.scatter [tilespmem:s25], [sflag:$0x9], $0x1400, $0x38;
	[tilespmem:$0x1E000] =	vst v63  }
0x4e: {  	_ =	swait.ge [sflag:s26], $0x1400  }
0x4f: {  	[sflag:s26] =	ssyncset.done $0x0  }
0x50: {  	[sflag:s26] =	ssyncadd.s32 $0xFFFFEC00  }
0x51: {  	[spmem:s18] =	stream.linear.scatter [tilespmem:s25], [sflag:$0x9], $0x1400, $0x38;
	[tilespmem:$0x1E000] =	vst v63  }
0x52: {  	_ =	swait.ge [sflag:s26], $0x1400  }
0x53: {  	[sflag:s26] =	ssyncset.done $0x0  }
0x54: {  	[sflag:s26] =	ssyncadd.s32 $0xFFFFEC00  }
0x55: {  	[spmem:s19] =	stream.linear.scatter [tilespmem:s25], [sflag:$0x9], $0x1400, $0x38;
	[tilespmem:$0x1E000] =	vst v63  }
0x56: {  	_ =	swait.ge [sflag:s26], $0x1400  }
0x57: {  	[sflag:s26] =	ssyncset.done $0x0  }
0x58: {  	[sflag:s26] =	ssyncadd.s32 $0xFFFFEC00  }
0x59: {  	[spmem:s20] =	stream.linear.scatter [tilespmem:s25], [sflag:$0x9], $0x1400, $0x38;
	[tilespmem:$0x1E000] =	vst v63  }
0x5a: {  	_ =	swait.ge [sflag:s26], $0x1400  }
0x5b: {  	[sflag:s26] =	ssyncset.done $0x0  }
0x5c: {  	[sflag:s26] =	ssyncadd.s32 $0xFFFFEC00  }
0x5d: {  	[spmem:s21] =	stream.linear.scatter [tilespmem:s25], [sflag:$0x9], $0x1400, $0x38;
	[tilespmem:$0x1E000] =	vst v63  }
0x5e: {  	_ =	swait.ge [sflag:s26], $0x1400  }
0x5f: {  	[sflag:s26] =	ssyncset.done $0x0  }
0x60: {  	[sflag:s26] =	ssyncadd.s32 $0xFFFFEC00  }
0x61: {  	[spmem:s22] =	stream.linear.scatter [tilespmem:s25], [sflag:$0x9], $0x1400, $0x38;
	[tilespmem:$0x1E000] =	vst v63  }
0x62: {  	_ =	swait.ge [sflag:s26], $0x1400  }
0x63: {  	[sflag:s26] =	ssyncset.done $0x0  }
0x64: {  	[sflag:s26] =	ssyncadd.s32 $0xFFFFEC00  }
0x65: {  	[spmem:s23] =	stream.linear.scatter [tilespmem:s25], [sflag:$0x9], $0x1400, $0x38;
	[tilespmem:$0x1E000] =	vst v63  }
0x66: {  	_ =	swait.ge [sflag:s26], $0x1400  }
0x67: {  	[sflag:s26] =	ssyncset.done $0x0  }
0x68: {  	[sflag:s26] =	ssyncadd.s32 $0xFFFFEC00  }
0x69: {  	[spmem:s24] =	stream.linear.scatter [tilespmem:s25], [sflag:$0x9], $0x1400, $0x38;
	[tilespmem:$0x1E000] =	vst v63  }
0x6a: {  	_ =	swait.ge [sflag:s26], $0x1400  }
0x6b: {  	[sflag:s26] =	ssyncset.done $0x0  }
0x6c: {  	[sflag:s26] =	ssyncadd.s32 $0xFFFFEC00  }
0x6d: {  	[bflag:$0x0] =	sbarrier.arrive $0xFFFF  }
0x6e: {  	s15 =	simm.s32 $0x0;
	s16 =	rddreg [dreg:$0x4]  }
0x6f: {  	[tilespmem:s15], [sflag:$0x9] =	stream.strided.gather [hbm4b:s16+s28], $0x2800, s29, s28, $0x38;
	[tilespmem:$0x1E000] =	vst v63  }
0x70: {  	_ =	swait.ge [sflag:s26], $0x2800  }
0x71: {  	[sflag:s26] =	ssyncset.done $0x0  }
0x72: {  	s17 =	rddreg [dreg:$0x5];
	[sflag:s26] =	ssyncadd.s32 $0xFFFFD800  }
0x73: {  	[tilespmem:s30], [sflag:$0x9] =	stream.strided.gather [hbm4b:s17+s28], $0x2800, s29, s28, $0x38;
	[tilespmem:$0x1E000] =	vst v63  }
0x74: {  	_ =	swait.ge [sflag:s26], $0x2800  }
0x75: {  	[sflag:s26] =	ssyncset.done $0x0  }
0x76: {  	[sflag:s26] =	ssyncadd.s32 $0xFFFFD800  }
0x77: {  	[tilespmem:s25], [sflag:$0x1] =	stream.indirect.gather [hbm4b:s4+s31], $0x80, s15, s31, $0xb8;
	[tilespmem:$0x1E000] =	vst v63  }
0x78: {  	_ = 	snop  }
0x79: {  	[tilespmem:s1], [sflag:$0x2] =	stream.indirect.gather [hbm4b:s4+s31], $0x80, s31, s31, $0xb8;
	[tilespmem:$0x1E000] =	vst v63  }
0x7a: {  	s16 =	simm.s32 $0x50  }
0x7b: {  	[tilespmem:s0], [sflag:$0x3] =	stream.indirect.gather [hbm4b:s4+s31], $0x80, s16, s31, $0xb8;
	[tilespmem:$0x1E000] =	vst v63  }
0x7c: {  	_ =	swait.ge [sflag:s5], $0x1400  }
0x7d: {  	[sflag:s5] =	ssyncset.done $0x0  }
0x7e: {  	[sflag:s5] =	ssyncadd.s32 $0xFFFFEC00  }
0x7f: {  	[spmem:s2] =	stream.indirect.scatter.add.f32 [tilespmem:s25], [sflag:$0x5], $0x80, s30, s31, $0xb8;
	[tilespmem:$0x1E000] =	vst v63  }
0x80: {  	s17 =	simm.s32 $0x78  }
0x81: {  	[tilespmem:s6], [sflag:$0x4] =	stream.indirect.gather [hbm4b:s4+s31], $0x80, s17, s31, $0xb8;
	[tilespmem:$0x1E000] =	vst v63  }
0x82: {  	_ =	swait.ge [sflag:s8], $0x1400  }
0x83: {  	[sflag:s8] =	ssyncset.done $0x0  }
0x84: {  	s16 =	simm.s32 $0x2828;
	[sflag:s8] =	ssyncadd.s32 $0xFFFFEC00  }
0x85: {  	[spmem:s2] =	stream.indirect.scatter.add.f32 [tilespmem:s1], [sflag:$0x6], $0x80, s16, s31, $0xb8;
	[tilespmem:$0x1E000] =	vst v63  }
0x86: {  	_ =	swait.ge [sflag:s9], $0x1400  }
0x87: {  	[sflag:s9] =	ssyncset.done $0x0  }
0x88: {  	s17 =	simm.s32 $0xA0;
	[sflag:s9] =	ssyncadd.s32 $0xFFFFEC00  }
0x89: {  	[tilespmem:s25], [sflag:$0x1] =	stream.indirect.gather [hbm4b:s4+s31], $0x80, s17, s31, $0xb8;
	[tilespmem:$0x1E000] =	vst v63  }
0x8a: {  	_ =	swait.ge [sflag:s10], $0x1400  }
0x8b: {  	[sflag:s10] =	ssyncset.done $0x0  }
0x8c: {  	s16 =	simm.s32 $0x2850;
	[sflag:s10] =	ssyncadd.s32 $0xFFFFEC00  }
0x8d: {  	[spmem:s2] =	stream.indirect.scatter.add.f32 [tilespmem:s0], [sflag:$0x7], $0x80, s16, s31, $0xb8;
	[tilespmem:$0x1E000] =	vst v63  }
0x8e: {  	_ =	swait.ge [sflag:s11], $0x1400  }
0x8f: {  	[sflag:s11] =	ssyncset.done $0x0  }
0x90: {  	s17 =	simm.s32 $0xC8;
	[sflag:s11] =	ssyncadd.s32 $0xFFFFEC00  }
0x91: {  	[tilespmem:s1], [sflag:$0x2] =	stream.indirect.gather [hbm4b:s4+s31], $0x80, s17, s31, $0xb8;
	[tilespmem:$0x1E000] =	vst v63  }
0x92: {  	_ =	swait.ge [sflag:s12], $0x1400  }
0x93: {  	[sflag:s12] =	ssyncset.done $0x0  }
0x94: {  	s16 =	simm.s32 $0x2878;
	[sflag:s12] =	ssyncadd.s32 $0xFFFFEC00  }
0x95: {  	[spmem:s2] =	stream.indirect.scatter.add.f32 [tilespmem:s6], [sflag:$0x8], $0x80, s16, s31, $0xb8;
	[tilespmem:$0x1E000] =	vst v63  }
0x96: {  	_ =	swait.ge [sflag:s13], $0x1400  }
0x97: {  	[sflag:s13] =	ssyncset.done $0x0  }
0x98: {  	s17 =	simm.s32 $0xF0;
	[sflag:s13] =	ssyncadd.s32 $0xFFFFEC00  }
0x99: {  	[tilespmem:s0], [sflag:$0x3] =	stream.indirect.gather [hbm4b:s4+s31], $0x80, s17, s31, $0xb8;
	[tilespmem:$0x1E000] =	vst v63  }
0x9a: {  	_ =	swait.ge [sflag:s5], $0x1400  }
0x9b: {  	[sflag:s5] =	ssyncset.done $0x0  }
0x9c: {  	s16 =	simm.s32 $0x28A0;
	[sflag:s5] =	ssyncadd.s32 $0xFFFFEC00  }
0x9d: {  	[spmem:s2] =	stream.indirect.scatter.add.f32 [tilespmem:s25], [sflag:$0x5], $0x80, s16, s31, $0xb8;
	[tilespmem:$0x1E000] =	vst v63  }
0x9e: {  	_ =	swait.ge [sflag:s14], $0x1400  }
0x9f: {  	[sflag:s14] =	ssyncset.done $0x0  }
0xa0: {  	s17 =	simm.s32 $0x118;
	[sflag:s14] =	ssyncadd.s32 $0xFFFFEC00  }
0xa1: {  	[tilespmem:s6], [sflag:$0x4] =	stream.indirect.gather [hbm4b:s4+s31], $0x80, s17, s31, $0xb8;
	[tilespmem:$0x1E000] =	vst v63  }
0xa2: {  	_ =	swait.ge [sflag:s8], $0x1400  }
0xa3: {  	[sflag:s8] =	ssyncset.done $0x0  }
0xa4: {  	s15 =	simm.s32 $0x280;
	s16 =	simm.s32 $0x28C8;
	[sflag:s8] =	ssyncadd.s32 $0xFFFFEC00  }
.LBB2_4:
0xa5: {  	[spmem:s2] =	stream.indirect.scatter.add.f32 [tilespmem:s1], [sflag:$0x6], $0x80, s16, s31, $0xb8;
	[tilespmem:$0x1E000] =	vst v63  }
0xa6: {  	s16 =	smov.u32 s15  }
0xa7: {  	p0 =	sne.s32 s15, $0x9B00;
	s15 =	sadd.s32 $0x280, s15;
	_ =	swait.ge [sflag:s9], $0x1400  }
0xa8: {  	s16 =	sshra.s32 s16, $0x2;
	[sflag:s9] =	ssyncset.done $0x0  }
0xa9: {  	s17 =	sadd.s32 $0xA0, s16;
	[sflag:s9] =	ssyncadd.s32 $0xFFFFEC00  }
0xaa: {  	[tilespmem:s25], [sflag:$0x1] =	stream.indirect.gather [hbm4b:s4+s31], $0x80, s17, s31, $0xb8;
	[tilespmem:$0x1E000] =	vst v63  }
0xab: {  	_ =	swait.ge [sflag:s10], $0x1400  }
0xac: {  	[sflag:s10] =	ssyncset.done $0x0  }
0xad: {  	s17 =	sadd.s32 $0x2850, s16;
	[sflag:s10] =	ssyncadd.s32 $0xFFFFEC00  }
0xae: {  	[spmem:s2] =	stream.indirect.scatter.add.f32 [tilespmem:s0], [sflag:$0x7], $0x80, s17, s31, $0xb8;
	[tilespmem:$0x1E000] =	vst v63  }
0xaf: {  	_ =	swait.ge [sflag:s11], $0x1400  }
0xb0: {  	[sflag:s11] =	ssyncset.done $0x0  }
0xb1: {  	s17 =	sadd.s32 $0xC8, s16;
	[sflag:s11] =	ssyncadd.s32 $0xFFFFEC00  }
0xb2: {  	[tilespmem:s1], [sflag:$0x2] =	stream.indirect.gather [hbm4b:s4+s31], $0x80, s17, s31, $0xb8;
	[tilespmem:$0x1E000] =	vst v63  }
0xb3: {  	_ =	swait.ge [sflag:s12], $0x1400  }
0xb4: {  	[sflag:s12] =	ssyncset.done $0x0  }
0xb5: {  	s17 =	sadd.s32 $0x2878, s16;
	[sflag:s12] =	ssyncadd.s32 $0xFFFFEC00  }
0xb6: {  	[spmem:s2] =	stream.indirect.scatter.add.f32 [tilespmem:s6], [sflag:$0x8], $0x80, s17, s31, $0xb8;
	[tilespmem:$0x1E000] =	vst v63  }
0xb7: {  	_ =	swait.ge [sflag:s13], $0x1400  }
0xb8: {  	[sflag:s13] =	ssyncset.done $0x0  }
0xb9: {  	s17 =	sadd.s32 $0xF0, s16;
	[sflag:s13] =	ssyncadd.s32 $0xFFFFEC00  }
0xba: {  	[tilespmem:s0], [sflag:$0x3] =	stream.indirect.gather [hbm4b:s4+s31], $0x80, s17, s31, $0xb8;
	[tilespmem:$0x1E000] =	vst v63  }
0xbb: {  	_ =	swait.ge [sflag:s5], $0x1400  }
0xbc: {  	[sflag:s5] =	ssyncset.done $0x0  }
0xbd: {  	s17 =	sadd.s32 $0x28A0, s16;
	[sflag:s5] =	ssyncadd.s32 $0xFFFFEC00  }
0xbe: {  	[spmem:s2] =	stream.indirect.scatter.add.f32 [tilespmem:s25], [sflag:$0x5], $0x80, s17, s31, $0xb8;
	[tilespmem:$0x1E000] =	vst v63  }
0xbf: {  	_ =	swait.ge [sflag:s14], $0x1400  }
0xc0: {  	[sflag:s14] =	ssyncset.done $0x0  }
.Ltmp1:
0xc1: {  	s17 =	sadd.s32 $0x118, s16;
	[sflag:s14] =	ssyncadd.s32 $0xFFFFEC00;
	(pc) =	sbr.rel @p0 .LBB2_4-.Ltmp1, $4  }
0xc2: {  	[tilespmem:s6], [sflag:$0x4] =	stream.indirect.gather [hbm4b:s4+s31], $0x80, s17, s31, $0xb8;
	[tilespmem:$0x1E000] =	vst v63  }
0xc3: {  	_ =	swait.ge [sflag:s8], $0x1400  }
0xc4: {  	[sflag:s8] =	ssyncset.done $0x0  }
0xc5: {  	s16 =	sadd.s32 $0x28C8, s16;
	[sflag:s8] =	ssyncadd.s32 $0xFFFFEC00  }
0xc6: {  	[spmem:s2] =	stream.indirect.scatter.add.f32 [tilespmem:s1], [sflag:$0x6], $0x80, s16, s31, $0xb8;
	[tilespmem:$0x1E000] =	vst v63  }
0xc7: {  	_ =	swait.ge [sflag:s10], $0x1400  }
0xc8: {  	[sflag:s10] =	ssyncset.done $0x0  }
0xc9: {  	s15 =	simm.s32 $0x4FB0;
	[sflag:s10] =	ssyncadd.s32 $0xFFFFEC00  }
0xca: {  	[spmem:s2] =	stream.indirect.scatter.add.f32 [tilespmem:s0], [sflag:$0x7], $0x80, s15, s31, $0xb8;
	[tilespmem:$0x1E000] =	vst v63  }
0xcb: {  	_ =	swait.ge [sflag:s12], $0x1400  }
0xcc: {  	[sflag:s12] =	ssyncset.done $0x0  }
0xcd: {  	s17 =	simm.s32 $0x4FD8;
	[sflag:s12] =	ssyncadd.s32 $0xFFFFEC00  }
0xce: {  	[spmem:s2] =	stream.indirect.scatter.add.f32 [tilespmem:s6], [sflag:$0x8], $0x80, s17, s31, $0xb8;
	[tilespmem:$0x1E000] =	vst v63  }
0xcf: {  	_ =	swait.ge [sflag:s9], $0x1400  }
0xd0: {  	[sflag:s9] =	ssyncset.done $0x0  }
0xd1: {  	[sflag:s9] =	ssyncadd.s32 $0xFFFFEC00  }
0xd2: {  	_ =	swait.ge [sflag:s11], $0x1400  }
0xd3: {  	[sflag:s11] =	ssyncset.done $0x0  }
0xd4: {  	[sflag:s11] =	ssyncadd.s32 $0xFFFFEC00  }
0xd5: {  	_ =	swait.ge [sflag:s13], $0x1400  }
0xd6: {  	[sflag:s13] =	ssyncset.done $0x0  }
0xd7: {  	[sflag:s13] =	ssyncadd.s32 $0xFFFFEC00  }
0xd8: {  	_ =	swait.ge [sflag:s14], $0x1400  }
0xd9: {  	[sflag:s14] =	ssyncset.done $0x0  }
0xda: {  	s16 =	stileid.u32;
	[sflag:s14] =	ssyncadd.s32 $0xFFFFEC00  }
0xdb: {  	s15 =	sshll.u32 s16, $0x6;
	[bflag:$0x0] =	sbarrier.arrive $0xFFFF  }
0xdc: {  	s16 =	sshrl.u32 s7, $0x3;
	s15 =	sor.u32 $0x1C09, s15;
	s17 =	rddreg [dreg:$0x6]  }
0xdd: {  	[hbm:s17], [sflag:s15] =	dma.local [spmem:s16], $0x2800  }
0xde: {  	_ =	swait.ge [sflag:s26], $0x2800  }
0xdf: {  	s3 =	sadd.s32 $0x1, s3;
	s17 =	rddreg [dreg:$0x7]  }
0xe0: {  	p0 =	sne.s32 s3, s17  }
.Ltmp2:
0xe1: {  	_ = 	snop;
	(pc) =	sbr.rel @p0 .LBB2_1-.Ltmp2, $3  }
0xe2: {  	_ =	sdelay $0x1  }
0xe3: {  	[sflag:s26] =	ssyncset.done $0x0  }
0xe4: {  	[sflag:s26] =	ssyncadd.s32 $0xFFFFD800  }
0xe5: {  	_ =	sfence.sel $0x180000  }
0xe6: {  	[bflag:$0x0] =	sbarrier.arrive $0xFFFF  }
0xe7: {  	_ =	strace $0x9000004D  }
0xe8: {  	s0 =	stileid.u32;
	[bflag:$0x2] =	sbarrier.arrive $0xFFFF  }
0xe9: {  	p0 =	sne.s32 s0, $0x0;
	s0 =	rddreg [dreg:$0x3]  }
0xea: {  	s0 =	sadd.s32 @!p0 $0x100000, s0  }
0xeb: {  	[sflag:s0] =	ssyncadd.tile.s32 @!p0 $0x1;
	_ =	shalt  }
.Lfunc_end2:
_tile_overlayer_lowered:
.L_overlay_start_2:
0xec: {  	(tag) =	ssettag $0x2  }
0xed: {  	s0 =	rddreg [dreg:$0x0];
	s2 =	stileid.u32  }
0xee: {  	s1 =	rddreg [dreg:$0x1];
	p0 =	sne.s32 s2, $0x0  }
0xef: {  	s3 =	rddreg [dreg:$0x2];
	[bflag:$0x3] =	sbarrier.arrive $0xFFFF;
	s2 =	simm.s32 @!p0 $0x1C09  }
0xf0: {  	[timem:s3], [sflag:s2] =	dma.local @!p0 [hbm:s0], s1  }
0xf1: {  	s0 =	simm.s32 @!p0 $0x9  }
0xf2: {  	_ =	swait.ge @!p0 [sflag:s0], s1  }
0xf3: {  	s1 =	ssub.s32 @!p0 $0x0, s1;
	[sflag:s0] =	ssyncset.done @!p0 $0x0  }
0xf4: {  	[sflag:s0] =	ssyncadd.s32 @!p0 s1  }
0xf5: {  	[bflag:$0x3] =	sbarrier.arrive $0xFFFF  }
0xf6: {  	_ =	shalt  }

// kernel: kernel.9.cloned.1.call-start
scs
__scs_entry_jumppad:
0x0: {  	(pc) =	sbr.rel $0x88, $3  }
0x1: {  	(tag) =	ssettag $0x0;
	lr =	simm.s32 $0x1  }
0x2: {  	[smem:$0x3F97] =	sst lr;
	_ =	strace $0xD0000000  }
0x3: {  	_ = 	snop  }
0x4: {  	_ = 	snop  }
0x5: {  	_ = 	snop  }
0x6: {  	_ = 	snop  }
0x7: {  	_ = 	snop  }
__scs_overlays_trampoline_lowered:
0x8: {  	[smem:$0x3FA6] =	sst s0  }
0x9: {  	[smem:$0x3FA7] =	sst s1  }
0xa: {  	[smem:$0x3FA8] =	sst s2  }
0xb: {  	[smem:$0x3FA9] =	sst s3  }
0xc: {  	[smem:$0x3FAA] =	sst s4  }
0xd: {  	[smem:$0x3FAB] =	sst s5  }
0xe: {  	[smem:$0x3FAC] =	sst s6  }
0xf: {  	[smem:$0x3FAD] =	sst s7  }
0x10: {  	[smem:$0x3FAE] =	sst s8  }
0x11: {  	[smem:$0x3FAF] =	sst s9;
	s0 =	simm.s32 @!p0 $0x0  }
0x12: {  	s1 =	sld [smem:$0x3F95];
	s0 =	simm.s32 @p0 $0x1  }
0x13: {  	[smem:$0x3FB0] =	sst s0;
	s0 =	simm.s32 @!p1 $0x0  }
0x14: {  	s2 =	sld [smem:$0x3F94];
	s0 =	simm.s32 @p1 $0x1  }
0x15: {  	[smem:$0x3FB1] =	sst s0;
	s0 =	simm.s32 @!p2 $0x0  }
0x16: {  	s3 =	sld [smem:$0x3FDB];
	s0 =	simm.s32 @p2 $0x1  }
0x17: {  	s4 =	simm.s32 $0x1BF5;
	[smem:$0x3FB3] =	sst s0  }
0x18: {  	s0 =	sld [smem:$0x3F96];
	_ =	swait.ge [sflag:s4], $0x0  }
0x19: {  	s7 =	sld [smem:$0x3F97]  }
0x1a: {  	s8 =	sadd.s32 $0xFFFFE003, lr  }
0x1b: {  	s9 =	sadd.s32 $0xFFFFFEF7, lr;
	s5 =	simm.s32 $0xFFFFFFFF;
	p2 =	slt.u32 s8, $0xFFFFF086  }
0x1c: {  	p1 =	slt.u32 s9, $0xF7A;
	s5 =	simm.s32 @!p2 $0x0  }
0x1d: {  	s5 =	simm.s32 @p1 $0x1;
	p0 =	seq.s32 s7, s2  }
0x1e: {  	s7 =	smul.u32 @!p0 $0xF7A, s2;
	p2 =	seq.s32 @!p0 s5, $0x0  }
0x1f: {  	s9 =	smul.u32 $0xF7A, s1;
	s8 =	simm.s32 @!p0 $0x1BF5;
	p2 =	por !p2, p0  }
0x20: {  	[sflag:s8] =	ssyncset.s32 @!p0 $0xFFFFF086;
	s6 =	sadd.s32 @!p0 s3, s7;
	s7 =	simm.s32 @!p0 $0x108  }
0x21: {  	s3 =	sadd.s32 s3, s9;
	s6 =	sadd.s32 @!p0 $0x88, s6;
	s7 =	simm.s32 @p2 $0x1082  }
0x22: {  	[simem:s7], [sflag:s8] =	dma.local @!p0 [hbm:s6], $0xF7A  }
0x23: {  	s9 =	sor.u32 $0xD0000000, s2;
	s6 =	simm.s32 $0x108;
	_ =	swait.ge @!p0 [sflag:s8], $0x0  }
0x24: {  	s3 =	sadd.s32 $0x88, s3;
	s6 =	simm.s32 @!p1 $0x1082;
	[sflag:s4] =	ssyncset.s32 $0xFFFFF086  }
0x25: {  	[simem:s6], [sflag:s4] =	dma.local [hbm:s3], $0xF7A  }
0x26: {  	[smem:$0x3F97] =	sst s1;
	(tag) =	ssettag s2;
	_ =	strace s9  }
0x27: {  	s1 =	sld [smem:$0x3FA7]  }
0x28: {  	s2 =	sld [smem:$0x3FA8]  }
0x29: {  	s4 =	sld [smem:$0x3FAA]  }
0x2a: {  	p0 =	seq.s32 s5, $0x0;
	s5 =	sld [smem:$0x3FAB]  }
0x2b: {  	s6 =	sld [smem:$0x3FAC]  }
0x2c: {  	s7 =	sld [smem:$0x3FAD]  }
0x2d: {  	s3 =	simm.s32 $0x108;
	s8 =	sld [smem:$0x3FAE]  }
0x2e: {  	s3 =	simm.s32 @!p0 $0x1082;
	s9 =	sld [smem:$0x3FAF]  }
0x2f: {  	lr =	sadd.s32 s0, s3;
	s0 =	sld [smem:$0x3FA6]  }
0x30: {  	s3 =	sld [smem:$0x3FA9]  }
0x31: {  	[smem:$0x3FB2] =	sst s10  }
0x32: {  	s10 =	sld [smem:$0x3FB0];
	_ =	sdelay $0x3  }
0x33: {  	p0 =	seq.s32 s10, $0x1;
	s10 =	sld [smem:$0x3FB2];
	_ =	sdelay $0x3  }
0x34: {  	[smem:$0x3FB2] =	sst s10  }
0x35: {  	s10 =	sld [smem:$0x3FB1];
	_ =	sdelay $0x3  }
0x36: {  	p1 =	seq.s32 s10, $0x1;
	s10 =	sld [smem:$0x3FB2];
	_ =	sdelay $0x3  }
0x37: {  	[smem:$0x3FB2] =	sst s10  }
0x38: {  	s10 =	sld [smem:$0x3FB3]  }
0x39: {  	_ = 	snop;
	(pc) =	sbr.ind lr, $3  }
0x3a: {  	_ = 	snop  }
0x3b: {  	_ = 	snop  }
0x3c: {  	p2 =	seq.s32 s10, $0x1;
	s10 =	sld [smem:$0x3FB2]  }
0x3d: {  	_ =	shalt  }
0x3e: {  	_ =	shalt  }
0x3f: {  	_ =	shalt  }
0x40: {  	_ =	shalt  }
0x41: {  	_ =	shalt  }
0x42: {  	_ =	shalt  }
0x43: {  	_ =	shalt  }
0x44: {  	_ =	shalt  }
0x45: {  	_ =	shalt  }
0x46: {  	_ =	shalt  }
0x47: {  	_ =	shalt  }
0x48: {  	_ =	shalt  }
0x49: {  	_ =	shalt  }
0x4a: {  	_ =	shalt  }
0x4b: {  	_ =	shalt  }
0x4c: {  	_ =	shalt  }
0x4d: {  	_ =	shalt  }
0x4e: {  	_ =	shalt  }
0x4f: {  	_ =	shalt  }
0x50: {  	_ =	shalt  }
0x51: {  	_ =	shalt  }
0x52: {  	_ =	shalt  }
0x53: {  	_ =	shalt  }
0x54: {  	_ =	shalt  }
0x55: {  	_ =	shalt  }
0x56: {  	_ =	shalt  }
0x57: {  	_ =	shalt  }
0x58: {  	_ =	shalt  }
0x59: {  	_ =	shalt  }
0x5a: {  	_ =	shalt  }
0x5b: {  	_ =	shalt  }
0x5c: {  	_ =	shalt  }
0x5d: {  	_ =	shalt  }
0x5e: {  	_ =	shalt  }
0x5f: {  	_ =	shalt  }
0x60: {  	_ =	shalt  }
0x61: {  	_ =	shalt  }
0x62: {  	_ =	shalt  }
0x63: {  	_ =	shalt  }
0x64: {  	_ =	shalt  }
0x65: {  	_ =	shalt  }
0x66: {  	_ =	shalt  }
0x67: {  	_ =	shalt  }
0x68: {  	_ =	shalt  }
0x69: {  	_ =	shalt  }
0x6a: {  	_ =	shalt  }
0x6b: {  	_ =	shalt  }
0x6c: {  	_ =	shalt  }
0x6d: {  	_ =	shalt  }
0x6e: {  	_ =	shalt  }
0x6f: {  	_ =	shalt  }
0x70: {  	_ =	shalt  }
0x71: {  	_ =	shalt  }
0x72: {  	_ =	shalt  }
0x73: {  	_ =	shalt  }
0x74: {  	_ =	shalt  }
0x75: {  	_ =	shalt  }
0x76: {  	_ =	shalt  }
0x77: {  	_ =	shalt  }
0x78: {  	_ =	shalt  }
0x79: {  	_ =	shalt  }
0x7a: {  	_ =	shalt  }
0x7b: {  	_ =	shalt  }
0x7c: {  	_ =	shalt  }
0x7d: {  	_ =	shalt  }
0x7e: {  	_ =	shalt  }
0x7f: {  	_ =	shalt  }
0x80: {  	_ =	shalt  }
0x81: {  	_ =	shalt  }
0x82: {  	_ =	shalt  }
0x83: {  	_ =	shalt  }
0x84: {  	_ =	shalt  }
0x85: {  	_ =	shalt  }
0x86: {  	_ =	shalt  }
0x87: {  	_ =	shalt  }
.Lfunc_end0:
.L_simem_size_0:
called_computation_lowered:
.L_overlay_start_0:
0x88: {  	s2 =	sld [smem:$0x3FD9]  }
0x89: {  	s3 =	sld [smem:$0x3FFE];
	_ =	sdelay $0x1  }
0x8a: {  	s1 =	srdreg.scid  }
0x8b: {  	s0 =	sand.u32 $0x1, s1  }
0x8c: {  	s14 =	sshll.u32 s0, $0xA;
	s2 =	sadd.s32 s3, s2  }
0x8d: {  	s2 =	sadd.s32 s2, s14  }
0x8e: {  	[smem:$0x3FBE] =	sst s2  }
0x8f: {  	_ = 	snop  }
0x90: {  	s2 =	sld [smem:$0x3FD0];
	_ =	sdelay $0x2  }
0x91: {  	s15 =	simm.s32 $0xA;
	s4 =	simm.s32 $0x10  }
0x92: {  	[smem:s4], [sflag:s15] =	dma.local [hbm:s2], $0x1  }
0x93: {  	_ =	swait.eq [sflag:s15], $0x1  }
0x94: {  	[sflag:s15] =	ssyncset.done $0x0  }
0x95: {  	[sflag:s15] =	ssyncadd.s32 $0xFFFFFFFF  }
0x96: {  	s16 =	sld [smem:$0x11];
	(tm) =	ssettm $0x1  }
0x97: {  	s17 =	sld [smem:$0x3FFB];
	_ =	sdelay $0x3  }
0x98: {  	_ =	strace s17  }
0x99: {  	s3 =	sld [smem:$0x3FFC];
	_ =	sdelay $0x3  }
0x9a: {  	_ =	strace s3  }
0x9b: {  	s3 =	sld [smem:$0x3FFD];
	_ =	sdelay $0x3  }
0x9c: {  	_ =	strace s3  }
0x9d: {  	_ =	strace $0x8FFFFFFF  }
0x9e: {  	s18 =	sld [smem:$0x3FDB];
	_ =	sdelay $0x1  }
0x9f: {  	s19 =	simm.s32 $_scs_section_size  }
0xa0: {  	s5 =	simm.s32 $_size__tile_overlayer_lowered;
	s6 =	simm.s32 $_tile_overlayer_lowered  }
0xa1: {  	s22 =	simm.s32 $0x1BFF;
	s21 =	sshll.u32 s6, $0x1;
	s3 =	sadd.s32 s19, s18  }
0xa2: {  	s7 =	simm.s32 $0x0;
	s20 =	sshll.u32 s5, $0x1;
	s5 =	sadd.s32 s21, s3  }
0xa3: {  	[timem:s7], [sflag:s22] =	dma.local [hbm:s5], s20  }
0xa4: {  	_ =	swait.ge [sflag:s22], s20  }
0xa5: {  	s4 =	ssub.s32 $0x0, s20;
	[sflag:s22] =	ssyncset.done $0x0  }
0xa6: {  	[sflag:s22] =	ssyncadd.s32 s4;
	_ =	sdelay $0x1  }
0xa7: {  	s23 =	simm.s32 $0x1B8B  }
0xa8: {  	_ =	swait.ge [sflag:s23], $0x1  }
0xa9: {  	[sflag:s23] =	ssyncset.done $0x0  }
0xaa: {  	s25 =	simm.s32 $0x1B8E;
	s24 =	sld [smem:$0x3FFE];
	[sflag:s23] =	ssyncadd.s32 $0xFFFFFFFF  }
0xab: {  	s26 =	simm.s32 $execute0_lowered;
	[smem:$0x3FD2] =	sst s25  }
0xac: {  	s5 =	sshll.u32 s26, $0x1;
	_ =	strace $0x80000046;
	[dreg:$0x1] =	wrdreg $0xFFFFFFFF  }
0xad: {  	s28 =	simm.s32 $_size_execute0_lowered;
	s3 =	sadd.s32 s3, s5;
	[dreg:$0x0] =	wrdreg $0x0  }
0xae: {  	s5 =	sshll.u32 s28, $0x1;
	[dreg:$0x2] =	wrdreg s3  }
0xaf: {  	[dreg:$0x3] =	wrdreg s5  }
0xb0: {  	[dreg:$0x4] =	wrdreg $0xC0  }
0xb1: {  	_ =	task [dreg:s7], $0x5FFFF  }
0xb2: {  	[dreg:$0x1] =	wrdreg $0xFFFFFFFF  }
0xb3: {  	[dreg:$0x0] =	wrdreg $0x60  }
0xb4: {  	[dreg:$0x2] =	wrdreg s16  }
0xb5: {  	[dreg:$0x3] =	wrdreg s24  }
0xb6: {  	[dreg:$0x4] =	wrdreg $0x51000  }
0xb7: {  	[dreg:$0x5] =	wrdreg $0x53800  }
0xb8: {  	[dreg:$0x6] =	wrdreg $0x9  }
0xb9: {  	_ =	task.clear_ibuf [dreg:s7], $0x7FFFF;
	_ =	strace $0x90000046  }
0xba: {  	s29 =	simm.s32 $0x9;
	_ =	strace $0x80000048  }
0xbb: {  	_ =	swait.ge [sflag:s29], $0x1  }
0xbc: {  	[sflag:s29] =	ssyncadd.s32 $0xFFFFFFFF  }
0xbd: {  	_ =	strace $0x90000048  }
0xbe: {  	_ =	sfence  }
0xbf: {  	s30 =	sld [smem:$0x0];
	_ =	sdelay $0x2  }
0xc0: {  	s31 =	sshll.u32 s1, $0xD;
	s1 =	sshrl.u32 s1, $0x2  }
0xc1: {  	s3 =	sand.u32 $0x4000, s31;
	s1 =	sadd.s32 s1, s30  }
0xc2: {  	s0 =	sor.u32 s3, s0;
	s1 =	sshll.u32 s1, $0x11  }
0xc3: {  	s0 =	sor.u32 s1, s0  }
0xc4: {  	s0 =	sadd.s32 $0x8F2B, s0  }
0xc5: {  	[sflag:s0] =	ssyncadd.remote.s32 $0x1  }
0xc6: {  	_ =	sfence.sel $0xFFFF  }
0xc7: {  	[dreg:$0x0] =	wrdreg $0xFFFFFFFF;
	(pc) =	sbr.abs _section_cstart, $3  }
0xc8: {  	[dreg:$0x1] =	wrdreg $0xFFFFFFFF  }
0xc9: {  	_ =	task.clear_ibuf [dreg:s7], $0x2FFFF;
	_ =	strace $0x9FFFFFFF  }
0xca: {  	(tm) =	ssettm $0x7FFFFFFF  }
0xcb: {  	_ =	shalt  }
tec
execute0_lowered:
.L_overlay_start_1:
0x0: {  	(tag) =	ssettag $0x1  }
0x1: {  	s6 =	rddreg [dreg:$0x0]  }
0x2: {  	s7 =	rddreg [dreg:$0x1]  }
0x3: {  	s2 =	rddreg [dreg:$0x2]  }
0x4: {  	s0 =	srdreg.scid;
	s3 =	rddreg [dreg:$0x3]  }
0x5: {  	s26 =	simm.s32 $0x0;
	s20 =	simm.s32 $0x80;
	s21 =	simm.s32 $0x400  }
0x6: {  	s22 =	simm.s32 $0x1;
	s23 =	simm.s32 $0x2800;
	s24 =	simm.s32 $0x5080  }
0x7: {  	s25 =	simm.s32 $0x5000;
	s28 =	simm.s32 $0x10;
	s29 =	simm.s32 $0x0  }
0x8: {  	s5 =	sand.u32 $0x1, s0;
	s0 =	stileid.u32;
	[smem:$0x7FF] =	sst s26  }
0x9: {  	s26 =	simm.s32 $0x20;
	s1 =	sshll.u32 s5, $0x4;
	s9 =	sshll.u32 s0, $0x7  }
0xa: {  	s30 =	smul.u32 $0x500, s0;
	_ =	strace $0x80000047;
	s10 =	sshll.u32 s5, $0x7  }
0xb: {  	s5 =	ssub.s32 $0x2, s5;
	s17 =	smul.u32 $0x280, s0;
	s1 =	sor.u32 s0, s1  }
0xc: {  	s9 =	sand.u32 $0x380, s9;
	s31 =	sshrl.u32 s5, $0x1;
	s1 =	sshrl.u32 s1, $0x3  }
0xd: {  	s12 =	ssub.s32 s5, s31;
	s13 =	sadd.s32 $0x80, s17;
	s8 =	smul.u32 $0x14000, s1  }
0xe: {  	s15 =	sadd.s32 $0x100, s17;
	s18 =	sadd.s32 $0x180, s17;
	s19 =	sadd.s32 $0x200, s17  }
0xf: {  	s14 =	sadd.s32 s15, s2;
	s15 =	sadd.s32 s15, s3;
	s8 =	sor.u32 s9, s8  }
0x10: {  	s16 =	sadd.s32 s18, s2;
	s9 =	sor.u32 s10, s30;
	s8 =	sshrl.u32 s8, $0x3  }
0x11: {  	s10 =	sadd.s32 s17, s3;
	s9 =	sshrl.u32 s9, $0x3;
	s11 =	sadd.s32 s8, s7  }
0x12: {  	s9 =	sadd.s32 s9, s7;
	s5 =	sadd.s32 s6, s8;
	s8 =	sadd.s32 s17, s2  }
0x13: {  	s17 =	sadd.s32 s18, s3;
	s18 =	sadd.s32 s19, s2;
	s19 =	sadd.s32 s19, s3  }
0x14: {  	s6 =	sadd.s32 $0x2C00, s11;
	s7 =	sadd.s32 $0xD600, s9;
	s9 =	sadd.s32 $0xCC00, s9  }
0x15: {  	v0 =	vimm.f32 $1.000000000e+00;
	v1 =	vimm.f32 $0.0e+00;
	s11 =	smax.u32 s12, $0x1;
	s12 =	sadd.s32 s13, s2;
	s13 =	sadd.s32 s13, s3  }
.LBB2_1:
0x16: {  	s1 =	simm.s32 $0x0  }
0x17: {  	[tilespmem:s1], [sflag:$0x1] =	stream.strided.gather [hbm4b:s5+s20], $0x2800, s21, s20, $0x38;
	[tilespmem:$0x5600] =	vst v63  }
0x18: {  	_ =	swait.ge [sflag:s22], $0x2800  }
0x19: {  	[sflag:s22] =	ssyncset.done $0x0  }
0x1a: {  	[sflag:s22] =	ssyncadd.s32 $0xFFFFD800  }
0x1b: {  	[tilespmem:s23], [sflag:$0x1] =	stream.strided.gather [hbm4b:s6+s20], $0x2800, s21, s20, $0x38;
	[tilespmem:$0x5600] =	vst v63  }
0x1c: {  	_ =	swait.ge [sflag:s22], $0x2800  }
0x1d: {  	[sflag:s22] =	ssyncset.done $0x0  }
0x1e: {  	[sflag:s22] =	ssyncadd.s32 $0xFFFFD800  }
0x1f: {  	[tilespmem:$0x5000] =	vst v0  }
0x20: {  	[tilespmem:$0x5010] =	vst v0  }
0x21: {  	[tilespmem:$0x5020] =	vst v0  }
0x22: {  	[tilespmem:$0x5030] =	vst v0  }
0x23: {  	[tilespmem:$0x5040] =	vst v0  }
0x24: {  	[tilespmem:$0x5050] =	vst v0  }
0x25: {  	[tilespmem:$0x5060] =	vst v0  }
0x26: {  	[tilespmem:$0x5070] =	vst v0  }
0x27: {  	[tilespmem:$0x5080] =	vst v1  }
0x28: {  	[tilespmem:$0x5090] =	vst v1  }
0x29: {  	[tilespmem:$0x50A0] =	vst v1  }
0x2a: {  	[tilespmem:$0x50B0] =	vst v1  }
0x2b: {  	[tilespmem:$0x50C0] =	vst v1  }
0x2c: {  	[tilespmem:$0x50D0] =	vst v1  }
0x2d: {  	[tilespmem:$0x50E0] =	vst v1  }
0x2e: {  	[tilespmem:$0x50F0] =	vst v1  }
0x2f: {  	[spmem:s8] =	stream.linear.scatter [tilespmem:s24], [sflag:$0x1], $0x80, $0x38;
	[tilespmem:$0x5600] =	vst v63  }
0x30: {  	_ =	swait.ge [sflag:s22], $0x80  }
0x31: {  	[sflag:s22] =	ssyncset.done $0x0  }
0x32: {  	[sflag:s22] =	ssyncadd.s32 $0xFFFFFF80  }
0x33: {  	[spmem:s10] =	stream.linear.scatter [tilespmem:s24], [sflag:$0x1], $0x80, $0x38;
	[tilespmem:$0x5600] =	vst v63  }
0x34: {  	_ =	swait.ge [sflag:s22], $0x80  }
0x35: {  	[sflag:s22] =	ssyncset.done $0x0  }
0x36: {  	[sflag:s22] =	ssyncadd.s32 $0xFFFFFF80  }
0x37: {  	[spmem:s12] =	stream.linear.scatter [tilespmem:s24], [sflag:$0x1], $0x80, $0x38;
	[tilespmem:$0x5600] =	vst v63  }
0x38: {  	_ =	swait.ge [sflag:s22], $0x80  }
0x39: {  	[sflag:s22] =	ssyncset.done $0x0  }
0x3a: {  	[sflag:s22] =	ssyncadd.s32 $0xFFFFFF80  }
0x3b: {  	[spmem:s13] =	stream.linear.scatter [tilespmem:s24], [sflag:$0x1], $0x80, $0x38;
	[tilespmem:$0x5600] =	vst v63  }
0x3c: {  	_ =	swait.ge [sflag:s22], $0x80  }
0x3d: {  	[sflag:s22] =	ssyncset.done $0x0  }
0x3e: {  	[sflag:s22] =	ssyncadd.s32 $0xFFFFFF80  }
0x3f: {  	[spmem:s14] =	stream.linear.scatter [tilespmem:s24], [sflag:$0x1], $0x80, $0x38;
	[tilespmem:$0x5600] =	vst v63  }
0x40: {  	_ =	swait.ge [sflag:s22], $0x80  }
0x41: {  	[sflag:s22] =	ssyncset.done $0x0  }
0x42: {  	[sflag:s22] =	ssyncadd.s32 $0xFFFFFF80  }
0x43: {  	[spmem:s15] =	stream.linear.scatter [tilespmem:s24], [sflag:$0x1], $0x80, $0x38;
	[tilespmem:$0x5600] =	vst v63  }
0x44: {  	_ =	swait.ge [sflag:s22], $0x80  }
0x45: {  	[sflag:s22] =	ssyncset.done $0x0  }
0x46: {  	[sflag:s22] =	ssyncadd.s32 $0xFFFFFF80  }
0x47: {  	[spmem:s16] =	stream.linear.scatter [tilespmem:s24], [sflag:$0x1], $0x80, $0x38;
	[tilespmem:$0x5600] =	vst v63  }
0x48: {  	_ =	swait.ge [sflag:s22], $0x80  }
0x49: {  	[sflag:s22] =	ssyncset.done $0x0  }
0x4a: {  	[sflag:s22] =	ssyncadd.s32 $0xFFFFFF80  }
0x4b: {  	[spmem:s17] =	stream.linear.scatter [tilespmem:s24], [sflag:$0x1], $0x80, $0x38;
	[tilespmem:$0x5600] =	vst v63  }
0x4c: {  	_ =	swait.ge [sflag:s22], $0x80  }
0x4d: {  	[sflag:s22] =	ssyncset.done $0x0  }
0x4e: {  	[sflag:s22] =	ssyncadd.s32 $0xFFFFFF80  }
0x4f: {  	[spmem:s18] =	stream.linear.scatter [tilespmem:s24], [sflag:$0x1], $0x80, $0x38;
	[tilespmem:$0x5600] =	vst v63  }
0x50: {  	_ =	swait.ge [sflag:s22], $0x80  }
0x51: {  	[sflag:s22] =	ssyncset.done $0x0  }
0x52: {  	[sflag:s22] =	ssyncadd.s32 $0xFFFFFF80  }
0x53: {  	[spmem:s19] =	stream.linear.scatter [tilespmem:s24], [sflag:$0x1], $0x80, $0x38;
	[tilespmem:$0x5600] =	vst v63  }
0x54: {  	_ =	swait.ge [sflag:s22], $0x80  }
0x55: {  	[sflag:s22] =	ssyncset.done $0x0  }
0x56: {  	[sflag:s22] =	ssyncadd.s32 $0xFFFFFF80  }
0x57: {  	s30 =	simm.s32 $0x0;
	[bflag:$0x0] =	sbarrier.arrive $0xFFFF  }
0x58: {  	[spmem:s2] =	stream.indirect.scatter.add.f32 [tilespmem:s25], [sflag:$0x1], $0x1, s30, s20, $0xb8;
	[tilespmem:$0x5600] =	vst v63  }
0x59: {  	_ =	swait.ge [sflag:s22], $0x80  }
0x5a: {  	[sflag:s22] =	ssyncset.done $0x0  }
0x5b: {  	s30 =	simm.s32 $0x2800;
	[sflag:s22] =	ssyncadd.s32 $0xFFFFFF80  }
0x5c: {  	[spmem:s3] =	stream.indirect.scatter.add.f32 [tilespmem:s25], [sflag:$0x1], $0x1, s30, s20, $0xb8;
	[tilespmem:$0x5600] =	vst v63  }
0x5d: {  	_ =	swait.ge [sflag:s22], $0x80  }
0x5e: {  	s31 =	simm.s32 $0x400;
	s30 =	simm.s32 $0x200;
	[sflag:s22] =	ssyncset.done $0x0  }
.LBB2_2:
0x5f: {  	s1 =	sshra.s32 s30, $0x2  }
0x60: {  	[sflag:s22] =	ssyncadd.s32 $0xFFFFFF80;
	s30 =	smov.u32 s31;
	s4 =	sadd.s32 $0x200, s31  }
0x61: {  	[spmem:s2] =	stream.indirect.scatter.add.f32 [tilespmem:s25], [sflag:$0x1], $0x1, s1, s20, $0xb8;
	[tilespmem:$0x5600] =	vst v63  }
0x62: {  	p0 =	sne.s32 s31, $0x9E00;
	_ =	swait.ge [sflag:s22], $0x80  }
.Ltmp0:
0x63: {  	[sflag:s22] =	ssyncset.done $0x0;
	(pc) =	sbr.rel @p0 .LBB2_2-.Ltmp0, $4  }
0x64: {  	s1 =	sadd.s32 $0x2800, s1;
	[sflag:s22] =	ssyncadd.s32 $0xFFFFFF80  }
0x65: {  	[spmem:s3] =	stream.indirect.scatter.add.f32 [tilespmem:s25], [sflag:$0x1], $0x1, s1, s20, $0xb8;
	[tilespmem:$0x5600] =	vst v63  }
0x66: {  	_ =	swait.ge [sflag:s22], $0x80  }
0x67: {  	s31 =	smov.u32 s4;
	[sflag:s22] =	ssyncset.done $0x0  }
0x68: {  	s1 =	sshra.s32 s30, $0x2;
	[sflag:s22] =	ssyncadd.s32 $0xFFFFFF80  }
0x69: {  	[spmem:s2] =	stream.indirect.scatter.add.f32 [tilespmem:s25], [sflag:$0x1], $0x1, s1, s20, $0xb8;
	[tilespmem:$0x5600] =	vst v63  }
0x6a: {  	_ =	swait.ge [sflag:s22], $0x80  }
0x6b: {  	[sflag:s22] =	ssyncset.done $0x0  }
0x6c: {  	s1 =	sadd.s32 $0x2800, s1;
	[sflag:s22] =	ssyncadd.s32 $0xFFFFFF80  }
0x6d: {  	[spmem:s3] =	stream.indirect.scatter.add.f32 [tilespmem:s25], [sflag:$0x1], $0x1, s1, s20, $0xb8;
	[tilespmem:$0x5600] =	vst v63  }
0x6e: {  	_ =	swait.ge [sflag:s22], $0x80  }
0x6f: {  	[sflag:s22] =	ssyncset.done $0x0  }
0x70: {  	s30 =	sshll.u32 s0, $0x6;
	[sflag:s22] =	ssyncadd.s32 $0xFFFFFF80  }
0x71: {  	s4 =	sshrl.u32 s8, $0x3;
	s1 =	sor.u32 $0x1C01, s30;
	[bflag:$0x0] =	sbarrier.arrive $0xFFFF  }
0x72: {  	[hbm:s7@s26], [sflag:s1] =	dma.strided [spmem:s4@s28], $0x50, s22, $0x10   }
0x73: {  	s29 =	sadd.s32 $0x1, s29;
	_ =	swait.ge [sflag:s22], $0x50  }
0x74: {  	p0 =	sne.s32 s29, s11;
	[sflag:s22] =	ssyncset.done $0x0  }
.Ltmp1:
0x75: {  	s31 =	sshrl.u32 s10, $0x3;
	[sflag:s22] =	ssyncadd.s32 $0xFFFFFFB0;
	(pc) =	sbr.rel @p0 .LBB2_1-.Ltmp1, $4  }
0x76: {  	[hbm:s9@s26], [sflag:s1] =	dma.strided [spmem:s31@s28], $0x50, s22, $0x10   }
0x77: {  	_ =	swait.ge [sflag:s22], $0x50  }
0x78: {  	[sflag:s22] =	ssyncset.done $0x0  }
0x79: {  	[sflag:s22] =	ssyncadd.s32 $0xFFFFFFB0  }
0x7a: {  	_ =	sfence.sel $0x180000  }
0x7b: {  	[bflag:$0x0] =	sbarrier.arrive $0xFFFF  }
0x7c: {  	_ =	strace $0x90000047  }
0x7d: {  	[bflag:$0x2] =	sbarrier.arrive $0xFFFF  }
0x7e: {  	p0 =	sne.s32 s0, $0x0;
	s0 =	rddreg [dreg:$0x4]  }
0x7f: {  	s0 =	sadd.s32 @!p0 $0x100000, s0  }
0x80: {  	[sflag:s0] =	ssyncadd.tile.s32 @!p0 $0x1;
	_ =	shalt  }
.Lfunc_end2:
_tile_overlayer_lowered:
.L_overlay_start_2:
0x81: {  	(tag) =	ssettag $0x2  }
0x82: {  	s0 =	rddreg [dreg:$0x0];
	s2 =	stileid.u32  }
0x83: {  	s1 =	rddreg [dreg:$0x1];
	p0 =	sne.s32 s2, $0x0  }
0x84: {  	s3 =	rddreg [dreg:$0x2];
	[bflag:$0x3] =	sbarrier.arrive $0xFFFF;
	s2 =	simm.s32 @!p0 $0x1C01  }
0x85: {  	[timem:s3], [sflag:s2] =	dma.local @!p0 [hbm:s0], s1  }
0x86: {  	s0 =	simm.s32 @!p0 $0x1  }
0x87: {  	_ =	swait.ge @!p0 [sflag:s0], s1  }
0x88: {  	s1 =	ssub.s32 @!p0 $0x0, s1;
	[sflag:s0] =	ssyncset.done @!p0 $0x0  }
0x89: {  	[sflag:s0] =	ssyncadd.s32 @!p0 s1  }
0x8a: {  	[bflag:$0x3] =	sbarrier.arrive $0xFFFF  }
0x8b: {  	_ =	shalt  }

</sc_bundles>
